<compile_context>
chip_gen: v7x
topology: tpu7x:2x2x1
jax: 0.10.2.dev20260603
libtpu: 0.0.44.dev20260713+nightly
codegen_flags: <defaults>
</compile_context>

<pallas_src>
import functools

import jax
import jax.numpy as jnp
import numpy as np
from jax import lax
from jax.experimental import pallas as pl
from jax.experimental.pallas import tpu as pltpu
from jax.experimental.pallas import tpu_sc as plsc

N_NODES = 10000
N_EDGES = 320000
IN_DIM = 128
HID_DIM = 64
OUT_DIM = 64

NC = 2
NS = 16
NW = NC * NS
EB = 128
N_ROWS = N_EDGES // EB
RPW_MAX = 79
RPW_LO = N_ROWS // NW
N_EXTRA = N_ROWS - NW * RPW_LO
N_PAD = 10240
ROWS_PER_TILE = N_PAD // NS
CNT_W = 16
P = 128
P_ROWS = 10240 // 2
PBLK = 512
CBLK = 128
NBUF = 4
MAIN_T = (RPW_LO // NBUF) * NBUF


def _sc_mesh():
    return plsc.VectorSubcoreMesh(
        core_axis_name="c", subcore_axis_name="s",
        num_cores=NC, num_subcores=NS)


def _sc_agg_body(want_counts, *refs):
    if want_counts:
        (table, edges, z64, z16, ones_hbm,
         agg_out, cnt_out,
         acc_sh, cnt_sh, eb, r0, r1, r2, r3, ones_v,
         g0, g1, g2, g3, s0, s1, s2, s3) = refs
    else:
        (table, edges, z64,
         agg_out,
         acc_sh, eb, r0, r1, r2, r3,
         g0, g1, g2, g3, s0, s1, s2, s3) = refs
    rows = [r0, r1, r2, r3]
    gsem = [g0, g1, g2, g3]
    ssem = [s0, s1, s2, s3]

    c = lax.axis_index("c")
    s = lax.axis_index("s")
    wid = c * NS + s
    rbase = wid * RPW_LO + jnp.minimum(wid, N_EXTRA)
    n_w = RPW_LO + (wid < N_EXTRA).astype(jnp.int32)

    pltpu.sync_copy(edges.at[pl.ds(rbase, RPW_LO)], eb.at[pl.ds(0, RPW_LO)])

    @pl.when(wid < N_EXTRA)
    def _():
        pltpu.sync_copy(edges.at[pl.ds(rbase + RPW_LO, 1)],
                        eb.at[pl.ds(RPW_LO, 1)])

    for b in range(NBUF):
        pltpu.async_copy(table.at[eb.at[b, 0]], rows[b], gsem[b])

    sl = pl.ds(s * ROWS_PER_TILE, ROWS_PER_TILE)
    pltpu.sync_copy(z64, acc_sh.at[sl])
    if want_counts:
        pltpu.sync_copy(z16, cnt_sh.at[sl])
        pltpu.sync_copy(ones_hbm, ones_v)
    plsc.subcore_barrier()

    def drain_scatter(t, b):
        pltpu.make_async_copy(rows[b], acc_sh.at[eb.at[t, 1]], ssem[b]).wait()
        if want_counts:
            pltpu.make_async_copy(ones_v, cnt_sh.at[eb.at[t, 1]],
                                  ssem[b]).wait()

    def issue_scatter(t, b):
        pltpu.async_copy(rows[b], acc_sh.at[eb.at[t, 1]], ssem[b], add=True)
        if want_counts:
            pltpu.async_copy(ones_v, cnt_sh.at[eb.at[t, 1]], ssem[b], add=True)

    def iter_body(i, carry):
        for b in range(NBUF):
            t = NBUF * i + b
            pb = (b - 1) % NBUF

            @pl.when(t >= 1)
            def _(t=t, pb=pb):
                drain_scatter(t - 1, pb)

                @pl.when(t + NBUF - 1 < n_w)
                def _():
                    pltpu.async_copy(table.at[eb.at[t + NBUF - 1, 0]],
                                     rows[pb], gsem[pb])

            pltpu.make_async_copy(table.at[eb.at[t, 0]], rows[b],
                                  gsem[b]).wait()
            issue_scatter(t, b)
        return carry

    lax.fori_loop(0, MAIN_T // NBUF, iter_body, 0)
    for b in range(NBUF):
        t = MAIN_T + b
        pb = (b - 1) % NBUF

        @pl.when(t - 1 < n_w)
        def _(t=t, pb=pb):
            drain_scatter(t - 1, pb)

        @pl.when(t < n_w)
        def _(t=t, b=b):
            pltpu.make_async_copy(table.at[eb.at[t, 0]], rows[b],
                                  gsem[b]).wait()
            issue_scatter(t, b)
    plsc.subcore_barrier()

    pltpu.sync_copy(acc_sh.at[sl], agg_out.at[c, sl])
    if want_counts:
        pltpu.sync_copy(cnt_sh.at[sl], cnt_out.at[c, sl])


def _make_sc_agg(want_counts):
    out_type = [jax.ShapeDtypeStruct((NC, N_PAD, HID_DIM), jnp.float32)]
    scratch = [
        pltpu.VMEM_SHARED((N_PAD, HID_DIM), jnp.float32),
    ]
    if want_counts:
        out_type.append(jax.ShapeDtypeStruct((NC, N_PAD, CNT_W), jnp.float32))
        scratch.append(pltpu.VMEM_SHARED((N_PAD, CNT_W), jnp.float32))
    scratch += [
        pltpu.VMEM((RPW_MAX, 2, EB), jnp.int32),
    ] + [pltpu.VMEM((EB, HID_DIM), jnp.float32)] * NBUF
    if want_counts:
        scratch.append(pltpu.VMEM((EB, CNT_W), jnp.float32))
    scratch += [pltpu.SemaphoreType.DMA] * (2 * NBUF)

    return pl.kernel(
        functools.partial(_sc_agg_body, want_counts),
        out_type=out_type,
        mesh=_sc_mesh(),
        scratch_types=scratch,
        compiler_params=pltpu.CompilerParams(use_tc_tiling_on_sc=False),
    )


def _blockdiag2(W):
    k, n = W.shape
    z = jnp.zeros((k, n), W.dtype)
    return jnp.concatenate([jnp.concatenate([W, z], axis=1),
                            jnp.concatenate([z, W], axis=1)], axis=0)


def _expand_consts():
    S = np.zeros((4, PBLK, CBLK), np.float32)
    B = np.zeros((4, CBLK, P), np.float32)
    r = np.arange(PBLK)
    for j in range(4):
        sel = r[r % 4 == j]
        S[j, sel, sel // 4] = 1.0
        B[j, 32 * j, 0:64] = 1.0
        B[j, 32 * j + 16, 64:128] = 1.0
    return jnp.asarray(S), jnp.asarray(B)


def _tc_pre(x, W2l, W2r):
    def body(x_ref, wl_ref, wr_ref, xl_ref, xr_ref):
        x2b = x_ref[...].reshape(PBLK, 2 * IN_DIM)
        xl_ref[...] = jnp.dot(x2b, wl_ref[...], preferred_element_type=jnp.float32)
        xr_ref[...] = jnp.dot(x2b, wr_ref[...], preferred_element_type=jnp.float32)

    grid = P_ROWS // PBLK
    return pl.pallas_call(
        body,
        grid=(grid,),
        in_specs=[
            pl.BlockSpec((2 * PBLK, IN_DIM), lambda i: (i, 0)),
            pl.BlockSpec((2 * IN_DIM, P), lambda i: (0, 0)),
            pl.BlockSpec((2 * IN_DIM, P), lambda i: (0, 0)),
        ],
        out_specs=[pl.BlockSpec((PBLK, P), lambda i: (i, 0))] * 2,
        out_shape=[jax.ShapeDtypeStruct((P_ROWS, P), jnp.float32)] * 2,
    )(x, W2l, W2r)


def _inv_packed(cnt_ref, s_ref, b_ref):
    cb = cnt_ref[0] + cnt_ref[1]
    minv = 1.0 / jnp.maximum(cb, 1.0)
    inv = jnp.zeros((PBLK, P), jnp.float32)
    for j in range(4):
        e = jnp.dot(s_ref[j], minv, preferred_element_type=jnp.float32)
        inv = inv + jnp.dot(e, b_ref[j], preferred_element_type=jnp.float32)
    return inv


def _tc_mid(aggp, cntp, xr, b1p, W2l2, W2r2, b2p, S, B):
    def body(aggp_ref, cnt_ref, xr_ref, b1_ref, wl_ref, wr_ref, b2_ref,
             s_ref, b_ref, hl_ref, hb_ref):
        inv = _inv_packed(cnt_ref, s_ref, b_ref)
        mean = (aggp_ref[0] + aggp_ref[1]) * inv
        h = jnp.maximum(mean + b1_ref[...] + xr_ref[...], 0.0)
        hl_ref[...] = jnp.dot(h, wl_ref[...], preferred_element_type=jnp.float32)
        hb_ref[...] = (jnp.dot(h, wr_ref[...], preferred_element_type=jnp.float32)
                       + b2_ref[...])

    grid = P_ROWS // PBLK
    return pl.pallas_call(
        body,
        grid=(grid,),
        in_specs=[
            pl.BlockSpec((NC, PBLK, P), lambda i: (0, i, 0)),
            pl.BlockSpec((NC, CBLK, P), lambda i: (0, i, 0)),
            pl.BlockSpec((PBLK, P), lambda i: (i, 0)),
            pl.BlockSpec((1, P), lambda i: (0, 0)),
            pl.BlockSpec((P, P), lambda i: (0, 0)),
            pl.BlockSpec((P, P), lambda i: (0, 0)),
            pl.BlockSpec((1, P), lambda i: (0, 0)),
            pl.BlockSpec((4, PBLK, CBLK), lambda i: (0, 0, 0)),
            pl.BlockSpec((4, CBLK, P), lambda i: (0, 0, 0)),
        ],
        out_specs=[pl.BlockSpec((PBLK, P), lambda i: (i, 0))] * 2,
        out_shape=[jax.ShapeDtypeStruct((P_ROWS, P), jnp.float32)] * 2,
    )(aggp, cntp, xr, b1p, W2l2, W2r2, b2p, S, B)


def _tc_fin(aggp2, cntp, hb, S, B):
    def body(aggp_ref, cnt_ref, hb_ref, s_ref, b_ref, out_ref):
        inv = _inv_packed(cnt_ref, s_ref, b_ref)
        out_ref[...] = (aggp_ref[0] + aggp_ref[1]) * inv + hb_ref[...]

    grid = P_ROWS // PBLK
    return pl.pallas_call(
        body,
        grid=(grid,),
        in_specs=[
            pl.BlockSpec((NC, PBLK, P), lambda i: (0, i, 0)),
            pl.BlockSpec((NC, CBLK, P), lambda i: (0, i, 0)),
            pl.BlockSpec((PBLK, P), lambda i: (i, 0)),
            pl.BlockSpec((4, PBLK, CBLK), lambda i: (0, 0, 0)),
            pl.BlockSpec((4, CBLK, P), lambda i: (0, 0, 0)),
        ],
        out_specs=pl.BlockSpec((PBLK, P), lambda i: (i, 0)),
        out_shape=jax.ShapeDtypeStruct((P_ROWS, P), jnp.float32),
    )(aggp2, cntp, hb, S, B)


def kernel(x, edge_index, Wl1, Wr1, b1, Wl2, Wr2, b2):
    ei = edge_index.astype(jnp.int32)
    ei3 = jnp.transpose(ei.reshape(2, N_ROWS, EB), (1, 0, 2))
    z64 = jnp.zeros((ROWS_PER_TILE, HID_DIM), jnp.float32)
    z16 = jnp.zeros((ROWS_PER_TILE, CNT_W), jnp.float32)
    ones = jnp.ones((EB, CNT_W), jnp.float32)

    W2l1 = _blockdiag2(Wl1)
    W2r1 = _blockdiag2(Wr1)
    W2l2 = _blockdiag2(Wl2)
    W2r2 = _blockdiag2(Wr2)
    b1p = jnp.concatenate([b1, b1]).reshape(1, P)
    b2p = jnp.concatenate([b2, b2]).reshape(1, P)
    S, B = _expand_consts()

    xl_p, xr_p = _tc_pre(x, W2l1, W2r1)
    aggp, cntp = _make_sc_agg(True)(xl_p.reshape(N_PAD, HID_DIM), ei3,
                                    z64, z16, ones)
    aggp_v = aggp.reshape(NC, P_ROWS, P)
    cntp_v = cntp.reshape(NC, N_PAD * CNT_W // P, P)
    hl_p, hb_p = _tc_mid(aggp_v, cntp_v, xr_p, b1p, W2l2, W2r2, b2p, S, B)
    (aggp2,) = _make_sc_agg(False)(hl_p.reshape(N_PAD, HID_DIM), ei3, z64)
    out_p = _tc_fin(aggp2.reshape(NC, P_ROWS, P), cntp_v, hb_p, S, B)
    return out_p[:N_NODES // 2].reshape(N_NODES, HID_DIM)

# --- scband reference (transcript-rebuilt; emitter-appended) ---
"""Pipeline reference for scband-graph-sageencoder-377957122578 (READ-ONLY COPY).

The authoritative reference and input builder live on the scoring server;
editing this copy changes nothing except your own understanding.
"""

import jax, jax.numpy as jnp
import numpy as np

N_NODES = 10000
N_EDGES = 320000
IN_DIM = 128
HID_DIM = 64
OUT_DIM = 64


def setup_inputs(seed: int = 0) -> dict:
    key = jax.random.key(seed)
    ks = jax.random.split(key, 9)
    x = jax.random.normal(ks[0], (N_NODES, IN_DIM), dtype=jnp.float32)
    edge_index = jax.random.randint(ks[1], (2, N_EDGES), 0, N_NODES, dtype=jnp.int64)
    # SAGEConv params (PyG semantics): lin_l (neighbor branch, with bias), lin_r (root branch, no bias)
    Wl1 = jax.random.normal(ks[2], (IN_DIM, HID_DIM), dtype=jnp.float32) * (1.0 / np.sqrt(IN_DIM))
    Wr1 = jax.random.normal(ks[3], (IN_DIM, HID_DIM), dtype=jnp.float32) * (1.0 / np.sqrt(IN_DIM))
    b1 = jnp.zeros((HID_DIM,), dtype=jnp.float32)
    Wl2 = jax.random.normal(ks[4], (HID_DIM, OUT_DIM), dtype=jnp.float32) * (1.0 / np.sqrt(HID_DIM))
    Wr2 = jax.random.normal(ks[5], (HID_DIM, OUT_DIM), dtype=jnp.float32) * (1.0 / np.sqrt(HID_DIM))
    b2 = jnp.zeros((OUT_DIM,), dtype=jnp.float32)
    return {"x": x, "edge_index": edge_index, "Wl1": Wl1, "Wr1": Wr1, "b1": b1, "Wl2": Wl2, "Wr2": Wr2, "b2": b2}


def _mean_aggregate(h, edge_index, n_nodes):
    src = edge_index[0]
    dst = edge_index[1]
    msgs = jnp.take(h, src, axis=0)
    sums = jax.ops.segment_sum(msgs, dst, num_segments=n_nodes)
    counts = jax.ops.segment_sum(jnp.ones((src.shape[0],), dtype=h.dtype), dst, num_segments=n_nodes)
    return sums / jnp.clip(counts, 1.0)[:, None]


def _sage_conv(h, edge_index, Wl, Wr, b, n_nodes):
    agg = _mean_aggregate(h, edge_index, n_nodes)
    return agg @ Wl + b + h @ Wr


def reference(x, edge_index, Wl1, Wr1, b1, Wl2, Wr2, b2):
    h = _sage_conv(x, edge_index, Wl1, Wr1, b1, N_NODES)
    h = jax.nn.relu(h)
    # dropout is identity in inference (training=False)
    out = _sage_conv(h, edge_index, Wl2, Wr2, b2, N_NODES)
    return out

if __name__ == "__main__":
    import jax
    _d = setup_inputs()
    print(jax.jit(kernel)(*tuple(_d.values())))

</pallas_src>

<mosaic_0001>
#map = affine_map<(d0, d1) -> (0, 0)>
#map1 = affine_map<(d0, d1) -> (0, 0, 0)>
module attributes {stable_mosaic.version = 14 : i64} {
  func.func @_sc_agg_body(%arg0: i32, %arg1: i32, %arg2: memref<10240x64xf32, #tpu.memory_space<hbm>>, %arg3: memref<2500x2x128xi32, #tpu.memory_space<hbm>>, %arg4: memref<640x64xf32, #tpu.memory_space<hbm>>, %arg5: memref<640x16xf32, #tpu.memory_space<hbm>>, %arg6: memref<128x16xf32, #tpu.memory_space<hbm>>, %arg7: memref<2x10240x64xf32, #tpu.memory_space<hbm>>, %arg8: memref<2x10240x16xf32, #tpu.memory_space<hbm>>, %arg9: memref<10240x64xf32, #tpu.memory_space<vmem_shared>>, %arg10: memref<10240x16xf32, #tpu.memory_space<vmem_shared>>, %arg11: memref<79x2x128xi32, #tpu.memory_space<vmem>>, %arg12: memref<128x64xf32, #tpu.memory_space<vmem>>, %arg13: memref<128x64xf32, #tpu.memory_space<vmem>>, %arg14: memref<128x64xf32, #tpu.memory_space<vmem>>, %arg15: memref<128x64xf32, #tpu.memory_space<vmem>>, %arg16: memref<128x16xf32, #tpu.memory_space<vmem>>, %arg17: memref<!tpu.dma_semaphore, #tpu.memory_space<semaphore_mem>>, %arg18: memref<!tpu.dma_semaphore, #tpu.memory_space<semaphore_mem>>, %arg19: memref<!tpu.dma_semaphore, #tpu.memory_space<semaphore_mem>>, %arg20: memref<!tpu.dma_semaphore, #tpu.memory_space<semaphore_mem>>, %arg21: memref<!tpu.dma_semaphore, #tpu.memory_space<semaphore_mem>>, %arg22: memref<!tpu.dma_semaphore, #tpu.memory_space<semaphore_mem>>, %arg23: memref<!tpu.dma_semaphore, #tpu.memory_space<semaphore_mem>>, %arg24: memref<!tpu.dma_semaphore, #tpu.memory_space<semaphore_mem>>) attributes {dimension_semantics = [#tpu.dimension_semantics<core_parallel>, #tpu.dimension_semantics<subcore_parallel>], iteration_bounds = array<i64: 2, 16>, scalar_prefetch = 0 : i64, scratch_operands = 16 : i64, tpu.core_type = #tpu.core_type<sc_vector_subcore>, window_params = [{transform_indices = #map}, {transform_indices = #map1}, {transform_indices = #map}, {transform_indices = #map}, {transform_indices = #map}, {transform_indices = #map1}, {transform_indices = #map1}]} {
    %mul3A = arith.constant 16 : i32
    %mul3A_0 = arith.muli %arg0, %mul3A : i32
    %add3A = arith.addi %mul3A_0, %arg1 : i32
    %mul3A_1 = arith.constant 78 : i32
    %mul3A_2 = arith.muli %add3A, %mul3A_1 : i32
    %min3A = arith.constant 4 : i32
    %min3A_3 = arith.minsi %add3A, %min3A : i32
    %add3A_4 = arith.addi %mul3A_2, %min3A_3 : i32
    %lt3A = arith.constant 4 : i32
    %lt3A_5 = arith.cmpi slt, %add3A, %lt3A : i32
    %convert_element_type3A = arith.extui %lt3A_5 : i1 to i32
    %add3A_6 = arith.constant 78 : i32
    %add3A_7 = arith.addi %add3A_6, %convert_element_type3A : i32
    "tpu.region"() ({
      %run_scoped3A = tpu.sem_alloc : memref<!tpu.dma_semaphore, #tpu.memory_space<semaphore_mem>>
      %dma_start3A_90 = arith.constant 0 : i32
      %dma_start3A_91 = arith.constant 0 : i32
      %dma_start3A_92 = arith.constant 0 : i32
      %dma_start3A_93 = tpu.memref_slice %arg11[%dma_start3A_90, %dma_start3A_91, %dma_start3A_92] : memref<79x2x128xi32, #tpu.memory_space<vmem>> -> memref<78x2x128xi32, #tpu.memory_space<vmem>>
      %dma_start3A_94 = arith.constant 0 : i32
      %dma_start3A_95 = arith.constant 0 : i32
      %dma_start3A_96 = tpu.memref_slice %arg3[%add3A_4, %dma_start3A_94, %dma_start3A_95] : memref<2500x2x128xi32, #tpu.memory_space<hbm>> -> memref<78x2x128xi32, #tpu.memory_space<hbm>>
      %dma_start3A_97 = arith.constant 0 : i32
      %dma_start3A_98 = arith.constant 0 : i32
      %dma_start3A_99 = arith.constant 0 : i32
      %dma_start3A_100 = tpu.memref_slice %arg11[%dma_start3A_97, %dma_start3A_98, %dma_start3A_99] : memref<79x2x128xi32, #tpu.memory_space<vmem>> -> memref<78x2x128xi32, #tpu.memory_space<vmem>>
      %dma_start3A_101 = arith.constant 0 : i32
      %dma_start3A_102 = arith.constant 0 : i32
      %dma_start3A_103 = tpu.memref_slice %arg3[%add3A_4, %dma_start3A_101, %dma_start3A_102] : memref<2500x2x128xi32, #tpu.memory_space<hbm>> -> memref<78x2x128xi32, #tpu.memory_space<hbm>>
      tpu.enqueue_dma source(%dma_start3A_103 : memref<78x2x128xi32, #tpu.memory_space<hbm>>) target(%dma_start3A_100 : memref<78x2x128xi32, #tpu.memory_space<vmem>>) target_semaphore(%run_scoped3A : memref<!tpu.dma_semaphore, #tpu.memory_space<semaphore_mem>>)
      %dma_wait3A = arith.constant 0 : i32
      %dma_wait3A_104 = arith.constant 0 : i32
      %dma_wait3A_105 = arith.constant 0 : i32
      %dma_wait3A_106 = tpu.memref_slice %arg11[%dma_wait3A, %dma_wait3A_104, %dma_wait3A_105] : memref<79x2x128xi32, #tpu.memory_space<vmem>> -> memref<78x2x128xi32, #tpu.memory_space<vmem>>
      %dma_wait3A_107 = arith.constant 0 : i32
      %dma_wait3A_108 = arith.constant 0 : i32
      %dma_wait3A_109 = tpu.memref_slice %arg3[%add3A_4, %dma_wait3A_107, %dma_wait3A_108] : memref<2500x2x128xi32, #tpu.memory_space<hbm>> -> memref<78x2x128xi32, #tpu.memory_space<hbm>>
      %dma_wait3A_110 = arith.constant 0 : i32
      %dma_wait3A_111 = arith.constant 0 : i32
      %dma_wait3A_112 = arith.constant 0 : i32
      %dma_wait3A_113 = tpu.memref_slice %arg11[%dma_wait3A_110, %dma_wait3A_111, %dma_wait3A_112] : memref<79x2x128xi32, #tpu.memory_space<vmem>> -> memref<78x2x128xi32, #tpu.memory_space<vmem>>
      %dma_wait3A_114 = arith.constant 0 : i32
      %dma_wait3A_115 = arith.constant 0 : i32
      %dma_wait3A_116 = tpu.memref_slice %arg3[%add3A_4, %dma_wait3A_114, %dma_wait3A_115] : memref<2500x2x128xi32, #tpu.memory_space<hbm>> -> memref<78x2x128xi32, #tpu.memory_space<hbm>>
      tpu.wait_dma2 semaphore(%run_scoped3A : memref<!tpu.dma_semaphore, #tpu.memory_space<semaphore_mem>>) src(%dma_wait3A_116 : memref<78x2x128xi32, #tpu.memory_space<hbm>>) dst(%dma_wait3A_113 : memref<78x2x128xi32, #tpu.memory_space<vmem>>)
      tpu.yield
    }) : () -> ()
    %lt3A_8 = arith.constant 4 : i32
    %lt3A_9 = arith.cmpi slt, %add3A, %lt3A_8 : i32
    %convert_element_type3A_10 = arith.extui %lt3A_9 : i1 to i32
    %cond3A = arith.constant 0 : i32
    %cond3A_11 = arith.cmpi ne, %convert_element_type3A_10, %cond3A : i32
    scf.if %cond3A_11 {
      %add3A_90 = arith.constant 78 : i32
      %add3A_91 = arith.addi %add3A_4, %add3A_90 : i32
      "tpu.region"() ({
        %run_scoped3A = tpu.sem_alloc : memref<!tpu.dma_semaphore, #tpu.memory_space<semaphore_mem>>
        %dma_start3A_92 = arith.constant 78 : i32
        %dma_start3A_93 = arith.constant 0 : i32
        %dma_start3A_94 = arith.constant 0 : i32
        %dma_start3A_95 = tpu.memref_slice %arg11[%dma_start3A_92, %dma_start3A_93, %dma_start3A_94] : memref<79x2x128xi32, #tpu.memory_space<vmem>> -> memref<1x2x128xi32, #tpu.memory_space<vmem>>
        %dma_start3A_96 = arith.constant 0 : i32
        %dma_start3A_97 = arith.constant 0 : i32
        %dma_start3A_98 = tpu.memref_slice %arg3[%add3A_91, %dma_start3A_96, %dma_start3A_97] : memref<2500x2x128xi32, #tpu.memory_space<hbm>> -> memref<1x2x128xi32, #tpu.memory_space<hbm>>
        %dma_start3A_99 = arith.constant 78 : i32
        %dma_start3A_100 = arith.constant 0 : i32
        %dma_start3A_101 = arith.constant 0 : i32
        %dma_start3A_102 = tpu.memref_slice %arg11[%dma_start3A_99, %dma_start3A_100, %dma_start3A_101] : memref<79x2x128xi32, #tpu.memory_space<vmem>> -> memref<1x2x128xi32, #tpu.memory_space<vmem>>
        %dma_start3A_103 = arith.constant 0 : i32
        %dma_start3A_104 = arith.constant 0 : i32
        %dma_start3A_105 = tpu.memref_slice %arg3[%add3A_91, %dma_start3A_103, %dma_start3A_104] : memref<2500x2x128xi32, #tpu.memory_space<hbm>> -> memref<1x2x128xi32, #tpu.memory_space<hbm>>
        tpu.enqueue_dma source(%dma_start3A_105 : memref<1x2x128xi32, #tpu.memory_space<hbm>>) target(%dma_start3A_102 : memref<1x2x128xi32, #tpu.memory_space<vmem>>) target_semaphore(%run_scoped3A : memref<!tpu.dma_semaphore, #tpu.memory_space<semaphore_mem>>)
        %dma_wait3A = arith.constant 78 : i32
        %dma_wait3A_106 = arith.constant 0 : i32
        %dma_wait3A_107 = arith.constant 0 : i32
        %dma_wait3A_108 = tpu.memref_slice %arg11[%dma_wait3A, %dma_wait3A_106, %dma_wait3A_107] : memref<79x2x128xi32, #tpu.memory_space<vmem>> -> memref<1x2x128xi32, #tpu.memory_space<vmem>>
        %dma_wait3A_109 = arith.constant 0 : i32
        %dma_wait3A_110 = arith.constant 0 : i32
        %dma_wait3A_111 = tpu.memref_slice %arg3[%add3A_91, %dma_wait3A_109, %dma_wait3A_110] : memref<2500x2x128xi32, #tpu.memory_space<hbm>> -> memref<1x2x128xi32, #tpu.memory_space<hbm>>
        %dma_wait3A_112 = arith.constant 78 : i32
        %dma_wait3A_113 = arith.constant 0 : i32
        %dma_wait3A_114 = arith.constant 0 : i32
        %dma_wait3A_115 = tpu.memref_slice %arg11[%dma_wait3A_112, %dma_wait3A_113, %dma_wait3A_114] : memref<79x2x128xi32, #tpu.memory_space<vmem>> -> memref<1x2x128xi32, #tpu.memory_space<vmem>>
        %dma_wait3A_116 = arith.constant 0 : i32
        %dma_wait3A_117 = arith.constant 0 : i32
        %dma_wait3A_118 = tpu.memref_slice %arg3[%add3A_91, %dma_wait3A_116, %dma_wait3A_117] : memref<2500x2x128xi32, #tpu.memory_space<hbm>> -> memref<1x2x128xi32, #tpu.memory_space<hbm>>
        tpu.wait_dma2 semaphore(%run_scoped3A : memref<!tpu.dma_semaphore, #tpu.memory_space<semaphore_mem>>) src(%dma_wait3A_118 : memref<1x2x128xi32, #tpu.memory_space<hbm>>) dst(%dma_wait3A_115 : memref<1x2x128xi32, #tpu.memory_space<vmem>>)
        tpu.yield
      }) : () -> ()
    } else {
    }
    %dma_start3A = arith.constant 0 : i32
    %dma_start3A_12 = arith.constant 0 : i32
    %dma_start3A_13 = arith.constant 0 : i32
    %dma_start3A_14 = tpu.memref_slice %arg11[%dma_start3A, %dma_start3A_12, %dma_start3A_13] : memref<79x2x128xi32, #tpu.memory_space<vmem>> -> memref<1x1x128xi32, #tpu.memory_space<vmem>>
    %dma_start3A_15 = tpu.memref_squeeze %dma_start3A_14 : memref<1x1x128xi32, #tpu.memory_space<vmem>> -> memref<128xi32, #tpu.memory_space<vmem>>
    %dma_start3A_16 = arith.constant 0 : i32
    %dma_start3A_17 = arith.constant 0 : i32
    %dma_start3A_18 = tpu.memref_slice %arg2[%dma_start3A_16, %dma_start3A_17] : memref<10240x64xf32, #tpu.memory_space<hbm>> -> memref<10240x64xf32, #tpu.memory_space<hbm>>
    tpu.enqueue_indirect_dma source(%dma_start3A_18 : memref<10240x64xf32, #tpu.memory_space<hbm>>) target(%arg12 : memref<128x64xf32, #tpu.memory_space<vmem>>) offsets(%dma_start3A_15 : memref<128xi32, #tpu.memory_space<vmem>>) semaphore(%arg17 : memref<!tpu.dma_semaphore, #tpu.memory_space<semaphore_mem>>)
    %dma_start3A_19 = arith.constant 1 : i32
    %dma_start3A_20 = arith.constant 0 : i32
    %dma_start3A_21 = arith.constant 0 : i32
    %dma_start3A_22 = tpu.memref_slice %arg11[%dma_start3A_19, %dma_start3A_20, %dma_start3A_21] : memref<79x2x128xi32, #tpu.memory_space<vmem>> -> memref<1x1x128xi32, #tpu.memory_space<vmem>>
    %dma_start3A_23 = tpu.memref_squeeze %dma_start3A_22 : memref<1x1x128xi32, #tpu.memory_space<vmem>> -> memref<128xi32, #tpu.memory_space<vmem>>
    %dma_start3A_24 = arith.constant 0 : i32
    %dma_start3A_25 = arith.constant 0 : i32
    %dma_start3A_26 = tpu.memref_slice %arg2[%dma_start3A_24, %dma_start3A_25] : memref<10240x64xf32, #tpu.memory_space<hbm>> -> memref<10240x64xf32, #tpu.memory_space<hbm>>
    tpu.enqueue_indirect_dma source(%dma_start3A_26 : memref<10240x64xf32, #tpu.memory_space<hbm>>) target(%arg13 : memref<128x64xf32, #tpu.memory_space<vmem>>) offsets(%dma_start3A_23 : memref<128xi32, #tpu.memory_space<vmem>>) semaphore(%arg18 : memref<!tpu.dma_semaphore, #tpu.memory_space<semaphore_mem>>)
    %dma_start3A_27 = arith.constant 2 : i32
    %dma_start3A_28 = arith.constant 0 : i32
    %dma_start3A_29 = arith.constant 0 : i32
    %dma_start3A_30 = tpu.memref_slice %arg11[%dma_start3A_27, %dma_start3A_28, %dma_start3A_29] : memref<79x2x128xi32, #tpu.memory_space<vmem>> -> memref<1x1x128xi32, #tpu.memory_space<vmem>>
    %dma_start3A_31 = tpu.memref_squeeze %dma_start3A_30 : memref<1x1x128xi32, #tpu.memory_space<vmem>> -> memref<128xi32, #tpu.memory_space<vmem>>
    %dma_start3A_32 = arith.constant 0 : i32
    %dma_start3A_33 = arith.constant 0 : i32
    %dma_start3A_34 = tpu.memref_slice %arg2[%dma_start3A_32, %dma_start3A_33] : memref<10240x64xf32, #tpu.memory_space<hbm>> -> memref<10240x64xf32, #tpu.memory_space<hbm>>
    tpu.enqueue_indirect_dma source(%dma_start3A_34 : memref<10240x64xf32, #tpu.memory_space<hbm>>) target(%arg14 : memref<128x64xf32, #tpu.memory_space<vmem>>) offsets(%dma_start3A_31 : memref<128xi32, #tpu.memory_space<vmem>>) semaphore(%arg19 : memref<!tpu.dma_semaphore, #tpu.memory_space<semaphore_mem>>)
    %dma_start3A_35 = arith.constant 3 : i32
    %dma_start3A_36 = arith.constant 0 : i32
    %dma_start3A_37 = arith.constant 0 : i32
    %dma_start3A_38 = tpu.memref_slice %arg11[%dma_start3A_35, %dma_start3A_36, %dma_start3A_37] : memref<79x2x128xi32, #tpu.memory_space<vmem>> -> memref<1x1x128xi32, #tpu.memory_space<vmem>>
    %dma_start3A_39 = tpu.memref_squeeze %dma_start3A_38 : memref<1x1x128xi32, #tpu.memory_space<vmem>> -> memref<128xi32, #tpu.memory_space<vmem>>
    %dma_start3A_40 = arith.constant 0 : i32
    %dma_start3A_41 = arith.constant 0 : i32
    %dma_start3A_42 = tpu.memref_slice %arg2[%dma_start3A_40, %dma_start3A_41] : memref<10240x64xf32, #tpu.memory_space<hbm>> -> memref<10240x64xf32, #tpu.memory_space<hbm>>
    tpu.enqueue_indirect_dma source(%dma_start3A_42 : memref<10240x64xf32, #tpu.memory_space<hbm>>) target(%arg15 : memref<128x64xf32, #tpu.memory_space<vmem>>) offsets(%dma_start3A_39 : memref<128xi32, #tpu.memory_space<vmem>>) semaphore(%arg20 : memref<!tpu.dma_semaphore, #tpu.memory_space<semaphore_mem>>)
    %mul3A_43 = arith.constant 640 : i32
    %mul3A_44 = arith.muli %arg1, %mul3A_43 : i32
    "tpu.region"() ({
      %run_scoped3A = tpu.sem_alloc : memref<!tpu.dma_semaphore, #tpu.memory_space<semaphore_mem>>
      %dma_start3A_90 = arith.constant 0 : i32
      %dma_start3A_91 = tpu.memref_slice %arg9[%mul3A_44, %dma_start3A_90] : memref<10240x64xf32, #tpu.memory_space<vmem_shared>> -> memref<640x64xf32, #tpu.memory_space<vmem_shared>>
      tpu.enqueue_dma source(%arg4 : memref<640x64xf32, #tpu.memory_space<hbm>>) target(%dma_start3A_91 : memref<640x64xf32, #tpu.memory_space<vmem_shared>>) target_semaphore(%run_scoped3A : memref<!tpu.dma_semaphore, #tpu.memory_space<semaphore_mem>>)
      %dma_wait3A = arith.constant 0 : i32
      %dma_wait3A_92 = tpu.memref_slice %arg9[%mul3A_44, %dma_wait3A] : memref<10240x64xf32, #tpu.memory_space<vmem_shared>> -> memref<640x64xf32, #tpu.memory_space<vmem_shared>>
      tpu.wait_dma2 semaphore(%run_scoped3A : memref<!tpu.dma_semaphore, #tpu.memory_space<semaphore_mem>>) src(%arg4 : memref<640x64xf32, #tpu.memory_space<hbm>>) dst(%dma_wait3A_92 : memref<640x64xf32, #tpu.memory_space<vmem_shared>>)
      tpu.yield
    }) : () -> ()
    "tpu.region"() ({
      %run_scoped3A = tpu.sem_alloc : memref<!tpu.dma_semaphore, #tpu.memory_space<semaphore_mem>>
      %dma_start3A_90 = arith.constant 0 : i32
      %dma_start3A_91 = tpu.memref_slice %arg10[%mul3A_44, %dma_start3A_90] : memref<10240x16xf32, #tpu.memory_space<vmem_shared>> -> memref<640x16xf32, #tpu.memory_space<vmem_shared>>
      tpu.enqueue_dma source(%arg5 : memref<640x16xf32, #tpu.memory_space<hbm>>) target(%dma_start3A_91 : memref<640x16xf32, #tpu.memory_space<vmem_shared>>) target_semaphore(%run_scoped3A : memref<!tpu.dma_semaphore, #tpu.memory_space<semaphore_mem>>)
      %dma_wait3A = arith.constant 0 : i32
      %dma_wait3A_92 = tpu.memref_slice %arg10[%mul3A_44, %dma_wait3A] : memref<10240x16xf32, #tpu.memory_space<vmem_shared>> -> memref<640x16xf32, #tpu.memory_space<vmem_shared>>
      tpu.wait_dma2 semaphore(%run_scoped3A : memref<!tpu.dma_semaphore, #tpu.memory_space<semaphore_mem>>) src(%arg5 : memref<640x16xf32, #tpu.memory_space<hbm>>) dst(%dma_wait3A_92 : memref<640x16xf32, #tpu.memory_space<vmem_shared>>)
      tpu.yield
    }) : () -> ()
    "tpu.region"() ({
      %run_scoped3A = tpu.sem_alloc : memref<!tpu.dma_semaphore, #tpu.memory_space<semaphore_mem>>
      tpu.enqueue_dma source(%arg6 : memref<128x16xf32, #tpu.memory_space<hbm>>) target(%arg16 : memref<128x16xf32, #tpu.memory_space<vmem>>) target_semaphore(%run_scoped3A : memref<!tpu.dma_semaphore, #tpu.memory_space<semaphore_mem>>)
      tpu.wait_dma2 semaphore(%run_scoped3A : memref<!tpu.dma_semaphore, #tpu.memory_space<semaphore_mem>>) src(%arg6 : memref<128x16xf32, #tpu.memory_space<hbm>>) dst(%arg16 : memref<128x16xf32, #tpu.memory_space<vmem>>)
      tpu.yield
    }) : () -> ()
    %barrier3A = arith.constant 0 : index
    tpu.barrier barrier_id(%barrier3A)
    %scan3A = arith.constant 0 : i32
    %scan3A_45 = arith.constant 0 : i32
    %scan3A_46 = arith.constant 19 : i32
    %scan3A_47 = arith.addi %scan3A_45, %scan3A_46 : i32
    %scan3A_48 = arith.constant 1 : i32
    scf.for %scan3A_90 = %scan3A_45 to %scan3A_47 step %scan3A_48  : i32 {
      %mul3A_91 = arith.constant 4 : i32
      %mul3A_92 = arith.muli %mul3A_91, %scan3A_90 : i32
      %add3A_93 = arith.constant 0 : i32
      %add3A_94 = arith.addi %mul3A_92, %add3A_93 : i32
      %ge3A = arith.constant 1 : i32
      %ge3A_95 = arith.cmpi sge, %add3A_94, %ge3A : i32
      %convert_element_type3A_96 = arith.extui %ge3A_95 : i1 to i32
      %cond3A_97 = arith.constant 0 : i32
      %cond3A_98 = arith.cmpi ne, %convert_element_type3A_96, %cond3A_97 : i32
      scf.if %cond3A_98 {
        %sub3A = arith.constant 1 : i32
        %sub3A_209 = arith.subi %add3A_94, %sub3A : i32
        %dma_wait3A_210 = arith.constant 1 : i32
        %dma_wait3A_211 = arith.constant 0 : i32
        %dma_wait3A_212 = tpu.memref_slice %arg11[%sub3A_209, %dma_wait3A_210, %dma_wait3A_211] : memref<79x2x128xi32, #tpu.memory_space<vmem>> -> memref<1x1x128xi32, #tpu.memory_space<vmem>>
        %dma_wait3A_213 = tpu.memref_squeeze %dma_wait3A_212 : memref<1x1x128xi32, #tpu.memory_space<vmem>> -> memref<128xi32, #tpu.memory_space<vmem>>
        %dma_wait3A_214 = arith.constant 0 : i32
        %dma_wait3A_215 = arith.constant 0 : i32
        %dma_wait3A_216 = tpu.memref_slice %arg9[%dma_wait3A_214, %dma_wait3A_215] : memref<10240x64xf32, #tpu.memory_space<vmem_shared>> -> memref<10240x64xf32, #tpu.memory_space<vmem_shared>>
        tpu.wait_indirect_dma semaphore(%arg24 : memref<!tpu.dma_semaphore, #tpu.memory_space<semaphore_mem>>) src(%arg15 : memref<128x64xf32, #tpu.memory_space<vmem>>) dst(%dma_wait3A_216 : memref<10240x64xf32, #tpu.memory_space<vmem_shared>>)
        %dma_wait3A_217 = arith.constant 1 : i32
        %dma_wait3A_218 = arith.constant 0 : i32
        %dma_wait3A_219 = tpu.memref_slice %arg11[%sub3A_209, %dma_wait3A_217, %dma_wait3A_218] : memref<79x2x128xi32, #tpu.memory_space<vmem>> -> memref<1x1x128xi32, #tpu.memory_space<vmem>>
        %dma_wait3A_220 = tpu.memref_squeeze %dma_wait3A_219 : memref<1x1x128xi32, #tpu.memory_space<vmem>> -> memref<128xi32, #tpu.memory_space<vmem>>
        %dma_wait3A_221 = arith.constant 0 : i32
        %dma_wait3A_222 = arith.constant 0 : i32
        %dma_wait3A_223 = tpu.memref_slice %arg10[%dma_wait3A_221, %dma_wait3A_222] : memref<10240x16xf32, #tpu.memory_space<vmem_shared>> -> memref<10240x16xf32, #tpu.memory_space<vmem_shared>>
        tpu.wait_indirect_dma semaphore(%arg24 : memref<!tpu.dma_semaphore, #tpu.memory_space<semaphore_mem>>) src(%arg16 : memref<128x16xf32, #tpu.memory_space<vmem>>) dst(%dma_wait3A_223 : memref<10240x16xf32, #tpu.memory_space<vmem_shared>>)
        %add3A_224 = arith.constant 4 : i32
        %add3A_225 = arith.addi %add3A_94, %add3A_224 : i32
        %sub3A_226 = arith.constant 1 : i32
        %sub3A_227 = arith.subi %add3A_225, %sub3A_226 : i32
        %lt3A_228 = arith.cmpi slt, %sub3A_227, %add3A_7 : i32
        %convert_element_type3A_229 = arith.extui %lt3A_228 : i1 to i32
        %cond3A_230 = arith.constant 0 : i32
        %cond3A_231 = arith.cmpi ne, %convert_element_type3A_229, %cond3A_230 : i32
        scf.if %cond3A_231 {
          %add3A_232 = arith.constant 4 : i32
          %add3A_233 = arith.addi %add3A_94, %add3A_232 : i32
          %sub3A_234 = arith.constant 1 : i32
          %sub3A_235 = arith.subi %add3A_233, %sub3A_234 : i32
          %dma_start3A_236 = arith.constant 0 : i32
          %dma_start3A_237 = arith.constant 0 : i32
          %dma_start3A_238 = tpu.memref_slice %arg11[%sub3A_235, %dma_start3A_236, %dma_start3A_237] : memref<79x2x128xi32, #tpu.memory_space<vmem>> -> memref<1x1x128xi32, #tpu.memory_space<vmem>>
          %dma_start3A_239 = tpu.memref_squeeze %dma_start3A_238 : memref<1x1x128xi32, #tpu.memory_space<vmem>> -> memref<128xi32, #tpu.memory_space<vmem>>
          %dma_start3A_240 = arith.constant 0 : i32
          %dma_start3A_241 = arith.constant 0 : i32
          %dma_start3A_242 = tpu.memref_slice %arg2[%dma_start3A_240, %dma_start3A_241] : memref<10240x64xf32, #tpu.memory_space<hbm>> -> memref<10240x64xf32, #tpu.memory_space<hbm>>
          tpu.enqueue_indirect_dma source(%dma_start3A_242 : memref<10240x64xf32, #tpu.memory_space<hbm>>) target(%arg15 : memref<128x64xf32, #tpu.memory_space<vmem>>) offsets(%dma_start3A_239 : memref<128xi32, #tpu.memory_space<vmem>>) semaphore(%arg20 : memref<!tpu.dma_semaphore, #tpu.memory_space<semaphore_mem>>)
        } else {
        }
      } else {
      }
      %dma_wait3A = arith.constant 0 : i32
      %dma_wait3A_99 = arith.constant 0 : i32
      %dma_wait3A_100 = tpu.memref_slice %arg11[%add3A_94, %dma_wait3A, %dma_wait3A_99] : memref<79x2x128xi32, #tpu.memory_space<vmem>> -> memref<1x1x128xi32, #tpu.memory_space<vmem>>
      %dma_wait3A_101 = tpu.memref_squeeze %dma_wait3A_100 : memref<1x1x128xi32, #tpu.memory_space<vmem>> -> memref<128xi32, #tpu.memory_space<vmem>>
      %dma_wait3A_102 = arith.constant 0 : i32
      %dma_wait3A_103 = arith.constant 0 : i32
      %dma_wait3A_104 = tpu.memref_slice %arg2[%dma_wait3A_102, %dma_wait3A_103] : memref<10240x64xf32, #tpu.memory_space<hbm>> -> memref<10240x64xf32, #tpu.memory_space<hbm>>
      tpu.wait_indirect_dma semaphore(%arg17 : memref<!tpu.dma_semaphore, #tpu.memory_space<semaphore_mem>>) src(%dma_wait3A_104 : memref<10240x64xf32, #tpu.memory_space<hbm>>) dst(%arg12 : memref<128x64xf32, #tpu.memory_space<vmem>>)
      %dma_start3A_105 = arith.constant 1 : i32
      %dma_start3A_106 = arith.constant 0 : i32
      %dma_start3A_107 = tpu.memref_slice %arg11[%add3A_94, %dma_start3A_105, %dma_start3A_106] : memref<79x2x128xi32, #tpu.memory_space<vmem>> -> memref<1x1x128xi32, #tpu.memory_space<vmem>>
      %dma_start3A_108 = tpu.memref_squeeze %dma_start3A_107 : memref<1x1x128xi32, #tpu.memory_space<vmem>> -> memref<128xi32, #tpu.memory_space<vmem>>
      %dma_start3A_109 = arith.constant 0 : i32
      %dma_start3A_110 = arith.constant 0 : i32
      %dma_start3A_111 = tpu.memref_slice %arg9[%dma_start3A_109, %dma_start3A_110] : memref<10240x64xf32, #tpu.memory_space<vmem_shared>> -> memref<10240x64xf32, #tpu.memory_space<vmem_shared>>
      tpu.enqueue_indirect_dma source(%arg12 : memref<128x64xf32, #tpu.memory_space<vmem>>) target(%dma_start3A_111 : memref<10240x64xf32, #tpu.memory_space<vmem_shared>>) offsets(%dma_start3A_108 : memref<128xi32, #tpu.memory_space<vmem>>) semaphore(%arg21 : memref<!tpu.dma_semaphore, #tpu.memory_space<semaphore_mem>>) {add = true}
      %dma_start3A_112 = arith.constant 1 : i32
      %dma_start3A_113 = arith.constant 0 : i32
      %dma_start3A_114 = tpu.memref_slice %arg11[%add3A_94, %dma_start3A_112, %dma_start3A_113] : memref<79x2x128xi32, #tpu.memory_space<vmem>> -> memref<1x1x128xi32, #tpu.memory_space<vmem>>
      %dma_start3A_115 = tpu.memref_squeeze %dma_start3A_114 : memref<1x1x128xi32, #tpu.memory_space<vmem>> -> memref<128xi32, #tpu.memory_space<vmem>>
      %dma_start3A_116 = arith.constant 0 : i32
      %dma_start3A_117 = arith.constant 0 : i32
      %dma_start3A_118 = tpu.memref_slice %arg10[%dma_start3A_116, %dma_start3A_117] : memref<10240x16xf32, #tpu.memory_space<vmem_shared>> -> memref<10240x16xf32, #tpu.memory_space<vmem_shared>>
      tpu.enqueue_indirect_dma source(%arg16 : memref<128x16xf32, #tpu.memory_space<vmem>>) target(%dma_start3A_118 : memref<10240x16xf32, #tpu.memory_space<vmem_shared>>) offsets(%dma_start3A_115 : memref<128xi32, #tpu.memory_space<vmem>>) semaphore(%arg21 : memref<!tpu.dma_semaphore, #tpu.memory_space<semaphore_mem>>) {add = true}
      %mul3A_119 = arith.constant 4 : i32
      %mul3A_120 = arith.muli %mul3A_119, %scan3A_90 : i32
      %add3A_121 = arith.constant 1 : i32
      %add3A_122 = arith.addi %mul3A_120, %add3A_121 : i32
      %ge3A_123 = arith.constant 1 : i32
      %ge3A_124 = arith.cmpi sge, %add3A_122, %ge3A_123 : i32
      %convert_element_type3A_125 = arith.extui %ge3A_124 : i1 to i32
      %cond3A_126 = arith.constant 0 : i32
      %cond3A_127 = arith.cmpi ne, %convert_element_type3A_125, %cond3A_126 : i32
      scf.if %cond3A_127 {
        %sub3A = arith.constant 1 : i32
        %sub3A_209 = arith.subi %add3A_122, %sub3A : i32
        %dma_wait3A_210 = arith.constant 1 : i32
        %dma_wait3A_211 = arith.constant 0 : i32
        %dma_wait3A_212 = tpu.memref_slice %arg11[%sub3A_209, %dma_wait3A_210, %dma_wait3A_211] : memref<79x2x128xi32, #tpu.memory_space<vmem>> -> memref<1x1x128xi32, #tpu.memory_space<vmem>>
        %dma_wait3A_213 = tpu.memref_squeeze %dma_wait3A_212 : memref<1x1x128xi32, #tpu.memory_space<vmem>> -> memref<128xi32, #tpu.memory_space<vmem>>
        %dma_wait3A_214 = arith.constant 0 : i32
        %dma_wait3A_215 = arith.constant 0 : i32
        %dma_wait3A_216 = tpu.memref_slice %arg9[%dma_wait3A_214, %dma_wait3A_215] : memref<10240x64xf32, #tpu.memory_space<vmem_shared>> -> memref<10240x64xf32, #tpu.memory_space<vmem_shared>>
        tpu.wait_indirect_dma semaphore(%arg21 : memref<!tpu.dma_semaphore, #tpu.memory_space<semaphore_mem>>) src(%arg12 : memref<128x64xf32, #tpu.memory_space<vmem>>) dst(%dma_wait3A_216 : memref<10240x64xf32, #tpu.memory_space<vmem_shared>>)
        %dma_wait3A_217 = arith.constant 1 : i32
        %dma_wait3A_218 = arith.constant 0 : i32
        %dma_wait3A_219 = tpu.memref_slice %arg11[%sub3A_209, %dma_wait3A_217, %dma_wait3A_218] : memref<79x2x128xi32, #tpu.memory_space<vmem>> -> memref<1x1x128xi32, #tpu.memory_space<vmem>>
        %dma_wait3A_220 = tpu.memref_squeeze %dma_wait3A_219 : memref<1x1x128xi32, #tpu.memory_space<vmem>> -> memref<128xi32, #tpu.memory_space<vmem>>
        %dma_wait3A_221 = arith.constant 0 : i32
        %dma_wait3A_222 = arith.constant 0 : i32
        %dma_wait3A_223 = tpu.memref_slice %arg10[%dma_wait3A_221, %dma_wait3A_222] : memref<10240x16xf32, #tpu.memory_space<vmem_shared>> -> memref<10240x16xf32, #tpu.memory_space<vmem_shared>>
        tpu.wait_indirect_dma semaphore(%arg21 : memref<!tpu.dma_semaphore, #tpu.memory_space<semaphore_mem>>) src(%arg16 : memref<128x16xf32, #tpu.memory_space<vmem>>) dst(%dma_wait3A_223 : memref<10240x16xf32, #tpu.memory_space<vmem_shared>>)
        %add3A_224 = arith.constant 4 : i32
        %add3A_225 = arith.addi %add3A_122, %add3A_224 : i32
        %sub3A_226 = arith.constant 1 : i32
        %sub3A_227 = arith.subi %add3A_225, %sub3A_226 : i32
        %lt3A_228 = arith.cmpi slt, %sub3A_227, %add3A_7 : i32
        %convert_element_type3A_229 = arith.extui %lt3A_228 : i1 to i32
        %cond3A_230 = arith.constant 0 : i32
        %cond3A_231 = arith.cmpi ne, %convert_element_type3A_229, %cond3A_230 : i32
        scf.if %cond3A_231 {
          %add3A_232 = arith.constant 4 : i32
          %add3A_233 = arith.addi %add3A_122, %add3A_232 : i32
          %sub3A_234 = arith.constant 1 : i32
          %sub3A_235 = arith.subi %add3A_233, %sub3A_234 : i32
          %dma_start3A_236 = arith.constant 0 : i32
          %dma_start3A_237 = arith.constant 0 : i32
          %dma_start3A_238 = tpu.memref_slice %arg11[%sub3A_235, %dma_start3A_236, %dma_start3A_237] : memref<79x2x128xi32, #tpu.memory_space<vmem>> -> memref<1x1x128xi32, #tpu.memory_space<vmem>>
          %dma_start3A_239 = tpu.memref_squeeze %dma_start3A_238 : memref<1x1x128xi32, #tpu.memory_space<vmem>> -> memref<128xi32, #tpu.memory_space<vmem>>
          %dma_start3A_240 = arith.constant 0 : i32
          %dma_start3A_241 = arith.constant 0 : i32
          %dma_start3A_242 = tpu.memref_slice %arg2[%dma_start3A_240, %dma_start3A_241] : memref<10240x64xf32, #tpu.memory_space<hbm>> -> memref<10240x64xf32, #tpu.memory_space<hbm>>
          tpu.enqueue_indirect_dma source(%dma_start3A_242 : memref<10240x64xf32, #tpu.memory_space<hbm>>) target(%arg12 : memref<128x64xf32, #tpu.memory_space<vmem>>) offsets(%dma_start3A_239 : memref<128xi32, #tpu.memory_space<vmem>>) semaphore(%arg17 : memref<!tpu.dma_semaphore, #tpu.memory_space<semaphore_mem>>)
        } else {
        }
      } else {
      }
      %dma_wait3A_128 = arith.constant 0 : i32
      %dma_wait3A_129 = arith.constant 0 : i32
      %dma_wait3A_130 = tpu.memref_slice %arg11[%add3A_122, %dma_wait3A_128, %dma_wait3A_129] : memref<79x2x128xi32, #tpu.memory_space<vmem>> -> memref<1x1x128xi32, #tpu.memory_space<vmem>>
      %dma_wait3A_131 = tpu.memref_squeeze %dma_wait3A_130 : memref<1x1x128xi32, #tpu.memory_space<vmem>> -> memref<128xi32, #tpu.memory_space<vmem>>
      %dma_wait3A_132 = arith.constant 0 : i32
      %dma_wait3A_133 = arith.constant 0 : i32
      %dma_wait3A_134 = tpu.memref_slice %arg2[%dma_wait3A_132, %dma_wait3A_133] : memref<10240x64xf32, #tpu.memory_space<hbm>> -> memref<10240x64xf32, #tpu.memory_space<hbm>>
      tpu.wait_indirect_dma semaphore(%arg18 : memref<!tpu.dma_semaphore, #tpu.memory_space<semaphore_mem>>) src(%dma_wait3A_134 : memref<10240x64xf32, #tpu.memory_space<hbm>>) dst(%arg13 : memref<128x64xf32, #tpu.memory_space<vmem>>)
      %dma_start3A_135 = arith.constant 1 : i32
      %dma_start3A_136 = arith.constant 0 : i32
      %dma_start3A_137 = tpu.memref_slice %arg11[%add3A_122, %dma_start3A_135, %dma_start3A_136] : memref<79x2x128xi32, #tpu.memory_space<vmem>> -> memref<1x1x128xi32, #tpu.memory_space<vmem>>
      %dma_start3A_138 = tpu.memref_squeeze %dma_start3A_137 : memref<1x1x128xi32, #tpu.memory_space<vmem>> -> memref<128xi32, #tpu.memory_space<vmem>>
      %dma_start3A_139 = arith.constant 0 : i32
      %dma_start3A_140 = arith.constant 0 : i32
      %dma_start3A_141 = tpu.memref_slice %arg9[%dma_start3A_139, %dma_start3A_140] : memref<10240x64xf32, #tpu.memory_space<vmem_shared>> -> memref<10240x64xf32, #tpu.memory_space<vmem_shared>>
      tpu.enqueue_indirect_dma source(%arg13 : memref<128x64xf32, #tpu.memory_space<vmem>>) target(%dma_start3A_141 : memref<10240x64xf32, #tpu.memory_space<vmem_shared>>) offsets(%dma_start3A_138 : memref<128xi32, #tpu.memory_space<vmem>>) semaphore(%arg22 : memref<!tpu.dma_semaphore, #tpu.memory_space<semaphore_mem>>) {add = true}
      %dma_start3A_142 = arith.constant 1 : i32
      %dma_start3A_143 = arith.constant 0 : i32
      %dma_start3A_144 = tpu.memref_slice %arg11[%add3A_122, %dma_start3A_142, %dma_start3A_143] : memref<79x2x128xi32, #tpu.memory_space<vmem>> -> memref<1x1x128xi32, #tpu.memory_space<vmem>>
      %dma_start3A_145 = tpu.memref_squeeze %dma_start3A_144 : memref<1x1x128xi32, #tpu.memory_space<vmem>> -> memref<128xi32, #tpu.memory_space<vmem>>
      %dma_start3A_146 = arith.constant 0 : i32
      %dma_start3A_147 = arith.constant 0 : i32
      %dma_start3A_148 = tpu.memref_slice %arg10[%dma_start3A_146, %dma_start3A_147] : memref<10240x16xf32, #tpu.memory_space<vmem_shared>> -> memref<10240x16xf32, #tpu.memory_space<vmem_shared>>
      tpu.enqueue_indirect_dma source(%arg16 : memref<128x16xf32, #tpu.memory_space<vmem>>) target(%dma_start3A_148 : memref<10240x16xf32, #tpu.memory_space<vmem_shared>>) offsets(%dma_start3A_145 : memref<128xi32, #tpu.memory_space<vmem>>) semaphore(%arg22 : memref<!tpu.dma_semaphore, #tpu.memory_space<semaphore_mem>>) {add = true}
      %mul3A_149 = arith.constant 4 : i32
      %mul3A_150 = arith.muli %mul3A_149, %scan3A_90 : i32
      %add3A_151 = arith.constant 2 : i32
      %add3A_152 = arith.addi %mul3A_150, %add3A_151 : i32
      %ge3A_153 = arith.constant 1 : i32
      %ge3A_154 = arith.cmpi sge, %add3A_152, %ge3A_153 : i32
      %convert_element_type3A_155 = arith.extui %ge3A_154 : i1 to i32
      %cond3A_156 = arith.constant 0 : i32
      %cond3A_157 = arith.cmpi ne, %convert_element_type3A_155, %cond3A_156 : i32
      scf.if %cond3A_157 {
        %sub3A = arith.constant 1 : i32
        %sub3A_209 = arith.subi %add3A_152, %sub3A : i32
        %dma_wait3A_210 = arith.constant 1 : i32
        %dma_wait3A_211 = arith.constant 0 : i32
        %dma_wait3A_212 = tpu.memref_slice %arg11[%sub3A_209, %dma_wait3A_210, %dma_wait3A_211] : memref<79x2x128xi32, #tpu.memory_space<vmem>> -> memref<1x1x128xi32, #tpu.memory_space<vmem>>
        %dma_wait3A_213 = tpu.memref_squeeze %dma_wait3A_212 : memref<1x1x128xi32, #tpu.memory_space<vmem>> -> memref<128xi32, #tpu.memory_space<vmem>>
        %dma_wait3A_214 = arith.constant 0 : i32
        %dma_wait3A_215 = arith.constant 0 : i32
        %dma_wait3A_216 = tpu.memref_slice %arg9[%dma_wait3A_214, %dma_wait3A_215] : memref<10240x64xf32, #tpu.memory_space<vmem_shared>> -> memref<10240x64xf32, #tpu.memory_space<vmem_shared>>
        tpu.wait_indirect_dma semaphore(%arg22 : memref<!tpu.dma_semaphore, #tpu.memory_space<semaphore_mem>>) src(%arg13 : memref<128x64xf32, #tpu.memory_space<vmem>>) dst(%dma_wait3A_216 : memref<10240x64xf32, #tpu.memory_space<vmem_shared>>)
        %dma_wait3A_217 = arith.constant 1 : i32
        %dma_wait3A_218 = arith.constant 0 : i32
        %dma_wait3A_219 = tpu.memref_slice %arg11[%sub3A_209, %dma_wait3A_217, %dma_wait3A_218] : memref<79x2x128xi32, #tpu.memory_space<vmem>> -> memref<1x1x128xi32, #tpu.memory_space<vmem>>
        %dma_wait3A_220 = tpu.memref_squeeze %dma_wait3A_219 : memref<1x1x128xi32, #tpu.memory_space<vmem>> -> memref<128xi32, #tpu.memory_space<vmem>>
        %dma_wait3A_221 = arith.constant 0 : i32
        %dma_wait3A_222 = arith.constant 0 : i32
        %dma_wait3A_223 = tpu.memref_slice %arg10[%dma_wait3A_221, %dma_wait3A_222] : memref<10240x16xf32, #tpu.memory_space<vmem_shared>> -> memref<10240x16xf32, #tpu.memory_space<vmem_shared>>
        tpu.wait_indirect_dma semaphore(%arg22 : memref<!tpu.dma_semaphore, #tpu.memory_space<semaphore_mem>>) src(%arg16 : memref<128x16xf32, #tpu.memory_space<vmem>>) dst(%dma_wait3A_223 : memref<10240x16xf32, #tpu.memory_space<vmem_shared>>)
        %add3A_224 = arith.constant 4 : i32
        %add3A_225 = arith.addi %add3A_152, %add3A_224 : i32
        %sub3A_226 = arith.constant 1 : i32
        %sub3A_227 = arith.subi %add3A_225, %sub3A_226 : i32
        %lt3A_228 = arith.cmpi slt, %sub3A_227, %add3A_7 : i32
        %convert_element_type3A_229 = arith.extui %lt3A_228 : i1 to i32
        %cond3A_230 = arith.constant 0 : i32
        %cond3A_231 = arith.cmpi ne, %convert_element_type3A_229, %cond3A_230 : i32
        scf.if %cond3A_231 {
          %add3A_232 = arith.constant 4 : i32
          %add3A_233 = arith.addi %add3A_152, %add3A_232 : i32
          %sub3A_234 = arith.constant 1 : i32
          %sub3A_235 = arith.subi %add3A_233, %sub3A_234 : i32
          %dma_start3A_236 = arith.constant 0 : i32
          %dma_start3A_237 = arith.constant 0 : i32
          %dma_start3A_238 = tpu.memref_slice %arg11[%sub3A_235, %dma_start3A_236, %dma_start3A_237] : memref<79x2x128xi32, #tpu.memory_space<vmem>> -> memref<1x1x128xi32, #tpu.memory_space<vmem>>
          %dma_start3A_239 = tpu.memref_squeeze %dma_start3A_238 : memref<1x1x128xi32, #tpu.memory_space<vmem>> -> memref<128xi32, #tpu.memory_space<vmem>>
          %dma_start3A_240 = arith.constant 0 : i32
          %dma_start3A_241 = arith.constant 0 : i32
          %dma_start3A_242 = tpu.memref_slice %arg2[%dma_start3A_240, %dma_start3A_241] : memref<10240x64xf32, #tpu.memory_space<hbm>> -> memref<10240x64xf32, #tpu.memory_space<hbm>>
          tpu.enqueue_indirect_dma source(%dma_start3A_242 : memref<10240x64xf32, #tpu.memory_space<hbm>>) target(%arg13 : memref<128x64xf32, #tpu.memory_space<vmem>>) offsets(%dma_start3A_239 : memref<128xi32, #tpu.memory_space<vmem>>) semaphore(%arg18 : memref<!tpu.dma_semaphore, #tpu.memory_space<semaphore_mem>>)
        } else {
        }
      } else {
      }
      %dma_wait3A_158 = arith.constant 0 : i32
      %dma_wait3A_159 = arith.constant 0 : i32
      %dma_wait3A_160 = tpu.memref_slice %arg11[%add3A_152, %dma_wait3A_158, %dma_wait3A_159] : memref<79x2x128xi32, #tpu.memory_space<vmem>> -> memref<1x1x128xi32, #tpu.memory_space<vmem>>
      %dma_wait3A_161 = tpu.memref_squeeze %dma_wait3A_160 : memref<1x1x128xi32, #tpu.memory_space<vmem>> -> memref<128xi32, #tpu.memory_space<vmem>>
      %dma_wait3A_162 = arith.constant 0 : i32
      %dma_wait3A_163 = arith.constant 0 : i32
      %dma_wait3A_164 = tpu.memref_slice %arg2[%dma_wait3A_162, %dma_wait3A_163] : memref<10240x64xf32, #tpu.memory_space<hbm>> -> memref<10240x64xf32, #tpu.memory_space<hbm>>
      tpu.wait_indirect_dma semaphore(%arg19 : memref<!tpu.dma_semaphore, #tpu.memory_space<semaphore_mem>>) src(%dma_wait3A_164 : memref<10240x64xf32, #tpu.memory_space<hbm>>) dst(%arg14 : memref<128x64xf32, #tpu.memory_space<vmem>>)
      %dma_start3A_165 = arith.constant 1 : i32
      %dma_start3A_166 = arith.constant 0 : i32
      %dma_start3A_167 = tpu.memref_slice %arg11[%add3A_152, %dma_start3A_165, %dma_start3A_166] : memref<79x2x128xi32, #tpu.memory_space<vmem>> -> memref<1x1x128xi32, #tpu.memory_space<vmem>>
      %dma_start3A_168 = tpu.memref_squeeze %dma_start3A_167 : memref<1x1x128xi32, #tpu.memory_space<vmem>> -> memref<128xi32, #tpu.memory_space<vmem>>
      %dma_start3A_169 = arith.constant 0 : i32
      %dma_start3A_170 = arith.constant 0 : i32
      %dma_start3A_171 = tpu.memref_slice %arg9[%dma_start3A_169, %dma_start3A_170] : memref<10240x64xf32, #tpu.memory_space<vmem_shared>> -> memref<10240x64xf32, #tpu.memory_space<vmem_shared>>
      tpu.enqueue_indirect_dma source(%arg14 : memref<128x64xf32, #tpu.memory_space<vmem>>) target(%dma_start3A_171 : memref<10240x64xf32, #tpu.memory_space<vmem_shared>>) offsets(%dma_start3A_168 : memref<128xi32, #tpu.memory_space<vmem>>) semaphore(%arg23 : memref<!tpu.dma_semaphore, #tpu.memory_space<semaphore_mem>>) {add = true}
      %dma_start3A_172 = arith.constant 1 : i32
      %dma_start3A_173 = arith.constant 0 : i32
      %dma_start3A_174 = tpu.memref_slice %arg11[%add3A_152, %dma_start3A_172, %dma_start3A_173] : memref<79x2x128xi32, #tpu.memory_space<vmem>> -> memref<1x1x128xi32, #tpu.memory_space<vmem>>
      %dma_start3A_175 = tpu.memref_squeeze %dma_start3A_174 : memref<1x1x128xi32, #tpu.memory_space<vmem>> -> memref<128xi32, #tpu.memory_space<vmem>>
      %dma_start3A_176 = arith.constant 0 : i32
      %dma_start3A_177 = arith.constant 0 : i32
      %dma_start3A_178 = tpu.memref_slice %arg10[%dma_start3A_176, %dma_start3A_177] : memref<10240x16xf32, #tpu.memory_space<vmem_shared>> -> memref<10240x16xf32, #tpu.memory_space<vmem_shared>>
      tpu.enqueue_indirect_dma source(%arg16 : memref<128x16xf32, #tpu.memory_space<vmem>>) target(%dma_start3A_178 : memref<10240x16xf32, #tpu.memory_space<vmem_shared>>) offsets(%dma_start3A_175 : memref<128xi32, #tpu.memory_space<vmem>>) semaphore(%arg23 : memref<!tpu.dma_semaphore, #tpu.memory_space<semaphore_mem>>) {add = true}
      %mul3A_179 = arith.constant 4 : i32
      %mul3A_180 = arith.muli %mul3A_179, %scan3A_90 : i32
      %add3A_181 = arith.constant 3 : i32
      %add3A_182 = arith.addi %mul3A_180, %add3A_181 : i32
      %ge3A_183 = arith.constant 1 : i32
      %ge3A_184 = arith.cmpi sge, %add3A_182, %ge3A_183 : i32
      %convert_element_type3A_185 = arith.extui %ge3A_184 : i1 to i32
      %cond3A_186 = arith.constant 0 : i32
      %cond3A_187 = arith.cmpi ne, %convert_element_type3A_185, %cond3A_186 : i32
      scf.if %cond3A_187 {
        %sub3A = arith.constant 1 : i32
        %sub3A_209 = arith.subi %add3A_182, %sub3A : i32
        %dma_wait3A_210 = arith.constant 1 : i32
        %dma_wait3A_211 = arith.constant 0 : i32
        %dma_wait3A_212 = tpu.memref_slice %arg11[%sub3A_209, %dma_wait3A_210, %dma_wait3A_211] : memref<79x2x128xi32, #tpu.memory_space<vmem>> -> memref<1x1x128xi32, #tpu.memory_space<vmem>>
        %dma_wait3A_213 = tpu.memref_squeeze %dma_wait3A_212 : memref<1x1x128xi32, #tpu.memory_space<vmem>> -> memref<128xi32, #tpu.memory_space<vmem>>
        %dma_wait3A_214 = arith.constant 0 : i32
        %dma_wait3A_215 = arith.constant 0 : i32
        %dma_wait3A_216 = tpu.memref_slice %arg9[%dma_wait3A_214, %dma_wait3A_215] : memref<10240x64xf32, #tpu.memory_space<vmem_shared>> -> memref<10240x64xf32, #tpu.memory_space<vmem_shared>>
        tpu.wait_indirect_dma semaphore(%arg23 : memref<!tpu.dma_semaphore, #tpu.memory_space<semaphore_mem>>) src(%arg14 : memref<128x64xf32, #tpu.memory_space<vmem>>) dst(%dma_wait3A_216 : memref<10240x64xf32, #tpu.memory_space<vmem_shared>>)
        %dma_wait3A_217 = arith.constant 1 : i32
        %dma_wait3A_218 = arith.constant 0 : i32
        %dma_wait3A_219 = tpu.memref_slice %arg11[%sub3A_209, %dma_wait3A_217, %dma_wait3A_218] : memref<79x2x128xi32, #tpu.memory_space<vmem>> -> memref<1x1x128xi32, #tpu.memory_space<vmem>>
        %dma_wait3A_220 = tpu.memref_squeeze %dma_wait3A_219 : memref<1x1x128xi32, #tpu.memory_space<vmem>> -> memref<128xi32, #tpu.memory_space<vmem>>
        %dma_wait3A_221 = arith.constant 0 : i32
        %dma_wait3A_222 = arith.constant 0 : i32
        %dma_wait3A_223 = tpu.memref_slice %arg10[%dma_wait3A_221, %dma_wait3A_222] : memref<10240x16xf32, #tpu.memory_space<vmem_shared>> -> memref<10240x16xf32, #tpu.memory_space<vmem_shared>>
        tpu.wait_indirect_dma semaphore(%arg23 : memref<!tpu.dma_semaphore, #tpu.memory_space<semaphore_mem>>) src(%arg16 : memref<128x16xf32, #tpu.memory_space<vmem>>) dst(%dma_wait3A_223 : memref<10240x16xf32, #tpu.memory_space<vmem_shared>>)
        %add3A_224 = arith.constant 4 : i32
        %add3A_225 = arith.addi %add3A_182, %add3A_224 : i32
        %sub3A_226 = arith.constant 1 : i32
        %sub3A_227 = arith.subi %add3A_225, %sub3A_226 : i32
        %lt3A_228 = arith.cmpi slt, %sub3A_227, %add3A_7 : i32
        %convert_element_type3A_229 = arith.extui %lt3A_228 : i1 to i32
        %cond3A_230 = arith.constant 0 : i32
        %cond3A_231 = arith.cmpi ne, %convert_element_type3A_229, %cond3A_230 : i32
        scf.if %cond3A_231 {
          %add3A_232 = arith.constant 4 : i32
          %add3A_233 = arith.addi %add3A_182, %add3A_232 : i32
          %sub3A_234 = arith.constant 1 : i32
          %sub3A_235 = arith.subi %add3A_233, %sub3A_234 : i32
          %dma_start3A_236 = arith.constant 0 : i32
          %dma_start3A_237 = arith.constant 0 : i32
          %dma_start3A_238 = tpu.memref_slice %arg11[%sub3A_235, %dma_start3A_236, %dma_start3A_237] : memref<79x2x128xi32, #tpu.memory_space<vmem>> -> memref<1x1x128xi32, #tpu.memory_space<vmem>>
          %dma_start3A_239 = tpu.memref_squeeze %dma_start3A_238 : memref<1x1x128xi32, #tpu.memory_space<vmem>> -> memref<128xi32, #tpu.memory_space<vmem>>
          %dma_start3A_240 = arith.constant 0 : i32
          %dma_start3A_241 = arith.constant 0 : i32
          %dma_start3A_242 = tpu.memref_slice %arg2[%dma_start3A_240, %dma_start3A_241] : memref<10240x64xf32, #tpu.memory_space<hbm>> -> memref<10240x64xf32, #tpu.memory_space<hbm>>
          tpu.enqueue_indirect_dma source(%dma_start3A_242 : memref<10240x64xf32, #tpu.memory_space<hbm>>) target(%arg14 : memref<128x64xf32, #tpu.memory_space<vmem>>) offsets(%dma_start3A_239 : memref<128xi32, #tpu.memory_space<vmem>>) semaphore(%arg19 : memref<!tpu.dma_semaphore, #tpu.memory_space<semaphore_mem>>)
        } else {
        }
      } else {
      }
      %dma_wait3A_188 = arith.constant 0 : i32
      %dma_wait3A_189 = arith.constant 0 : i32
      %dma_wait3A_190 = tpu.memref_slice %arg11[%add3A_182, %dma_wait3A_188, %dma_wait3A_189] : memref<79x2x128xi32, #tpu.memory_space<vmem>> -> memref<1x1x128xi32, #tpu.memory_space<vmem>>
      %dma_wait3A_191 = tpu.memref_squeeze %dma_wait3A_190 : memref<1x1x128xi32, #tpu.memory_space<vmem>> -> memref<128xi32, #tpu.memory_space<vmem>>
      %dma_wait3A_192 = arith.constant 0 : i32
      %dma_wait3A_193 = arith.constant 0 : i32
      %dma_wait3A_194 = tpu.memref_slice %arg2[%dma_wait3A_192, %dma_wait3A_193] : memref<10240x64xf32, #tpu.memory_space<hbm>> -> memref<10240x64xf32, #tpu.memory_space<hbm>>
      tpu.wait_indirect_dma semaphore(%arg20 : memref<!tpu.dma_semaphore, #tpu.memory_space<semaphore_mem>>) src(%dma_wait3A_194 : memref<10240x64xf32, #tpu.memory_space<hbm>>) dst(%arg15 : memref<128x64xf32, #tpu.memory_space<vmem>>)
      %dma_start3A_195 = arith.constant 1 : i32
      %dma_start3A_196 = arith.constant 0 : i32
      %dma_start3A_197 = tpu.memref_slice %arg11[%add3A_182, %dma_start3A_195, %dma_start3A_196] : memref<79x2x128xi32, #tpu.memory_space<vmem>> -> memref<1x1x128xi32, #tpu.memory_space<vmem>>
      %dma_start3A_198 = tpu.memref_squeeze %dma_start3A_197 : memref<1x1x128xi32, #tpu.memory_space<vmem>> -> memref<128xi32, #tpu.memory_space<vmem>>
      %dma_start3A_199 = arith.constant 0 : i32
      %dma_start3A_200 = arith.constant 0 : i32
      %dma_start3A_201 = tpu.memref_slice %arg9[%dma_start3A_199, %dma_start3A_200] : memref<10240x64xf32, #tpu.memory_space<vmem_shared>> -> memref<10240x64xf32, #tpu.memory_space<vmem_shared>>
      tpu.enqueue_indirect_dma source(%arg15 : memref<128x64xf32, #tpu.memory_space<vmem>>) target(%dma_start3A_201 : memref<10240x64xf32, #tpu.memory_space<vmem_shared>>) offsets(%dma_start3A_198 : memref<128xi32, #tpu.memory_space<vmem>>) semaphore(%arg24 : memref<!tpu.dma_semaphore, #tpu.memory_space<semaphore_mem>>) {add = true}
      %dma_start3A_202 = arith.constant 1 : i32
      %dma_start3A_203 = arith.constant 0 : i32
      %dma_start3A_204 = tpu.memref_slice %arg11[%add3A_182, %dma_start3A_202, %dma_start3A_203] : memref<79x2x128xi32, #tpu.memory_space<vmem>> -> memref<1x1x128xi32, #tpu.memory_space<vmem>>
      %dma_start3A_205 = tpu.memref_squeeze %dma_start3A_204 : memref<1x1x128xi32, #tpu.memory_space<vmem>> -> memref<128xi32, #tpu.memory_space<vmem>>
      %dma_start3A_206 = arith.constant 0 : i32
      %dma_start3A_207 = arith.constant 0 : i32
      %dma_start3A_208 = tpu.memref_slice %arg10[%dma_start3A_206, %dma_start3A_207] : memref<10240x16xf32, #tpu.memory_space<vmem_shared>> -> memref<10240x16xf32, #tpu.memory_space<vmem_shared>>
      tpu.enqueue_indirect_dma source(%arg16 : memref<128x16xf32, #tpu.memory_space<vmem>>) target(%dma_start3A_208 : memref<10240x16xf32, #tpu.memory_space<vmem_shared>>) offsets(%dma_start3A_205 : memref<128xi32, #tpu.memory_space<vmem>>) semaphore(%arg24 : memref<!tpu.dma_semaphore, #tpu.memory_space<semaphore_mem>>) {add = true}
    }
    %scan3A_49 = arith.constant 19 : i32
    %gt3A = arith.constant 75 : i32
    %gt3A_50 = arith.cmpi sgt, %add3A_7, %gt3A : i32
    %convert_element_type3A_51 = arith.extui %gt3A_50 : i1 to i32
    %cond3A_52 = arith.constant 0 : i32
    %cond3A_53 = arith.cmpi ne, %convert_element_type3A_51, %cond3A_52 : i32
    scf.if %cond3A_53 {
      %dma_wait3A = arith.constant 75 : i32
      %dma_wait3A_90 = arith.constant 1 : i32
      %dma_wait3A_91 = arith.constant 0 : i32
      %dma_wait3A_92 = tpu.memref_slice %arg11[%dma_wait3A, %dma_wait3A_90, %dma_wait3A_91] : memref<79x2x128xi32, #tpu.memory_space<vmem>> -> memref<1x1x128xi32, #tpu.memory_space<vmem>>
      %dma_wait3A_93 = tpu.memref_squeeze %dma_wait3A_92 : memref<1x1x128xi32, #tpu.memory_space<vmem>> -> memref<128xi32, #tpu.memory_space<vmem>>
      %dma_wait3A_94 = arith.constant 0 : i32
      %dma_wait3A_95 = arith.constant 0 : i32
      %dma_wait3A_96 = tpu.memref_slice %arg9[%dma_wait3A_94, %dma_wait3A_95] : memref<10240x64xf32, #tpu.memory_space<vmem_shared>> -> memref<10240x64xf32, #tpu.memory_space<vmem_shared>>
      tpu.wait_indirect_dma semaphore(%arg24 : memref<!tpu.dma_semaphore, #tpu.memory_space<semaphore_mem>>) src(%arg15 : memref<128x64xf32, #tpu.memory_space<vmem>>) dst(%dma_wait3A_96 : memref<10240x64xf32, #tpu.memory_space<vmem_shared>>)
      %dma_wait3A_97 = arith.constant 75 : i32
      %dma_wait3A_98 = arith.constant 1 : i32
      %dma_wait3A_99 = arith.constant 0 : i32
      %dma_wait3A_100 = tpu.memref_slice %arg11[%dma_wait3A_97, %dma_wait3A_98, %dma_wait3A_99] : memref<79x2x128xi32, #tpu.memory_space<vmem>> -> memref<1x1x128xi32, #tpu.memory_space<vmem>>
      %dma_wait3A_101 = tpu.memref_squeeze %dma_wait3A_100 : memref<1x1x128xi32, #tpu.memory_space<vmem>> -> memref<128xi32, #tpu.memory_space<vmem>>
      %dma_wait3A_102 = arith.constant 0 : i32
      %dma_wait3A_103 = arith.constant 0 : i32
      %dma_wait3A_104 = tpu.memref_slice %arg10[%dma_wait3A_102, %dma_wait3A_103] : memref<10240x16xf32, #tpu.memory_space<vmem_shared>> -> memref<10240x16xf32, #tpu.memory_space<vmem_shared>>
      tpu.wait_indirect_dma semaphore(%arg24 : memref<!tpu.dma_semaphore, #tpu.memory_space<semaphore_mem>>) src(%arg16 : memref<128x16xf32, #tpu.memory_space<vmem>>) dst(%dma_wait3A_104 : memref<10240x16xf32, #tpu.memory_space<vmem_shared>>)
    } else {
    }
    %gt3A_54 = arith.constant 76 : i32
    %gt3A_55 = arith.cmpi sgt, %add3A_7, %gt3A_54 : i32
    %convert_element_type3A_56 = arith.extui %gt3A_55 : i1 to i32
    %cond3A_57 = arith.constant 0 : i32
    %cond3A_58 = arith.cmpi ne, %convert_element_type3A_56, %cond3A_57 : i32
    scf.if %cond3A_58 {
      %dma_wait3A = arith.constant 76 : i32
      %dma_wait3A_90 = arith.constant 0 : i32
      %dma_wait3A_91 = arith.constant 0 : i32
      %dma_wait3A_92 = tpu.memref_slice %arg11[%dma_wait3A, %dma_wait3A_90, %dma_wait3A_91] : memref<79x2x128xi32, #tpu.memory_space<vmem>> -> memref<1x1x128xi32, #tpu.memory_space<vmem>>
      %dma_wait3A_93 = tpu.memref_squeeze %dma_wait3A_92 : memref<1x1x128xi32, #tpu.memory_space<vmem>> -> memref<128xi32, #tpu.memory_space<vmem>>
      %dma_wait3A_94 = arith.constant 0 : i32
      %dma_wait3A_95 = arith.constant 0 : i32
      %dma_wait3A_96 = tpu.memref_slice %arg2[%dma_wait3A_94, %dma_wait3A_95] : memref<10240x64xf32, #tpu.memory_space<hbm>> -> memref<10240x64xf32, #tpu.memory_space<hbm>>
      tpu.wait_indirect_dma semaphore(%arg17 : memref<!tpu.dma_semaphore, #tpu.memory_space<semaphore_mem>>) src(%dma_wait3A_96 : memref<10240x64xf32, #tpu.memory_space<hbm>>) dst(%arg12 : memref<128x64xf32, #tpu.memory_space<vmem>>)
      %dma_start3A_97 = arith.constant 76 : i32
      %dma_start3A_98 = arith.constant 1 : i32
      %dma_start3A_99 = arith.constant 0 : i32
      %dma_start3A_100 = tpu.memref_slice %arg11[%dma_start3A_97, %dma_start3A_98, %dma_start3A_99] : memref<79x2x128xi32, #tpu.memory_space<vmem>> -> memref<1x1x128xi32, #tpu.memory_space<vmem>>
      %dma_start3A_101 = tpu.memref_squeeze %dma_start3A_100 : memref<1x1x128xi32, #tpu.memory_space<vmem>> -> memref<128xi32, #tpu.memory_space<vmem>>
      %dma_start3A_102 = arith.constant 0 : i32
      %dma_start3A_103 = arith.constant 0 : i32
      %dma_start3A_104 = tpu.memref_slice %arg9[%dma_start3A_102, %dma_start3A_103] : memref<10240x64xf32, #tpu.memory_space<vmem_shared>> -> memref<10240x64xf32, #tpu.memory_space<vmem_shared>>
      tpu.enqueue_indirect_dma source(%arg12 : memref<128x64xf32, #tpu.memory_space<vmem>>) target(%dma_start3A_104 : memref<10240x64xf32, #tpu.memory_space<vmem_shared>>) offsets(%dma_start3A_101 : memref<128xi32, #tpu.memory_space<vmem>>) semaphore(%arg21 : memref<!tpu.dma_semaphore, #tpu.memory_space<semaphore_mem>>) {add = true}
      %dma_start3A_105 = arith.constant 76 : i32
      %dma_start3A_106 = arith.constant 1 : i32
      %dma_start3A_107 = arith.constant 0 : i32
      %dma_start3A_108 = tpu.memref_slice %arg11[%dma_start3A_105, %dma_start3A_106, %dma_start3A_107] : memref<79x2x128xi32, #tpu.memory_space<vmem>> -> memref<1x1x128xi32, #tpu.memory_space<vmem>>
      %dma_start3A_109 = tpu.memref_squeeze %dma_start3A_108 : memref<1x1x128xi32, #tpu.memory_space<vmem>> -> memref<128xi32, #tpu.memory_space<vmem>>
      %dma_start3A_110 = arith.constant 0 : i32
      %dma_start3A_111 = arith.constant 0 : i32
      %dma_start3A_112 = tpu.memref_slice %arg10[%dma_start3A_110, %dma_start3A_111] : memref<10240x16xf32, #tpu.memory_space<vmem_shared>> -> memref<10240x16xf32, #tpu.memory_space<vmem_shared>>
      tpu.enqueue_indirect_dma source(%arg16 : memref<128x16xf32, #tpu.memory_space<vmem>>) target(%dma_start3A_112 : memref<10240x16xf32, #tpu.memory_space<vmem_shared>>) offsets(%dma_start3A_109 : memref<128xi32, #tpu.memory_space<vmem>>) semaphore(%arg21 : memref<!tpu.dma_semaphore, #tpu.memory_space<semaphore_mem>>) {add = true}
    } else {
    }
    %gt3A_59 = arith.constant 76 : i32
    %gt3A_60 = arith.cmpi sgt, %add3A_7, %gt3A_59 : i32
    %convert_element_type3A_61 = arith.extui %gt3A_60 : i1 to i32
    %cond3A_62 = arith.constant 0 : i32
    %cond3A_63 = arith.cmpi ne, %convert_element_type3A_61, %cond3A_62 : i32
    scf.if %cond3A_63 {
      %dma_wait3A = arith.constant 76 : i32
      %dma_wait3A_90 = arith.constant 1 : i32
      %dma_wait3A_91 = arith.constant 0 : i32
      %dma_wait3A_92 = tpu.memref_slice %arg11[%dma_wait3A, %dma_wait3A_90, %dma_wait3A_91] : memref<79x2x128xi32, #tpu.memory_space<vmem>> -> memref<1x1x128xi32, #tpu.memory_space<vmem>>
      %dma_wait3A_93 = tpu.memref_squeeze %dma_wait3A_92 : memref<1x1x128xi32, #tpu.memory_space<vmem>> -> memref<128xi32, #tpu.memory_space<vmem>>
      %dma_wait3A_94 = arith.constant 0 : i32
      %dma_wait3A_95 = arith.constant 0 : i32
      %dma_wait3A_96 = tpu.memref_slice %arg9[%dma_wait3A_94, %dma_wait3A_95] : memref<10240x64xf32, #tpu.memory_space<vmem_shared>> -> memref<10240x64xf32, #tpu.memory_space<vmem_shared>>
      tpu.wait_indirect_dma semaphore(%arg21 : memref<!tpu.dma_semaphore, #tpu.memory_space<semaphore_mem>>) src(%arg12 : memref<128x64xf32, #tpu.memory_space<vmem>>) dst(%dma_wait3A_96 : memref<10240x64xf32, #tpu.memory_space<vmem_shared>>)
      %dma_wait3A_97 = arith.constant 76 : i32
      %dma_wait3A_98 = arith.constant 1 : i32
      %dma_wait3A_99 = arith.constant 0 : i32
      %dma_wait3A_100 = tpu.memref_slice %arg11[%dma_wait3A_97, %dma_wait3A_98, %dma_wait3A_99] : memref<79x2x128xi32, #tpu.memory_space<vmem>> -> memref<1x1x128xi32, #tpu.memory_space<vmem>>
      %dma_wait3A_101 = tpu.memref_squeeze %dma_wait3A_100 : memref<1x1x128xi32, #tpu.memory_space<vmem>> -> memref<128xi32, #tpu.memory_space<vmem>>
      %dma_wait3A_102 = arith.constant 0 : i32
      %dma_wait3A_103 = arith.constant 0 : i32
      %dma_wait3A_104 = tpu.memref_slice %arg10[%dma_wait3A_102, %dma_wait3A_103] : memref<10240x16xf32, #tpu.memory_space<vmem_shared>> -> memref<10240x16xf32, #tpu.memory_space<vmem_shared>>
      tpu.wait_indirect_dma semaphore(%arg21 : memref<!tpu.dma_semaphore, #tpu.memory_space<semaphore_mem>>) src(%arg16 : memref<128x16xf32, #tpu.memory_space<vmem>>) dst(%dma_wait3A_104 : memref<10240x16xf32, #tpu.memory_space<vmem_shared>>)
    } else {
    }
    %gt3A_64 = arith.constant 77 : i32
    %gt3A_65 = arith.cmpi sgt, %add3A_7, %gt3A_64 : i32
    %convert_element_type3A_66 = arith.extui %gt3A_65 : i1 to i32
    %cond3A_67 = arith.constant 0 : i32
    %cond3A_68 = arith.cmpi ne, %convert_element_type3A_66, %cond3A_67 : i32
    scf.if %cond3A_68 {
      %dma_wait3A = arith.constant 77 : i32
      %dma_wait3A_90 = arith.constant 0 : i32
      %dma_wait3A_91 = arith.constant 0 : i32
      %dma_wait3A_92 = tpu.memref_slice %arg11[%dma_wait3A, %dma_wait3A_90, %dma_wait3A_91] : memref<79x2x128xi32, #tpu.memory_space<vmem>> -> memref<1x1x128xi32, #tpu.memory_space<vmem>>
      %dma_wait3A_93 = tpu.memref_squeeze %dma_wait3A_92 : memref<1x1x128xi32, #tpu.memory_space<vmem>> -> memref<128xi32, #tpu.memory_space<vmem>>
      %dma_wait3A_94 = arith.constant 0 : i32
      %dma_wait3A_95 = arith.constant 0 : i32
      %dma_wait3A_96 = tpu.memref_slice %arg2[%dma_wait3A_94, %dma_wait3A_95] : memref<10240x64xf32, #tpu.memory_space<hbm>> -> memref<10240x64xf32, #tpu.memory_space<hbm>>
      tpu.wait_indirect_dma semaphore(%arg18 : memref<!tpu.dma_semaphore, #tpu.memory_space<semaphore_mem>>) src(%dma_wait3A_96 : memref<10240x64xf32, #tpu.memory_space<hbm>>) dst(%arg13 : memref<128x64xf32, #tpu.memory_space<vmem>>)
      %dma_start3A_97 = arith.constant 77 : i32
      %dma_start3A_98 = arith.constant 1 : i32
      %dma_start3A_99 = arith.constant 0 : i32
      %dma_start3A_100 = tpu.memref_slice %arg11[%dma_start3A_97, %dma_start3A_98, %dma_start3A_99] : memref<79x2x128xi32, #tpu.memory_space<vmem>> -> memref<1x1x128xi32, #tpu.memory_space<vmem>>
      %dma_start3A_101 = tpu.memref_squeeze %dma_start3A_100 : memref<1x1x128xi32, #tpu.memory_space<vmem>> -> memref<128xi32, #tpu.memory_space<vmem>>
      %dma_start3A_102 = arith.constant 0 : i32
      %dma_start3A_103 = arith.constant 0 : i32
      %dma_start3A_104 = tpu.memref_slice %arg9[%dma_start3A_102, %dma_start3A_103] : memref<10240x64xf32, #tpu.memory_space<vmem_shared>> -> memref<10240x64xf32, #tpu.memory_space<vmem_shared>>
      tpu.enqueue_indirect_dma source(%arg13 : memref<128x64xf32, #tpu.memory_space<vmem>>) target(%dma_start3A_104 : memref<10240x64xf32, #tpu.memory_space<vmem_shared>>) offsets(%dma_start3A_101 : memref<128xi32, #tpu.memory_space<vmem>>) semaphore(%arg22 : memref<!tpu.dma_semaphore, #tpu.memory_space<semaphore_mem>>) {add = true}
      %dma_start3A_105 = arith.constant 77 : i32
      %dma_start3A_106 = arith.constant 1 : i32
      %dma_start3A_107 = arith.constant 0 : i32
      %dma_start3A_108 = tpu.memref_slice %arg11[%dma_start3A_105, %dma_start3A_106, %dma_start3A_107] : memref<79x2x128xi32, #tpu.memory_space<vmem>> -> memref<1x1x128xi32, #tpu.memory_space<vmem>>
      %dma_start3A_109 = tpu.memref_squeeze %dma_start3A_108 : memref<1x1x128xi32, #tpu.memory_space<vmem>> -> memref<128xi32, #tpu.memory_space<vmem>>
      %dma_start3A_110 = arith.constant 0 : i32
      %dma_start3A_111 = arith.constant 0 : i32
      %dma_start3A_112 = tpu.memref_slice %arg10[%dma_start3A_110, %dma_start3A_111] : memref<10240x16xf32, #tpu.memory_space<vmem_shared>> -> memref<10240x16xf32, #tpu.memory_space<vmem_shared>>
      tpu.enqueue_indirect_dma source(%arg16 : memref<128x16xf32, #tpu.memory_space<vmem>>) target(%dma_start3A_112 : memref<10240x16xf32, #tpu.memory_space<vmem_shared>>) offsets(%dma_start3A_109 : memref<128xi32, #tpu.memory_space<vmem>>) semaphore(%arg22 : memref<!tpu.dma_semaphore, #tpu.memory_space<semaphore_mem>>) {add = true}
    } else {
    }
    %gt3A_69 = arith.constant 77 : i32
    %gt3A_70 = arith.cmpi sgt, %add3A_7, %gt3A_69 : i32
    %convert_element_type3A_71 = arith.extui %gt3A_70 : i1 to i32
    %cond3A_72 = arith.constant 0 : i32
    %cond3A_73 = arith.cmpi ne, %convert_element_type3A_71, %cond3A_72 : i32
    scf.if %cond3A_73 {
      %dma_wait3A = arith.constant 77 : i32
      %dma_wait3A_90 = arith.constant 1 : i32
      %dma_wait3A_91 = arith.constant 0 : i32
      %dma_wait3A_92 = tpu.memref_slice %arg11[%dma_wait3A, %dma_wait3A_90, %dma_wait3A_91] : memref<79x2x128xi32, #tpu.memory_space<vmem>> -> memref<1x1x128xi32, #tpu.memory_space<vmem>>
      %dma_wait3A_93 = tpu.memref_squeeze %dma_wait3A_92 : memref<1x1x128xi32, #tpu.memory_space<vmem>> -> memref<128xi32, #tpu.memory_space<vmem>>
      %dma_wait3A_94 = arith.constant 0 : i32
      %dma_wait3A_95 = arith.constant 0 : i32
      %dma_wait3A_96 = tpu.memref_slice %arg9[%dma_wait3A_94, %dma_wait3A_95] : memref<10240x64xf32, #tpu.memory_space<vmem_shared>> -> memref<10240x64xf32, #tpu.memory_space<vmem_shared>>
      tpu.wait_indirect_dma semaphore(%arg22 : memref<!tpu.dma_semaphore, #tpu.memory_space<semaphore_mem>>) src(%arg13 : memref<128x64xf32, #tpu.memory_space<vmem>>) dst(%dma_wait3A_96 : memref<10240x64xf32, #tpu.memory_space<vmem_shared>>)
      %dma_wait3A_97 = arith.constant 77 : i32
      %dma_wait3A_98 = arith.constant 1 : i32
      %dma_wait3A_99 = arith.constant 0 : i32
      %dma_wait3A_100 = tpu.memref_slice %arg11[%dma_wait3A_97, %dma_wait3A_98, %dma_wait3A_99] : memref<79x2x128xi32, #tpu.memory_space<vmem>> -> memref<1x1x128xi32, #tpu.memory_space<vmem>>
      %dma_wait3A_101 = tpu.memref_squeeze %dma_wait3A_100 : memref<1x1x128xi32, #tpu.memory_space<vmem>> -> memref<128xi32, #tpu.memory_space<vmem>>
      %dma_wait3A_102 = arith.constant 0 : i32
      %dma_wait3A_103 = arith.constant 0 : i32
      %dma_wait3A_104 = tpu.memref_slice %arg10[%dma_wait3A_102, %dma_wait3A_103] : memref<10240x16xf32, #tpu.memory_space<vmem_shared>> -> memref<10240x16xf32, #tpu.memory_space<vmem_shared>>
      tpu.wait_indirect_dma semaphore(%arg22 : memref<!tpu.dma_semaphore, #tpu.memory_space<semaphore_mem>>) src(%arg16 : memref<128x16xf32, #tpu.memory_space<vmem>>) dst(%dma_wait3A_104 : memref<10240x16xf32, #tpu.memory_space<vmem_shared>>)
    } else {
    }
    %gt3A_74 = arith.constant 78 : i32
    %gt3A_75 = arith.cmpi sgt, %add3A_7, %gt3A_74 : i32
    %convert_element_type3A_76 = arith.extui %gt3A_75 : i1 to i32
    %cond3A_77 = arith.constant 0 : i32
    %cond3A_78 = arith.cmpi ne, %convert_element_type3A_76, %cond3A_77 : i32
    scf.if %cond3A_78 {
      %dma_wait3A = arith.constant 78 : i32
      %dma_wait3A_90 = arith.constant 0 : i32
      %dma_wait3A_91 = arith.constant 0 : i32
      %dma_wait3A_92 = tpu.memref_slice %arg11[%dma_wait3A, %dma_wait3A_90, %dma_wait3A_91] : memref<79x2x128xi32, #tpu.memory_space<vmem>> -> memref<1x1x128xi32, #tpu.memory_space<vmem>>
      %dma_wait3A_93 = tpu.memref_squeeze %dma_wait3A_92 : memref<1x1x128xi32, #tpu.memory_space<vmem>> -> memref<128xi32, #tpu.memory_space<vmem>>
      %dma_wait3A_94 = arith.constant 0 : i32
      %dma_wait3A_95 = arith.constant 0 : i32
      %dma_wait3A_96 = tpu.memref_slice %arg2[%dma_wait3A_94, %dma_wait3A_95] : memref<10240x64xf32, #tpu.memory_space<hbm>> -> memref<10240x64xf32, #tpu.memory_space<hbm>>
      tpu.wait_indirect_dma semaphore(%arg19 : memref<!tpu.dma_semaphore, #tpu.memory_space<semaphore_mem>>) src(%dma_wait3A_96 : memref<10240x64xf32, #tpu.memory_space<hbm>>) dst(%arg14 : memref<128x64xf32, #tpu.memory_space<vmem>>)
      %dma_start3A_97 = arith.constant 78 : i32
      %dma_start3A_98 = arith.constant 1 : i32
      %dma_start3A_99 = arith.constant 0 : i32
      %dma_start3A_100 = tpu.memref_slice %arg11[%dma_start3A_97, %dma_start3A_98, %dma_start3A_99] : memref<79x2x128xi32, #tpu.memory_space<vmem>> -> memref<1x1x128xi32, #tpu.memory_space<vmem>>
      %dma_start3A_101 = tpu.memref_squeeze %dma_start3A_100 : memref<1x1x128xi32, #tpu.memory_space<vmem>> -> memref<128xi32, #tpu.memory_space<vmem>>
      %dma_start3A_102 = arith.constant 0 : i32
      %dma_start3A_103 = arith.constant 0 : i32
      %dma_start3A_104 = tpu.memref_slice %arg9[%dma_start3A_102, %dma_start3A_103] : memref<10240x64xf32, #tpu.memory_space<vmem_shared>> -> memref<10240x64xf32, #tpu.memory_space<vmem_shared>>
      tpu.enqueue_indirect_dma source(%arg14 : memref<128x64xf32, #tpu.memory_space<vmem>>) target(%dma_start3A_104 : memref<10240x64xf32, #tpu.memory_space<vmem_shared>>) offsets(%dma_start3A_101 : memref<128xi32, #tpu.memory_space<vmem>>) semaphore(%arg23 : memref<!tpu.dma_semaphore, #tpu.memory_space<semaphore_mem>>) {add = true}
      %dma_start3A_105 = arith.constant 78 : i32
      %dma_start3A_106 = arith.constant 1 : i32
      %dma_start3A_107 = arith.constant 0 : i32
      %dma_start3A_108 = tpu.memref_slice %arg11[%dma_start3A_105, %dma_start3A_106, %dma_start3A_107] : memref<79x2x128xi32, #tpu.memory_space<vmem>> -> memref<1x1x128xi32, #tpu.memory_space<vmem>>
      %dma_start3A_109 = tpu.memref_squeeze %dma_start3A_108 : memref<1x1x128xi32, #tpu.memory_space<vmem>> -> memref<128xi32, #tpu.memory_space<vmem>>
      %dma_start3A_110 = arith.constant 0 : i32
      %dma_start3A_111 = arith.constant 0 : i32
      %dma_start3A_112 = tpu.memref_slice %arg10[%dma_start3A_110, %dma_start3A_111] : memref<10240x16xf32, #tpu.memory_space<vmem_shared>> -> memref<10240x16xf32, #tpu.memory_space<vmem_shared>>
      tpu.enqueue_indirect_dma source(%arg16 : memref<128x16xf32, #tpu.memory_space<vmem>>) target(%dma_start3A_112 : memref<10240x16xf32, #tpu.memory_space<vmem_shared>>) offsets(%dma_start3A_109 : memref<128xi32, #tpu.memory_space<vmem>>) semaphore(%arg23 : memref<!tpu.dma_semaphore, #tpu.memory_space<semaphore_mem>>) {add = true}
    } else {
    }
    %gt3A_79 = arith.constant 78 : i32
    %gt3A_80 = arith.cmpi sgt, %add3A_7, %gt3A_79 : i32
    %convert_element_type3A_81 = arith.extui %gt3A_80 : i1 to i32
    %cond3A_82 = arith.constant 0 : i32
    %cond3A_83 = arith.cmpi ne, %convert_element_type3A_81, %cond3A_82 : i32
    scf.if %cond3A_83 {
      %dma_wait3A = arith.constant 78 : i32
      %dma_wait3A_90 = arith.constant 1 : i32
      %dma_wait3A_91 = arith.constant 0 : i32
      %dma_wait3A_92 = tpu.memref_slice %arg11[%dma_wait3A, %dma_wait3A_90, %dma_wait3A_91] : memref<79x2x128xi32, #tpu.memory_space<vmem>> -> memref<1x1x128xi32, #tpu.memory_space<vmem>>
      %dma_wait3A_93 = tpu.memref_squeeze %dma_wait3A_92 : memref<1x1x128xi32, #tpu.memory_space<vmem>> -> memref<128xi32, #tpu.memory_space<vmem>>
      %dma_wait3A_94 = arith.constant 0 : i32
      %dma_wait3A_95 = arith.constant 0 : i32
      %dma_wait3A_96 = tpu.memref_slice %arg9[%dma_wait3A_94, %dma_wait3A_95] : memref<10240x64xf32, #tpu.memory_space<vmem_shared>> -> memref<10240x64xf32, #tpu.memory_space<vmem_shared>>
      tpu.wait_indirect_dma semaphore(%arg23 : memref<!tpu.dma_semaphore, #tpu.memory_space<semaphore_mem>>) src(%arg14 : memref<128x64xf32, #tpu.memory_space<vmem>>) dst(%dma_wait3A_96 : memref<10240x64xf32, #tpu.memory_space<vmem_shared>>)
      %dma_wait3A_97 = arith.constant 78 : i32
      %dma_wait3A_98 = arith.constant 1 : i32
      %dma_wait3A_99 = arith.constant 0 : i32
      %dma_wait3A_100 = tpu.memref_slice %arg11[%dma_wait3A_97, %dma_wait3A_98, %dma_wait3A_99] : memref<79x2x128xi32, #tpu.memory_space<vmem>> -> memref<1x1x128xi32, #tpu.memory_space<vmem>>
      %dma_wait3A_101 = tpu.memref_squeeze %dma_wait3A_100 : memref<1x1x128xi32, #tpu.memory_space<vmem>> -> memref<128xi32, #tpu.memory_space<vmem>>
      %dma_wait3A_102 = arith.constant 0 : i32
      %dma_wait3A_103 = arith.constant 0 : i32
      %dma_wait3A_104 = tpu.memref_slice %arg10[%dma_wait3A_102, %dma_wait3A_103] : memref<10240x16xf32, #tpu.memory_space<vmem_shared>> -> memref<10240x16xf32, #tpu.memory_space<vmem_shared>>
      tpu.wait_indirect_dma semaphore(%arg23 : memref<!tpu.dma_semaphore, #tpu.memory_space<semaphore_mem>>) src(%arg16 : memref<128x16xf32, #tpu.memory_space<vmem>>) dst(%dma_wait3A_104 : memref<10240x16xf32, #tpu.memory_space<vmem_shared>>)
    } else {
    }
    %gt3A_84 = arith.constant 79 : i32
    %gt3A_85 = arith.cmpi sgt, %add3A_7, %gt3A_84 : i32
    %convert_element_type3A_86 = arith.extui %gt3A_85 : i1 to i32
    %cond3A_87 = arith.constant 0 : i32
    %cond3A_88 = arith.cmpi ne, %convert_element_type3A_86, %cond3A_87 : i32
    scf.if %cond3A_88 {
      %dma_wait3A = arith.constant 79 : i32
      %dma_wait3A_90 = arith.constant 0 : i32
      %dma_wait3A_91 = arith.constant 0 : i32
      %dma_wait3A_92 = tpu.memref_slice %arg11[%dma_wait3A, %dma_wait3A_90, %dma_wait3A_91] : memref<79x2x128xi32, #tpu.memory_space<vmem>> -> memref<1x1x128xi32, #tpu.memory_space<vmem>>
      %dma_wait3A_93 = tpu.memref_squeeze %dma_wait3A_92 : memref<1x1x128xi32, #tpu.memory_space<vmem>> -> memref<128xi32, #tpu.memory_space<vmem>>
      %dma_wait3A_94 = arith.constant 0 : i32
      %dma_wait3A_95 = arith.constant 0 : i32
      %dma_wait3A_96 = tpu.memref_slice %arg2[%dma_wait3A_94, %dma_wait3A_95] : memref<10240x64xf32, #tpu.memory_space<hbm>> -> memref<10240x64xf32, #tpu.memory_space<hbm>>
      tpu.wait_indirect_dma semaphore(%arg20 : memref<!tpu.dma_semaphore, #tpu.memory_space<semaphore_mem>>) src(%dma_wait3A_96 : memref<10240x64xf32, #tpu.memory_space<hbm>>) dst(%arg15 : memref<128x64xf32, #tpu.memory_space<vmem>>)
      %dma_start3A_97 = arith.constant 79 : i32
      %dma_start3A_98 = arith.constant 1 : i32
      %dma_start3A_99 = arith.constant 0 : i32
      %dma_start3A_100 = tpu.memref_slice %arg11[%dma_start3A_97, %dma_start3A_98, %dma_start3A_99] : memref<79x2x128xi32, #tpu.memory_space<vmem>> -> memref<1x1x128xi32, #tpu.memory_space<vmem>>
      %dma_start3A_101 = tpu.memref_squeeze %dma_start3A_100 : memref<1x1x128xi32, #tpu.memory_space<vmem>> -> memref<128xi32, #tpu.memory_space<vmem>>
      %dma_start3A_102 = arith.constant 0 : i32
      %dma_start3A_103 = arith.constant 0 : i32
      %dma_start3A_104 = tpu.memref_slice %arg9[%dma_start3A_102, %dma_start3A_103] : memref<10240x64xf32, #tpu.memory_space<vmem_shared>> -> memref<10240x64xf32, #tpu.memory_space<vmem_shared>>
      tpu.enqueue_indirect_dma source(%arg15 : memref<128x64xf32, #tpu.memory_space<vmem>>) target(%dma_start3A_104 : memref<10240x64xf32, #tpu.memory_space<vmem_shared>>) offsets(%dma_start3A_101 : memref<128xi32, #tpu.memory_space<vmem>>) semaphore(%arg24 : memref<!tpu.dma_semaphore, #tpu.memory_space<semaphore_mem>>) {add = true}
      %dma_start3A_105 = arith.constant 79 : i32
      %dma_start3A_106 = arith.constant 1 : i32
      %dma_start3A_107 = arith.constant 0 : i32
      %dma_start3A_108 = tpu.memref_slice %arg11[%dma_start3A_105, %dma_start3A_106, %dma_start3A_107] : memref<79x2x128xi32, #tpu.memory_space<vmem>> -> memref<1x1x128xi32, #tpu.memory_space<vmem>>
      %dma_start3A_109 = tpu.memref_squeeze %dma_start3A_108 : memref<1x1x128xi32, #tpu.memory_space<vmem>> -> memref<128xi32, #tpu.memory_space<vmem>>
      %dma_start3A_110 = arith.constant 0 : i32
      %dma_start3A_111 = arith.constant 0 : i32
      %dma_start3A_112 = tpu.memref_slice %arg10[%dma_start3A_110, %dma_start3A_111] : memref<10240x16xf32, #tpu.memory_space<vmem_shared>> -> memref<10240x16xf32, #tpu.memory_space<vmem_shared>>
      tpu.enqueue_indirect_dma source(%arg16 : memref<128x16xf32, #tpu.memory_space<vmem>>) target(%dma_start3A_112 : memref<10240x16xf32, #tpu.memory_space<vmem_shared>>) offsets(%dma_start3A_109 : memref<128xi32, #tpu.memory_space<vmem>>) semaphore(%arg24 : memref<!tpu.dma_semaphore, #tpu.memory_space<semaphore_mem>>) {add = true}
    } else {
    }
    %barrier3A_89 = arith.constant 0 : index
    tpu.barrier barrier_id(%barrier3A_89)
    "tpu.region"() ({
      %run_scoped3A = tpu.sem_alloc : memref<!tpu.dma_semaphore, #tpu.memory_space<semaphore_mem>>
      %dma_start3A_90 = arith.constant 0 : i32
      %dma_start3A_91 = tpu.memref_slice %arg7[%arg0, %mul3A_44, %dma_start3A_90] : memref<2x10240x64xf32, #tpu.memory_space<hbm>> -> memref<1x640x64xf32, #tpu.memory_space<hbm>>
      %dma_start3A_92 = tpu.memref_squeeze %dma_start3A_91 : memref<1x640x64xf32, #tpu.memory_space<hbm>> -> memref<640x64xf32, #tpu.memory_space<hbm>>
      %dma_start3A_93 = arith.constant 0 : i32
      %dma_start3A_94 = tpu.memref_slice %arg9[%mul3A_44, %dma_start3A_93] : memref<10240x64xf32, #tpu.memory_space<vmem_shared>> -> memref<640x64xf32, #tpu.memory_space<vmem_shared>>
      tpu.enqueue_dma source(%dma_start3A_94 : memref<640x64xf32, #tpu.memory_space<vmem_shared>>) target(%dma_start3A_92 : memref<640x64xf32, #tpu.memory_space<hbm>>) target_semaphore(%run_scoped3A : memref<!tpu.dma_semaphore, #tpu.memory_space<semaphore_mem>>)
      %dma_wait3A = arith.constant 0 : i32
      %dma_wait3A_95 = tpu.memref_slice %arg7[%arg0, %mul3A_44, %dma_wait3A] : memref<2x10240x64xf32, #tpu.memory_space<hbm>> -> memref<1x640x64xf32, #tpu.memory_space<hbm>>
      %dma_wait3A_96 = tpu.memref_squeeze %dma_wait3A_95 : memref<1x640x64xf32, #tpu.memory_space<hbm>> -> memref<640x64xf32, #tpu.memory_space<hbm>>
      %dma_wait3A_97 = arith.constant 0 : i32
      %dma_wait3A_98 = tpu.memref_slice %arg9[%mul3A_44, %dma_wait3A_97] : memref<10240x64xf32, #tpu.memory_space<vmem_shared>> -> memref<640x64xf32, #tpu.memory_space<vmem_shared>>
      tpu.wait_dma2 semaphore(%run_scoped3A : memref<!tpu.dma_semaphore, #tpu.memory_space<semaphore_mem>>) src(%dma_wait3A_98 : memref<640x64xf32, #tpu.memory_space<vmem_shared>>) dst(%dma_wait3A_96 : memref<640x64xf32, #tpu.memory_space<hbm>>)
      tpu.yield
    }) : () -> ()
    "tpu.region"() ({
      %run_scoped3A = tpu.sem_alloc : memref<!tpu.dma_semaphore, #tpu.memory_space<semaphore_mem>>
      %dma_start3A_90 = arith.constant 0 : i32
      %dma_start3A_91 = tpu.memref_slice %arg8[%arg0, %mul3A_44, %dma_start3A_90] : memref<2x10240x16xf32, #tpu.memory_space<hbm>> -> memref<1x640x16xf32, #tpu.memory_space<hbm>>
      %dma_start3A_92 = tpu.memref_squeeze %dma_start3A_91 : memref<1x640x16xf32, #tpu.memory_space<hbm>> -> memref<640x16xf32, #tpu.memory_space<hbm>>
      %dma_start3A_93 = arith.constant 0 : i32
      %dma_start3A_94 = tpu.memref_slice %arg10[%mul3A_44, %dma_start3A_93] : memref<10240x16xf32, #tpu.memory_space<vmem_shared>> -> memref<640x16xf32, #tpu.memory_space<vmem_shared>>
      tpu.enqueue_dma source(%dma_start3A_94 : memref<640x16xf32, #tpu.memory_space<vmem_shared>>) target(%dma_start3A_92 : memref<640x16xf32, #tpu.memory_space<hbm>>) target_semaphore(%run_scoped3A : memref<!tpu.dma_semaphore, #tpu.memory_space<semaphore_mem>>)
      %dma_wait3A = arith.constant 0 : i32
      %dma_wait3A_95 = tpu.memref_slice %arg8[%arg0, %mul3A_44, %dma_wait3A] : memref<2x10240x16xf32, #tpu.memory_space<hbm>> -> memref<1x640x16xf32, #tpu.memory_space<hbm>>
      %dma_wait3A_96 = tpu.memref_squeeze %dma_wait3A_95 : memref<1x640x16xf32, #tpu.memory_space<hbm>> -> memref<640x16xf32, #tpu.memory_space<hbm>>
      %dma_wait3A_97 = arith.constant 0 : i32
      %dma_wait3A_98 = tpu.memref_slice %arg10[%mul3A_44, %dma_wait3A_97] : memref<10240x16xf32, #tpu.memory_space<vmem_shared>> -> memref<640x16xf32, #tpu.memory_space<vmem_shared>>
      tpu.wait_dma2 semaphore(%run_scoped3A : memref<!tpu.dma_semaphore, #tpu.memory_space<semaphore_mem>>) src(%dma_wait3A_98 : memref<640x16xf32, #tpu.memory_space<vmem_shared>>) dst(%dma_wait3A_96 : memref<640x16xf32, #tpu.memory_space<hbm>>)
      tpu.yield
    }) : () -> ()
    return
  }
}

#map = affine_map<(d0, d1) -> (0, 0)>
#map1 = affine_map<(d0, d1) -> (0, 0, 0)>
module attributes {stable_mosaic.version = 14 : i64} {
  func.func @_sc_agg_body(%arg0: i32, %arg1: i32, %arg2: memref<10240x64xf32, #tpu.memory_space<hbm>>, %arg3: memref<2500x2x128xi32, #tpu.memory_space<hbm>>, %arg4: memref<640x64xf32, #tpu.memory_space<hbm>>, %arg5: memref<2x10240x64xf32, #tpu.memory_space<hbm>>, %arg6: memref<10240x64xf32, #tpu.memory_space<vmem_shared>>, %arg7: memref<79x2x128xi32, #tpu.memory_space<vmem>>, %arg8: memref<128x64xf32, #tpu.memory_space<vmem>>, %arg9: memref<128x64xf32, #tpu.memory_space<vmem>>, %arg10: memref<128x64xf32, #tpu.memory_space<vmem>>, %arg11: memref<128x64xf32, #tpu.memory_space<vmem>>, %arg12: memref<!tpu.dma_semaphore, #tpu.memory_space<semaphore_mem>>, %arg13: memref<!tpu.dma_semaphore, #tpu.memory_space<semaphore_mem>>, %arg14: memref<!tpu.dma_semaphore, #tpu.memory_space<semaphore_mem>>, %arg15: memref<!tpu.dma_semaphore, #tpu.memory_space<semaphore_mem>>, %arg16: memref<!tpu.dma_semaphore, #tpu.memory_space<semaphore_mem>>, %arg17: memref<!tpu.dma_semaphore, #tpu.memory_space<semaphore_mem>>, %arg18: memref<!tpu.dma_semaphore, #tpu.memory_space<semaphore_mem>>, %arg19: memref<!tpu.dma_semaphore, #tpu.memory_space<semaphore_mem>>) attributes {dimension_semantics = [#tpu.dimension_semantics<core_parallel>, #tpu.dimension_semantics<subcore_parallel>], iteration_bounds = array<i64: 2, 16>, scalar_prefetch = 0 : i64, scratch_operands = 14 : i64, tpu.core_type = #tpu.core_type<sc_vector_subcore>, window_params = [{transform_indices = #map}, {transform_indices = #map1}, {transform_indices = #map}, {transform_indices = #map1}]} {
    %mul3A = arith.constant 16 : i32
    %mul3A_0 = arith.muli %arg0, %mul3A : i32
    %add3A = arith.addi %mul3A_0, %arg1 : i32
    %mul3A_1 = arith.constant 78 : i32
    %mul3A_2 = arith.muli %add3A, %mul3A_1 : i32
    %min3A = arith.constant 4 : i32
    %min3A_3 = arith.minsi %add3A, %min3A : i32
    %add3A_4 = arith.addi %mul3A_2, %min3A_3 : i32
    %lt3A = arith.constant 4 : i32
    %lt3A_5 = arith.cmpi slt, %add3A, %lt3A : i32
    %convert_element_type3A = arith.extui %lt3A_5 : i1 to i32
    %add3A_6 = arith.constant 78 : i32
    %add3A_7 = arith.addi %add3A_6, %convert_element_type3A : i32
    "tpu.region"() ({
      %run_scoped3A = tpu.sem_alloc : memref<!tpu.dma_semaphore, #tpu.memory_space<semaphore_mem>>
      %dma_start3A_90 = arith.constant 0 : i32
      %dma_start3A_91 = arith.constant 0 : i32
      %dma_start3A_92 = arith.constant 0 : i32
      %dma_start3A_93 = tpu.memref_slice %arg7[%dma_start3A_90, %dma_start3A_91, %dma_start3A_92] : memref<79x2x128xi32, #tpu.memory_space<vmem>> -> memref<78x2x128xi32, #tpu.memory_space<vmem>>
      %dma_start3A_94 = arith.constant 0 : i32
      %dma_start3A_95 = arith.constant 0 : i32
      %dma_start3A_96 = tpu.memref_slice %arg3[%add3A_4, %dma_start3A_94, %dma_start3A_95] : memref<2500x2x128xi32, #tpu.memory_space<hbm>> -> memref<78x2x128xi32, #tpu.memory_space<hbm>>
      %dma_start3A_97 = arith.constant 0 : i32
      %dma_start3A_98 = arith.constant 0 : i32
      %dma_start3A_99 = arith.constant 0 : i32
      %dma_start3A_100 = tpu.memref_slice %arg7[%dma_start3A_97, %dma_start3A_98, %dma_start3A_99] : memref<79x2x128xi32, #tpu.memory_space<vmem>> -> memref<78x2x128xi32, #tpu.memory_space<vmem>>
      %dma_start3A_101 = arith.constant 0 : i32
      %dma_start3A_102 = arith.constant 0 : i32
      %dma_start3A_103 = tpu.memref_slice %arg3[%add3A_4, %dma_start3A_101, %dma_start3A_102] : memref<2500x2x128xi32, #tpu.memory_space<hbm>> -> memref<78x2x128xi32, #tpu.memory_space<hbm>>
      tpu.enqueue_dma source(%dma_start3A_103 : memref<78x2x128xi32, #tpu.memory_space<hbm>>) target(%dma_start3A_100 : memref<78x2x128xi32, #tpu.memory_space<vmem>>) target_semaphore(%run_scoped3A : memref<!tpu.dma_semaphore, #tpu.memory_space<semaphore_mem>>)
      %dma_wait3A = arith.constant 0 : i32
      %dma_wait3A_104 = arith.constant 0 : i32
      %dma_wait3A_105 = arith.constant 0 : i32
      %dma_wait3A_106 = tpu.memref_slice %arg7[%dma_wait3A, %dma_wait3A_104, %dma_wait3A_105] : memref<79x2x128xi32, #tpu.memory_space<vmem>> -> memref<78x2x128xi32, #tpu.memory_space<vmem>>
      %dma_wait3A_107 = arith.constant 0 : i32
      %dma_wait3A_108 = arith.constant 0 : i32
      %dma_wait3A_109 = tpu.memref_slice %arg3[%add3A_4, %dma_wait3A_107, %dma_wait3A_108] : memref<2500x2x128xi32, #tpu.memory_space<hbm>> -> memref<78x2x128xi32, #tpu.memory_space<hbm>>
      %dma_wait3A_110 = arith.constant 0 : i32
      %dma_wait3A_111 = arith.constant 0 : i32
      %dma_wait3A_112 = arith.constant 0 : i32
      %dma_wait3A_113 = tpu.memref_slice %arg7[%dma_wait3A_110, %dma_wait3A_111, %dma_wait3A_112] : memref<79x2x128xi32, #tpu.memory_space<vmem>> -> memref<78x2x128xi32, #tpu.memory_space<vmem>>
      %dma_wait3A_114 = arith.constant 0 : i32
      %dma_wait3A_115 = arith.constant 0 : i32
      %dma_wait3A_116 = tpu.memref_slice %arg3[%add3A_4, %dma_wait3A_114, %dma_wait3A_115] : memref<2500x2x128xi32, #tpu.memory_space<hbm>> -> memref<78x2x128xi32, #tpu.memory_space<hbm>>
      tpu.wait_dma2 semaphore(%run_scoped3A : memref<!tpu.dma_semaphore, #tpu.memory_space<semaphore_mem>>) src(%dma_wait3A_116 : memref<78x2x128xi32, #tpu.memory_space<hbm>>) dst(%dma_wait3A_113 : memref<78x2x128xi32, #tpu.memory_space<vmem>>)
      tpu.yield
    }) : () -> ()
    %lt3A_8 = arith.constant 4 : i32
    %lt3A_9 = arith.cmpi slt, %add3A, %lt3A_8 : i32
    %convert_element_type3A_10 = arith.extui %lt3A_9 : i1 to i32
    %cond3A = arith.constant 0 : i32
    %cond3A_11 = arith.cmpi ne, %convert_element_type3A_10, %cond3A : i32
    scf.if %cond3A_11 {
      %add3A_90 = arith.constant 78 : i32
      %add3A_91 = arith.addi %add3A_4, %add3A_90 : i32
      "tpu.region"() ({
        %run_scoped3A = tpu.sem_alloc : memref<!tpu.dma_semaphore, #tpu.memory_space<semaphore_mem>>
        %dma_start3A_92 = arith.constant 78 : i32
        %dma_start3A_93 = arith.constant 0 : i32
        %dma_start3A_94 = arith.constant 0 : i32
        %dma_start3A_95 = tpu.memref_slice %arg7[%dma_start3A_92, %dma_start3A_93, %dma_start3A_94] : memref<79x2x128xi32, #tpu.memory_space<vmem>> -> memref<1x2x128xi32, #tpu.memory_space<vmem>>
        %dma_start3A_96 = arith.constant 0 : i32
        %dma_start3A_97 = arith.constant 0 : i32
        %dma_start3A_98 = tpu.memref_slice %arg3[%add3A_91, %dma_start3A_96, %dma_start3A_97] : memref<2500x2x128xi32, #tpu.memory_space<hbm>> -> memref<1x2x128xi32, #tpu.memory_space<hbm>>
        %dma_start3A_99 = arith.constant 78 : i32
        %dma_start3A_100 = arith.constant 0 : i32
        %dma_start3A_101 = arith.constant 0 : i32
        %dma_start3A_102 = tpu.memref_slice %arg7[%dma_start3A_99, %dma_start3A_100, %dma_start3A_101] : memref<79x2x128xi32, #tpu.memory_space<vmem>> -> memref<1x2x128xi32, #tpu.memory_space<vmem>>
        %dma_start3A_103 = arith.constant 0 : i32
        %dma_start3A_104 = arith.constant 0 : i32
        %dma_start3A_105 = tpu.memref_slice %arg3[%add3A_91, %dma_start3A_103, %dma_start3A_104] : memref<2500x2x128xi32, #tpu.memory_space<hbm>> -> memref<1x2x128xi32, #tpu.memory_space<hbm>>
        tpu.enqueue_dma source(%dma_start3A_105 : memref<1x2x128xi32, #tpu.memory_space<hbm>>) target(%dma_start3A_102 : memref<1x2x128xi32, #tpu.memory_space<vmem>>) target_semaphore(%run_scoped3A : memref<!tpu.dma_semaphore, #tpu.memory_space<semaphore_mem>>)
        %dma_wait3A = arith.constant 78 : i32
        %dma_wait3A_106 = arith.constant 0 : i32
        %dma_wait3A_107 = arith.constant 0 : i32
        %dma_wait3A_108 = tpu.memref_slice %arg7[%dma_wait3A, %dma_wait3A_106, %dma_wait3A_107] : memref<79x2x128xi32, #tpu.memory_space<vmem>> -> memref<1x2x128xi32, #tpu.memory_space<vmem>>
        %dma_wait3A_109 = arith.constant 0 : i32
        %dma_wait3A_110 = arith.constant 0 : i32
        %dma_wait3A_111 = tpu.memref_slice %arg3[%add3A_91, %dma_wait3A_109, %dma_wait3A_110] : memref<2500x2x128xi32, #tpu.memory_space<hbm>> -> memref<1x2x128xi32, #tpu.memory_space<hbm>>
        %dma_wait3A_112 = arith.constant 78 : i32
        %dma_wait3A_113 = arith.constant 0 : i32
        %dma_wait3A_114 = arith.constant 0 : i32
        %dma_wait3A_115 = tpu.memref_slice %arg7[%dma_wait3A_112, %dma_wait3A_113, %dma_wait3A_114] : memref<79x2x128xi32, #tpu.memory_space<vmem>> -> memref<1x2x128xi32, #tpu.memory_space<vmem>>
        %dma_wait3A_116 = arith.constant 0 : i32
        %dma_wait3A_117 = arith.constant 0 : i32
        %dma_wait3A_118 = tpu.memref_slice %arg3[%add3A_91, %dma_wait3A_116, %dma_wait3A_117] : memref<2500x2x128xi32, #tpu.memory_space<hbm>> -> memref<1x2x128xi32, #tpu.memory_space<hbm>>
        tpu.wait_dma2 semaphore(%run_scoped3A : memref<!tpu.dma_semaphore, #tpu.memory_space<semaphore_mem>>) src(%dma_wait3A_118 : memref<1x2x128xi32, #tpu.memory_space<hbm>>) dst(%dma_wait3A_115 : memref<1x2x128xi32, #tpu.memory_space<vmem>>)
        tpu.yield
      }) : () -> ()
    } else {
    }
    %dma_start3A = arith.constant 0 : i32
    %dma_start3A_12 = arith.constant 0 : i32
    %dma_start3A_13 = arith.constant 0 : i32
    %dma_start3A_14 = tpu.memref_slice %arg7[%dma_start3A, %dma_start3A_12, %dma_start3A_13] : memref<79x2x128xi32, #tpu.memory_space<vmem>> -> memref<1x1x128xi32, #tpu.memory_space<vmem>>
    %dma_start3A_15 = tpu.memref_squeeze %dma_start3A_14 : memref<1x1x128xi32, #tpu.memory_space<vmem>> -> memref<128xi32, #tpu.memory_space<vmem>>
    %dma_start3A_16 = arith.constant 0 : i32
    %dma_start3A_17 = arith.constant 0 : i32
    %dma_start3A_18 = tpu.memref_slice %arg2[%dma_start3A_16, %dma_start3A_17] : memref<10240x64xf32, #tpu.memory_space<hbm>> -> memref<10240x64xf32, #tpu.memory_space<hbm>>
    tpu.enqueue_indirect_dma source(%dma_start3A_18 : memref<10240x64xf32, #tpu.memory_space<hbm>>) target(%arg8 : memref<128x64xf32, #tpu.memory_space<vmem>>) offsets(%dma_start3A_15 : memref<128xi32, #tpu.memory_space<vmem>>) semaphore(%arg12 : memref<!tpu.dma_semaphore, #tpu.memory_space<semaphore_mem>>)
    %dma_start3A_19 = arith.constant 1 : i32
    %dma_start3A_20 = arith.constant 0 : i32
    %dma_start3A_21 = arith.constant 0 : i32
    %dma_start3A_22 = tpu.memref_slice %arg7[%dma_start3A_19, %dma_start3A_20, %dma_start3A_21] : memref<79x2x128xi32, #tpu.memory_space<vmem>> -> memref<1x1x128xi32, #tpu.memory_space<vmem>>
    %dma_start3A_23 = tpu.memref_squeeze %dma_start3A_22 : memref<1x1x128xi32, #tpu.memory_space<vmem>> -> memref<128xi32, #tpu.memory_space<vmem>>
    %dma_start3A_24 = arith.constant 0 : i32
    %dma_start3A_25 = arith.constant 0 : i32
    %dma_start3A_26 = tpu.memref_slice %arg2[%dma_start3A_24, %dma_start3A_25] : memref<10240x64xf32, #tpu.memory_space<hbm>> -> memref<10240x64xf32, #tpu.memory_space<hbm>>
    tpu.enqueue_indirect_dma source(%dma_start3A_26 : memref<10240x64xf32, #tpu.memory_space<hbm>>) target(%arg9 : memref<128x64xf32, #tpu.memory_space<vmem>>) offsets(%dma_start3A_23 : memref<128xi32, #tpu.memory_space<vmem>>) semaphore(%arg13 : memref<!tpu.dma_semaphore, #tpu.memory_space<semaphore_mem>>)
    %dma_start3A_27 = arith.constant 2 : i32
    %dma_start3A_28 = arith.constant 0 : i32
    %dma_start3A_29 = arith.constant 0 : i32
    %dma_start3A_30 = tpu.memref_slice %arg7[%dma_start3A_27, %dma_start3A_28, %dma_start3A_29] : memref<79x2x128xi32, #tpu.memory_space<vmem>> -> memref<1x1x128xi32, #tpu.memory_space<vmem>>
    %dma_start3A_31 = tpu.memref_squeeze %dma_start3A_30 : memref<1x1x128xi32, #tpu.memory_space<vmem>> -> memref<128xi32, #tpu.memory_space<vmem>>
    %dma_start3A_32 = arith.constant 0 : i32
    %dma_start3A_33 = arith.constant 0 : i32
    %dma_start3A_34 = tpu.memref_slice %arg2[%dma_start3A_32, %dma_start3A_33] : memref<10240x64xf32, #tpu.memory_space<hbm>> -> memref<10240x64xf32, #tpu.memory_space<hbm>>
    tpu.enqueue_indirect_dma source(%dma_start3A_34 : memref<10240x64xf32, #tpu.memory_space<hbm>>) target(%arg10 : memref<128x64xf32, #tpu.memory_space<vmem>>) offsets(%dma_start3A_31 : memref<128xi32, #tpu.memory_space<vmem>>) semaphore(%arg14 : memref<!tpu.dma_semaphore, #tpu.memory_space<semaphore_mem>>)
    %dma_start3A_35 = arith.constant 3 : i32
    %dma_start3A_36 = arith.constant 0 : i32
    %dma_start3A_37 = arith.constant 0 : i32
    %dma_start3A_38 = tpu.memref_slice %arg7[%dma_start3A_35, %dma_start3A_36, %dma_start3A_37] : memref<79x2x128xi32, #tpu.memory_space<vmem>> -> memref<1x1x128xi32, #tpu.memory_space<vmem>>
    %dma_start3A_39 = tpu.memref_squeeze %dma_start3A_38 : memref<1x1x128xi32, #tpu.memory_space<vmem>> -> memref<128xi32, #tpu.memory_space<vmem>>
    %dma_start3A_40 = arith.constant 0 : i32
    %dma_start3A_41 = arith.constant 0 : i32
    %dma_start3A_42 = tpu.memref_slice %arg2[%dma_start3A_40, %dma_start3A_41] : memref<10240x64xf32, #tpu.memory_space<hbm>> -> memref<10240x64xf32, #tpu.memory_space<hbm>>
    tpu.enqueue_indirect_dma source(%dma_start3A_42 : memref<10240x64xf32, #tpu.memory_space<hbm>>) target(%arg11 : memref<128x64xf32, #tpu.memory_space<vmem>>) offsets(%dma_start3A_39 : memref<128xi32, #tpu.memory_space<vmem>>) semaphore(%arg15 : memref<!tpu.dma_semaphore, #tpu.memory_space<semaphore_mem>>)
    %mul3A_43 = arith.constant 640 : i32
    %mul3A_44 = arith.muli %arg1, %mul3A_43 : i32
    "tpu.region"() ({
      %run_scoped3A = tpu.sem_alloc : memref<!tpu.dma_semaphore, #tpu.memory_space<semaphore_mem>>
      %dma_start3A_90 = arith.constant 0 : i32
      %dma_start3A_91 = tpu.memref_slice %arg6[%mul3A_44, %dma_start3A_90] : memref<10240x64xf32, #tpu.memory_space<vmem_shared>> -> memref<640x64xf32, #tpu.memory_space<vmem_shared>>
      tpu.enqueue_dma source(%arg4 : memref<640x64xf32, #tpu.memory_space<hbm>>) target(%dma_start3A_91 : memref<640x64xf32, #tpu.memory_space<vmem_shared>>) target_semaphore(%run_scoped3A : memref<!tpu.dma_semaphore, #tpu.memory_space<semaphore_mem>>)
      %dma_wait3A = arith.constant 0 : i32
      %dma_wait3A_92 = tpu.memref_slice %arg6[%mul3A_44, %dma_wait3A] : memref<10240x64xf32, #tpu.memory_space<vmem_shared>> -> memref<640x64xf32, #tpu.memory_space<vmem_shared>>
      tpu.wait_dma2 semaphore(%run_scoped3A : memref<!tpu.dma_semaphore, #tpu.memory_space<semaphore_mem>>) src(%arg4 : memref<640x64xf32, #tpu.memory_space<hbm>>) dst(%dma_wait3A_92 : memref<640x64xf32, #tpu.memory_space<vmem_shared>>)
      tpu.yield
    }) : () -> ()
    %barrier3A = arith.constant 0 : index
    tpu.barrier barrier_id(%barrier3A)
    %scan3A = arith.constant 0 : i32
    %scan3A_45 = arith.constant 0 : i32
    %scan3A_46 = arith.constant 19 : i32
    %scan3A_47 = arith.addi %scan3A_45, %scan3A_46 : i32
    %scan3A_48 = arith.constant 1 : i32
    scf.for %scan3A_90 = %scan3A_45 to %scan3A_47 step %scan3A_48  : i32 {
      %mul3A_91 = arith.constant 4 : i32
      %mul3A_92 = arith.muli %mul3A_91, %scan3A_90 : i32
      %add3A_93 = arith.constant 0 : i32
      %add3A_94 = arith.addi %mul3A_92, %add3A_93 : i32
      %ge3A = arith.constant 1 : i32
      %ge3A_95 = arith.cmpi sge, %add3A_94, %ge3A : i32
      %convert_element_type3A_96 = arith.extui %ge3A_95 : i1 to i32
      %cond3A_97 = arith.constant 0 : i32
      %cond3A_98 = arith.cmpi ne, %convert_element_type3A_96, %cond3A_97 : i32
      scf.if %cond3A_98 {
        %sub3A = arith.constant 1 : i32
        %sub3A_181 = arith.subi %add3A_94, %sub3A : i32
        %dma_wait3A_182 = arith.constant 1 : i32
        %dma_wait3A_183 = arith.constant 0 : i32
        %dma_wait3A_184 = tpu.memref_slice %arg7[%sub3A_181, %dma_wait3A_182, %dma_wait3A_183] : memref<79x2x128xi32, #tpu.memory_space<vmem>> -> memref<1x1x128xi32, #tpu.memory_space<vmem>>
        %dma_wait3A_185 = tpu.memref_squeeze %dma_wait3A_184 : memref<1x1x128xi32, #tpu.memory_space<vmem>> -> memref<128xi32, #tpu.memory_space<vmem>>
        %dma_wait3A_186 = arith.constant 0 : i32
        %dma_wait3A_187 = arith.constant 0 : i32
        %dma_wait3A_188 = tpu.memref_slice %arg6[%dma_wait3A_186, %dma_wait3A_187] : memref<10240x64xf32, #tpu.memory_space<vmem_shared>> -> memref<10240x64xf32, #tpu.memory_space<vmem_shared>>
        tpu.wait_indirect_dma semaphore(%arg19 : memref<!tpu.dma_semaphore, #tpu.memory_space<semaphore_mem>>) src(%arg11 : memref<128x64xf32, #tpu.memory_space<vmem>>) dst(%dma_wait3A_188 : memref<10240x64xf32, #tpu.memory_space<vmem_shared>>)
        %add3A_189 = arith.constant 4 : i32
        %add3A_190 = arith.addi %add3A_94, %add3A_189 : i32
        %sub3A_191 = arith.constant 1 : i32
        %sub3A_192 = arith.subi %add3A_190, %sub3A_191 : i32
        %lt3A_193 = arith.cmpi slt, %sub3A_192, %add3A_7 : i32
        %convert_element_type3A_194 = arith.extui %lt3A_193 : i1 to i32
        %cond3A_195 = arith.constant 0 : i32
        %cond3A_196 = arith.cmpi ne, %convert_element_type3A_194, %cond3A_195 : i32
        scf.if %cond3A_196 {
          %add3A_197 = arith.constant 4 : i32
          %add3A_198 = arith.addi %add3A_94, %add3A_197 : i32
          %sub3A_199 = arith.constant 1 : i32
          %sub3A_200 = arith.subi %add3A_198, %sub3A_199 : i32
          %dma_start3A_201 = arith.constant 0 : i32
          %dma_start3A_202 = arith.constant 0 : i32
          %dma_start3A_203 = tpu.memref_slice %arg7[%sub3A_200, %dma_start3A_201, %dma_start3A_202] : memref<79x2x128xi32, #tpu.memory_space<vmem>> -> memref<1x1x128xi32, #tpu.memory_space<vmem>>
          %dma_start3A_204 = tpu.memref_squeeze %dma_start3A_203 : memref<1x1x128xi32, #tpu.memory_space<vmem>> -> memref<128xi32, #tpu.memory_space<vmem>>
          %dma_start3A_205 = arith.constant 0 : i32
          %dma_start3A_206 = arith.constant 0 : i32
          %dma_start3A_207 = tpu.memref_slice %arg2[%dma_start3A_205, %dma_start3A_206] : memref<10240x64xf32, #tpu.memory_space<hbm>> -> memref<10240x64xf32, #tpu.memory_space<hbm>>
          tpu.enqueue_indirect_dma source(%dma_start3A_207 : memref<10240x64xf32, #tpu.memory_space<hbm>>) target(%arg11 : memref<128x64xf32, #tpu.memory_space<vmem>>) offsets(%dma_start3A_204 : memref<128xi32, #tpu.memory_space<vmem>>) semaphore(%arg15 : memref<!tpu.dma_semaphore, #tpu.memory_space<semaphore_mem>>)
        } else {
        }
      } else {
      }
      %dma_wait3A = arith.constant 0 : i32
      %dma_wait3A_99 = arith.constant 0 : i32
      %dma_wait3A_100 = tpu.memref_slice %arg7[%add3A_94, %dma_wait3A, %dma_wait3A_99] : memref<79x2x128xi32, #tpu.memory_space<vmem>> -> memref<1x1x128xi32, #tpu.memory_space<vmem>>
      %dma_wait3A_101 = tpu.memref_squeeze %dma_wait3A_100 : memref<1x1x128xi32, #tpu.memory_space<vmem>> -> memref<128xi32, #tpu.memory_space<vmem>>
      %dma_wait3A_102 = arith.constant 0 : i32
      %dma_wait3A_103 = arith.constant 0 : i32
      %dma_wait3A_104 = tpu.memref_slice %arg2[%dma_wait3A_102, %dma_wait3A_103] : memref<10240x64xf32, #tpu.memory_space<hbm>> -> memref<10240x64xf32, #tpu.memory_space<hbm>>
      tpu.wait_indirect_dma semaphore(%arg12 : memref<!tpu.dma_semaphore, #tpu.memory_space<semaphore_mem>>) src(%dma_wait3A_104 : memref<10240x64xf32, #tpu.memory_space<hbm>>) dst(%arg8 : memref<128x64xf32, #tpu.memory_space<vmem>>)
      %dma_start3A_105 = arith.constant 1 : i32
      %dma_start3A_106 = arith.constant 0 : i32
      %dma_start3A_107 = tpu.memref_slice %arg7[%add3A_94, %dma_start3A_105, %dma_start3A_106] : memref<79x2x128xi32, #tpu.memory_space<vmem>> -> memref<1x1x128xi32, #tpu.memory_space<vmem>>
      %dma_start3A_108 = tpu.memref_squeeze %dma_start3A_107 : memref<1x1x128xi32, #tpu.memory_space<vmem>> -> memref<128xi32, #tpu.memory_space<vmem>>
      %dma_start3A_109 = arith.constant 0 : i32
      %dma_start3A_110 = arith.constant 0 : i32
      %dma_start3A_111 = tpu.memref_slice %arg6[%dma_start3A_109, %dma_start3A_110] : memref<10240x64xf32, #tpu.memory_space<vmem_shared>> -> memref<10240x64xf32, #tpu.memory_space<vmem_shared>>
      tpu.enqueue_indirect_dma source(%arg8 : memref<128x64xf32, #tpu.memory_space<vmem>>) target(%dma_start3A_111 : memref<10240x64xf32, #tpu.memory_space<vmem_shared>>) offsets(%dma_start3A_108 : memref<128xi32, #tpu.memory_space<vmem>>) semaphore(%arg16 : memref<!tpu.dma_semaphore, #tpu.memory_space<semaphore_mem>>) {add = true}
      %mul3A_112 = arith.constant 4 : i32
      %mul3A_113 = arith.muli %mul3A_112, %scan3A_90 : i32
      %add3A_114 = arith.constant 1 : i32
      %add3A_115 = arith.addi %mul3A_113, %add3A_114 : i32
      %ge3A_116 = arith.constant 1 : i32
      %ge3A_117 = arith.cmpi sge, %add3A_115, %ge3A_116 : i32
      %convert_element_type3A_118 = arith.extui %ge3A_117 : i1 to i32
      %cond3A_119 = arith.constant 0 : i32
      %cond3A_120 = arith.cmpi ne, %convert_element_type3A_118, %cond3A_119 : i32
      scf.if %cond3A_120 {
        %sub3A = arith.constant 1 : i32
        %sub3A_181 = arith.subi %add3A_115, %sub3A : i32
        %dma_wait3A_182 = arith.constant 1 : i32
        %dma_wait3A_183 = arith.constant 0 : i32
        %dma_wait3A_184 = tpu.memref_slice %arg7[%sub3A_181, %dma_wait3A_182, %dma_wait3A_183] : memref<79x2x128xi32, #tpu.memory_space<vmem>> -> memref<1x1x128xi32, #tpu.memory_space<vmem>>
        %dma_wait3A_185 = tpu.memref_squeeze %dma_wait3A_184 : memref<1x1x128xi32, #tpu.memory_space<vmem>> -> memref<128xi32, #tpu.memory_space<vmem>>
        %dma_wait3A_186 = arith.constant 0 : i32
        %dma_wait3A_187 = arith.constant 0 : i32
        %dma_wait3A_188 = tpu.memref_slice %arg6[%dma_wait3A_186, %dma_wait3A_187] : memref<10240x64xf32, #tpu.memory_space<vmem_shared>> -> memref<10240x64xf32, #tpu.memory_space<vmem_shared>>
        tpu.wait_indirect_dma semaphore(%arg16 : memref<!tpu.dma_semaphore, #tpu.memory_space<semaphore_mem>>) src(%arg8 : memref<128x64xf32, #tpu.memory_space<vmem>>) dst(%dma_wait3A_188 : memref<10240x64xf32, #tpu.memory_space<vmem_shared>>)
        %add3A_189 = arith.constant 4 : i32
        %add3A_190 = arith.addi %add3A_115, %add3A_189 : i32
        %sub3A_191 = arith.constant 1 : i32
        %sub3A_192 = arith.subi %add3A_190, %sub3A_191 : i32
        %lt3A_193 = arith.cmpi slt, %sub3A_192, %add3A_7 : i32
        %convert_element_type3A_194 = arith.extui %lt3A_193 : i1 to i32
        %cond3A_195 = arith.constant 0 : i32
        %cond3A_196 = arith.cmpi ne, %convert_element_type3A_194, %cond3A_195 : i32
        scf.if %cond3A_196 {
          %add3A_197 = arith.constant 4 : i32
          %add3A_198 = arith.addi %add3A_115, %add3A_197 : i32
          %sub3A_199 = arith.constant 1 : i32
          %sub3A_200 = arith.subi %add3A_198, %sub3A_199 : i32
          %dma_start3A_201 = arith.constant 0 : i32
          %dma_start3A_202 = arith.constant 0 : i32
          %dma_start3A_203 = tpu.memref_slice %arg7[%sub3A_200, %dma_start3A_201, %dma_start3A_202] : memref<79x2x128xi32, #tpu.memory_space<vmem>> -> memref<1x1x128xi32, #tpu.memory_space<vmem>>
          %dma_start3A_204 = tpu.memref_squeeze %dma_start3A_203 : memref<1x1x128xi32, #tpu.memory_space<vmem>> -> memref<128xi32, #tpu.memory_space<vmem>>
          %dma_start3A_205 = arith.constant 0 : i32
          %dma_start3A_206 = arith.constant 0 : i32
          %dma_start3A_207 = tpu.memref_slice %arg2[%dma_start3A_205, %dma_start3A_206] : memref<10240x64xf32, #tpu.memory_space<hbm>> -> memref<10240x64xf32, #tpu.memory_space<hbm>>
          tpu.enqueue_indirect_dma source(%dma_start3A_207 : memref<10240x64xf32, #tpu.memory_space<hbm>>) target(%arg8 : memref<128x64xf32, #tpu.memory_space<vmem>>) offsets(%dma_start3A_204 : memref<128xi32, #tpu.memory_space<vmem>>) semaphore(%arg12 : memref<!tpu.dma_semaphore, #tpu.memory_space<semaphore_mem>>)
        } else {
        }
      } else {
      }
      %dma_wait3A_121 = arith.constant 0 : i32
      %dma_wait3A_122 = arith.constant 0 : i32
      %dma_wait3A_123 = tpu.memref_slice %arg7[%add3A_115, %dma_wait3A_121, %dma_wait3A_122] : memref<79x2x128xi32, #tpu.memory_space<vmem>> -> memref<1x1x128xi32, #tpu.memory_space<vmem>>
      %dma_wait3A_124 = tpu.memref_squeeze %dma_wait3A_123 : memref<1x1x128xi32, #tpu.memory_space<vmem>> -> memref<128xi32, #tpu.memory_space<vmem>>
      %dma_wait3A_125 = arith.constant 0 : i32
      %dma_wait3A_126 = arith.constant 0 : i32
      %dma_wait3A_127 = tpu.memref_slice %arg2[%dma_wait3A_125, %dma_wait3A_126] : memref<10240x64xf32, #tpu.memory_space<hbm>> -> memref<10240x64xf32, #tpu.memory_space<hbm>>
      tpu.wait_indirect_dma semaphore(%arg13 : memref<!tpu.dma_semaphore, #tpu.memory_space<semaphore_mem>>) src(%dma_wait3A_127 : memref<10240x64xf32, #tpu.memory_space<hbm>>) dst(%arg9 : memref<128x64xf32, #tpu.memory_space<vmem>>)
      %dma_start3A_128 = arith.constant 1 : i32
      %dma_start3A_129 = arith.constant 0 : i32
      %dma_start3A_130 = tpu.memref_slice %arg7[%add3A_115, %dma_start3A_128, %dma_start3A_129] : memref<79x2x128xi32, #tpu.memory_space<vmem>> -> memref<1x1x128xi32, #tpu.memory_space<vmem>>
      %dma_start3A_131 = tpu.memref_squeeze %dma_start3A_130 : memref<1x1x128xi32, #tpu.memory_space<vmem>> -> memref<128xi32, #tpu.memory_space<vmem>>
      %dma_start3A_132 = arith.constant 0 : i32
      %dma_start3A_133 = arith.constant 0 : i32
      %dma_start3A_134 = tpu.memref_slice %arg6[%dma_start3A_132, %dma_start3A_133] : memref<10240x64xf32, #tpu.memory_space<vmem_shared>> -> memref<10240x64xf32, #tpu.memory_space<vmem_shared>>
      tpu.enqueue_indirect_dma source(%arg9 : memref<128x64xf32, #tpu.memory_space<vmem>>) target(%dma_start3A_134 : memref<10240x64xf32, #tpu.memory_space<vmem_shared>>) offsets(%dma_start3A_131 : memref<128xi32, #tpu.memory_space<vmem>>) semaphore(%arg17 : memref<!tpu.dma_semaphore, #tpu.memory_space<semaphore_mem>>) {add = true}
      %mul3A_135 = arith.constant 4 : i32
      %mul3A_136 = arith.muli %mul3A_135, %scan3A_90 : i32
      %add3A_137 = arith.constant 2 : i32
      %add3A_138 = arith.addi %mul3A_136, %add3A_137 : i32
      %ge3A_139 = arith.constant 1 : i32
      %ge3A_140 = arith.cmpi sge, %add3A_138, %ge3A_139 : i32
      %convert_element_type3A_141 = arith.extui %ge3A_140 : i1 to i32
      %cond3A_142 = arith.constant 0 : i32
      %cond3A_143 = arith.cmpi ne, %convert_element_type3A_141, %cond3A_142 : i32
      scf.if %cond3A_143 {
        %sub3A = arith.constant 1 : i32
        %sub3A_181 = arith.subi %add3A_138, %sub3A : i32
        %dma_wait3A_182 = arith.constant 1 : i32
        %dma_wait3A_183 = arith.constant 0 : i32
        %dma_wait3A_184 = tpu.memref_slice %arg7[%sub3A_181, %dma_wait3A_182, %dma_wait3A_183] : memref<79x2x128xi32, #tpu.memory_space<vmem>> -> memref<1x1x128xi32, #tpu.memory_space<vmem>>
        %dma_wait3A_185 = tpu.memref_squeeze %dma_wait3A_184 : memref<1x1x128xi32, #tpu.memory_space<vmem>> -> memref<128xi32, #tpu.memory_space<vmem>>
        %dma_wait3A_186 = arith.constant 0 : i32
        %dma_wait3A_187 = arith.constant 0 : i32
        %dma_wait3A_188 = tpu.memref_slice %arg6[%dma_wait3A_186, %dma_wait3A_187] : memref<10240x64xf32, #tpu.memory_space<vmem_shared>> -> memref<10240x64xf32, #tpu.memory_space<vmem_shared>>
        tpu.wait_indirect_dma semaphore(%arg17 : memref<!tpu.dma_semaphore, #tpu.memory_space<semaphore_mem>>) src(%arg9 : memref<128x64xf32, #tpu.memory_space<vmem>>) dst(%dma_wait3A_188 : memref<10240x64xf32, #tpu.memory_space<vmem_shared>>)
        %add3A_189 = arith.constant 4 : i32
        %add3A_190 = arith.addi %add3A_138, %add3A_189 : i32
        %sub3A_191 = arith.constant 1 : i32
        %sub3A_192 = arith.subi %add3A_190, %sub3A_191 : i32
        %lt3A_193 = arith.cmpi slt, %sub3A_192, %add3A_7 : i32
        %convert_element_type3A_194 = arith.extui %lt3A_193 : i1 to i32
        %cond3A_195 = arith.constant 0 : i32
        %cond3A_196 = arith.cmpi ne, %convert_element_type3A_194, %cond3A_195 : i32
        scf.if %cond3A_196 {
          %add3A_197 = arith.constant 4 : i32
          %add3A_198 = arith.addi %add3A_138, %add3A_197 : i32
          %sub3A_199 = arith.constant 1 : i32
          %sub3A_200 = arith.subi %add3A_198, %sub3A_199 : i32
          %dma_start3A_201 = arith.constant 0 : i32
          %dma_start3A_202 = arith.constant 0 : i32
          %dma_start3A_203 = tpu.memref_slice %arg7[%sub3A_200, %dma_start3A_201, %dma_start3A_202] : memref<79x2x128xi32, #tpu.memory_space<vmem>> -> memref<1x1x128xi32, #tpu.memory_space<vmem>>
          %dma_start3A_204 = tpu.memref_squeeze %dma_start3A_203 : memref<1x1x128xi32, #tpu.memory_space<vmem>> -> memref<128xi32, #tpu.memory_space<vmem>>
          %dma_start3A_205 = arith.constant 0 : i32
          %dma_start3A_206 = arith.constant 0 : i32
          %dma_start3A_207 = tpu.memref_slice %arg2[%dma_start3A_205, %dma_start3A_206] : memref<10240x64xf32, #tpu.memory_space<hbm>> -> memref<10240x64xf32, #tpu.memory_space<hbm>>
          tpu.enqueue_indirect_dma source(%dma_start3A_207 : memref<10240x64xf32, #tpu.memory_space<hbm>>) target(%arg9 : memref<128x64xf32, #tpu.memory_space<vmem>>) offsets(%dma_start3A_204 : memref<128xi32, #tpu.memory_space<vmem>>) semaphore(%arg13 : memref<!tpu.dma_semaphore, #tpu.memory_space<semaphore_mem>>)
        } else {
        }
      } else {
      }
      %dma_wait3A_144 = arith.constant 0 : i32
      %dma_wait3A_145 = arith.constant 0 : i32
      %dma_wait3A_146 = tpu.memref_slice %arg7[%add3A_138, %dma_wait3A_144, %dma_wait3A_145] : memref<79x2x128xi32, #tpu.memory_space<vmem>> -> memref<1x1x128xi32, #tpu.memory_space<vmem>>
      %dma_wait3A_147 = tpu.memref_squeeze %dma_wait3A_146 : memref<1x1x128xi32, #tpu.memory_space<vmem>> -> memref<128xi32, #tpu.memory_space<vmem>>
      %dma_wait3A_148 = arith.constant 0 : i32
      %dma_wait3A_149 = arith.constant 0 : i32
      %dma_wait3A_150 = tpu.memref_slice %arg2[%dma_wait3A_148, %dma_wait3A_149] : memref<10240x64xf32, #tpu.memory_space<hbm>> -> memref<10240x64xf32, #tpu.memory_space<hbm>>
      tpu.wait_indirect_dma semaphore(%arg14 : memref<!tpu.dma_semaphore, #tpu.memory_space<semaphore_mem>>) src(%dma_wait3A_150 : memref<10240x64xf32, #tpu.memory_space<hbm>>) dst(%arg10 : memref<128x64xf32, #tpu.memory_space<vmem>>)
      %dma_start3A_151 = arith.constant 1 : i32
      %dma_start3A_152 = arith.constant 0 : i32
      %dma_start3A_153 = tpu.memref_slice %arg7[%add3A_138, %dma_start3A_151, %dma_start3A_152] : memref<79x2x128xi32, #tpu.memory_space<vmem>> -> memref<1x1x128xi32, #tpu.memory_space<vmem>>
      %dma_start3A_154 = tpu.memref_squeeze %dma_start3A_153 : memref<1x1x128xi32, #tpu.memory_space<vmem>> -> memref<128xi32, #tpu.memory_space<vmem>>
      %dma_start3A_155 = arith.constant 0 : i32
      %dma_start3A_156 = arith.constant 0 : i32
      %dma_start3A_157 = tpu.memref_slice %arg6[%dma_start3A_155, %dma_start3A_156] : memref<10240x64xf32, #tpu.memory_space<vmem_shared>> -> memref<10240x64xf32, #tpu.memory_space<vmem_shared>>
      tpu.enqueue_indirect_dma source(%arg10 : memref<128x64xf32, #tpu.memory_space<vmem>>) target(%dma_start3A_157 : memref<10240x64xf32, #tpu.memory_space<vmem_shared>>) offsets(%dma_start3A_154 : memref<128xi32, #tpu.memory_space<vmem>>) semaphore(%arg18 : memref<!tpu.dma_semaphore, #tpu.memory_space<semaphore_mem>>) {add = true}
      %mul3A_158 = arith.constant 4 : i32
      %mul3A_159 = arith.muli %mul3A_158, %scan3A_90 : i32
      %add3A_160 = arith.constant 3 : i32
      %add3A_161 = arith.addi %mul3A_159, %add3A_160 : i32
      %ge3A_162 = arith.constant 1 : i32
      %ge3A_163 = arith.cmpi sge, %add3A_161, %ge3A_162 : i32
      %convert_element_type3A_164 = arith.extui %ge3A_163 : i1 to i32
      %cond3A_165 = arith.constant 0 : i32
      %cond3A_166 = arith.cmpi ne, %convert_element_type3A_164, %cond3A_165 : i32
      scf.if %cond3A_166 {
        %sub3A = arith.constant 1 : i32
        %sub3A_181 = arith.subi %add3A_161, %sub3A : i32
        %dma_wait3A_182 = arith.constant 1 : i32
        %dma_wait3A_183 = arith.constant 0 : i32
        %dma_wait3A_184 = tpu.memref_slice %arg7[%sub3A_181, %dma_wait3A_182, %dma_wait3A_183] : memref<79x2x128xi32, #tpu.memory_space<vmem>> -> memref<1x1x128xi32, #tpu.memory_space<vmem>>
        %dma_wait3A_185 = tpu.memref_squeeze %dma_wait3A_184 : memref<1x1x128xi32, #tpu.memory_space<vmem>> -> memref<128xi32, #tpu.memory_space<vmem>>
        %dma_wait3A_186 = arith.constant 0 : i32
        %dma_wait3A_187 = arith.constant 0 : i32
        %dma_wait3A_188 = tpu.memref_slice %arg6[%dma_wait3A_186, %dma_wait3A_187] : memref<10240x64xf32, #tpu.memory_space<vmem_shared>> -> memref<10240x64xf32, #tpu.memory_space<vmem_shared>>
        tpu.wait_indirect_dma semaphore(%arg18 : memref<!tpu.dma_semaphore, #tpu.memory_space<semaphore_mem>>) src(%arg10 : memref<128x64xf32, #tpu.memory_space<vmem>>) dst(%dma_wait3A_188 : memref<10240x64xf32, #tpu.memory_space<vmem_shared>>)
        %add3A_189 = arith.constant 4 : i32
        %add3A_190 = arith.addi %add3A_161, %add3A_189 : i32
        %sub3A_191 = arith.constant 1 : i32
        %sub3A_192 = arith.subi %add3A_190, %sub3A_191 : i32
        %lt3A_193 = arith.cmpi slt, %sub3A_192, %add3A_7 : i32
        %convert_element_type3A_194 = arith.extui %lt3A_193 : i1 to i32
        %cond3A_195 = arith.constant 0 : i32
        %cond3A_196 = arith.cmpi ne, %convert_element_type3A_194, %cond3A_195 : i32
        scf.if %cond3A_196 {
          %add3A_197 = arith.constant 4 : i32
          %add3A_198 = arith.addi %add3A_161, %add3A_197 : i32
          %sub3A_199 = arith.constant 1 : i32
          %sub3A_200 = arith.subi %add3A_198, %sub3A_199 : i32
          %dma_start3A_201 = arith.constant 0 : i32
          %dma_start3A_202 = arith.constant 0 : i32
          %dma_start3A_203 = tpu.memref_slice %arg7[%sub3A_200, %dma_start3A_201, %dma_start3A_202] : memref<79x2x128xi32, #tpu.memory_space<vmem>> -> memref<1x1x128xi32, #tpu.memory_space<vmem>>
          %dma_start3A_204 = tpu.memref_squeeze %dma_start3A_203 : memref<1x1x128xi32, #tpu.memory_space<vmem>> -> memref<128xi32, #tpu.memory_space<vmem>>
          %dma_start3A_205 = arith.constant 0 : i32
          %dma_start3A_206 = arith.constant 0 : i32
          %dma_start3A_207 = tpu.memref_slice %arg2[%dma_start3A_205, %dma_start3A_206] : memref<10240x64xf32, #tpu.memory_space<hbm>> -> memref<10240x64xf32, #tpu.memory_space<hbm>>
          tpu.enqueue_indirect_dma source(%dma_start3A_207 : memref<10240x64xf32, #tpu.memory_space<hbm>>) target(%arg10 : memref<128x64xf32, #tpu.memory_space<vmem>>) offsets(%dma_start3A_204 : memref<128xi32, #tpu.memory_space<vmem>>) semaphore(%arg14 : memref<!tpu.dma_semaphore, #tpu.memory_space<semaphore_mem>>)
        } else {
        }
      } else {
      }
      %dma_wait3A_167 = arith.constant 0 : i32
      %dma_wait3A_168 = arith.constant 0 : i32
      %dma_wait3A_169 = tpu.memref_slice %arg7[%add3A_161, %dma_wait3A_167, %dma_wait3A_168] : memref<79x2x128xi32, #tpu.memory_space<vmem>> -> memref<1x1x128xi32, #tpu.memory_space<vmem>>
      %dma_wait3A_170 = tpu.memref_squeeze %dma_wait3A_169 : memref<1x1x128xi32, #tpu.memory_space<vmem>> -> memref<128xi32, #tpu.memory_space<vmem>>
      %dma_wait3A_171 = arith.constant 0 : i32
      %dma_wait3A_172 = arith.constant 0 : i32
      %dma_wait3A_173 = tpu.memref_slice %arg2[%dma_wait3A_171, %dma_wait3A_172] : memref<10240x64xf32, #tpu.memory_space<hbm>> -> memref<10240x64xf32, #tpu.memory_space<hbm>>
      tpu.wait_indirect_dma semaphore(%arg15 : memref<!tpu.dma_semaphore, #tpu.memory_space<semaphore_mem>>) src(%dma_wait3A_173 : memref<10240x64xf32, #tpu.memory_space<hbm>>) dst(%arg11 : memref<128x64xf32, #tpu.memory_space<vmem>>)
      %dma_start3A_174 = arith.constant 1 : i32
      %dma_start3A_175 = arith.constant 0 : i32
      %dma_start3A_176 = tpu.memref_slice %arg7[%add3A_161, %dma_start3A_174, %dma_start3A_175] : memref<79x2x128xi32, #tpu.memory_space<vmem>> -> memref<1x1x128xi32, #tpu.memory_space<vmem>>
      %dma_start3A_177 = tpu.memref_squeeze %dma_start3A_176 : memref<1x1x128xi32, #tpu.memory_space<vmem>> -> memref<128xi32, #tpu.memory_space<vmem>>
      %dma_start3A_178 = arith.constant 0 : i32
      %dma_start3A_179 = arith.constant 0 : i32
      %dma_start3A_180 = tpu.memref_slice %arg6[%dma_start3A_178, %dma_start3A_179] : memref<10240x64xf32, #tpu.memory_space<vmem_shared>> -> memref<10240x64xf32, #tpu.memory_space<vmem_shared>>
      tpu.enqueue_indirect_dma source(%arg11 : memref<128x64xf32, #tpu.memory_space<vmem>>) target(%dma_start3A_180 : memref<10240x64xf32, #tpu.memory_space<vmem_shared>>) offsets(%dma_start3A_177 : memref<128xi32, #tpu.memory_space<vmem>>) semaphore(%arg19 : memref<!tpu.dma_semaphore, #tpu.memory_space<semaphore_mem>>) {add = true}
    }
    %scan3A_49 = arith.constant 19 : i32
    %gt3A = arith.constant 75 : i32
    %gt3A_50 = arith.cmpi sgt, %add3A_7, %gt3A : i32
    %convert_element_type3A_51 = arith.extui %gt3A_50 : i1 to i32
    %cond3A_52 = arith.constant 0 : i32
    %cond3A_53 = arith.cmpi ne, %convert_element_type3A_51, %cond3A_52 : i32
    scf.if %cond3A_53 {
      %dma_wait3A = arith.constant 75 : i32
      %dma_wait3A_90 = arith.constant 1 : i32
      %dma_wait3A_91 = arith.constant 0 : i32
      %dma_wait3A_92 = tpu.memref_slice %arg7[%dma_wait3A, %dma_wait3A_90, %dma_wait3A_91] : memref<79x2x128xi32, #tpu.memory_space<vmem>> -> memref<1x1x128xi32, #tpu.memory_space<vmem>>
      %dma_wait3A_93 = tpu.memref_squeeze %dma_wait3A_92 : memref<1x1x128xi32, #tpu.memory_space<vmem>> -> memref<128xi32, #tpu.memory_space<vmem>>
      %dma_wait3A_94 = arith.constant 0 : i32
      %dma_wait3A_95 = arith.constant 0 : i32
      %dma_wait3A_96 = tpu.memref_slice %arg6[%dma_wait3A_94, %dma_wait3A_95] : memref<10240x64xf32, #tpu.memory_space<vmem_shared>> -> memref<10240x64xf32, #tpu.memory_space<vmem_shared>>
      tpu.wait_indirect_dma semaphore(%arg19 : memref<!tpu.dma_semaphore, #tpu.memory_space<semaphore_mem>>) src(%arg11 : memref<128x64xf32, #tpu.memory_space<vmem>>) dst(%dma_wait3A_96 : memref<10240x64xf32, #tpu.memory_space<vmem_shared>>)
    } else {
    }
    %gt3A_54 = arith.constant 76 : i32
    %gt3A_55 = arith.cmpi sgt, %add3A_7, %gt3A_54 : i32
    %convert_element_type3A_56 = arith.extui %gt3A_55 : i1 to i32
    %cond3A_57 = arith.constant 0 : i32
    %cond3A_58 = arith.cmpi ne, %convert_element_type3A_56, %cond3A_57 : i32
    scf.if %cond3A_58 {
      %dma_wait3A = arith.constant 76 : i32
      %dma_wait3A_90 = arith.constant 0 : i32
      %dma_wait3A_91 = arith.constant 0 : i32
      %dma_wait3A_92 = tpu.memref_slice %arg7[%dma_wait3A, %dma_wait3A_90, %dma_wait3A_91] : memref<79x2x128xi32, #tpu.memory_space<vmem>> -> memref<1x1x128xi32, #tpu.memory_space<vmem>>
      %dma_wait3A_93 = tpu.memref_squeeze %dma_wait3A_92 : memref<1x1x128xi32, #tpu.memory_space<vmem>> -> memref<128xi32, #tpu.memory_space<vmem>>
      %dma_wait3A_94 = arith.constant 0 : i32
      %dma_wait3A_95 = arith.constant 0 : i32
      %dma_wait3A_96 = tpu.memref_slice %arg2[%dma_wait3A_94, %dma_wait3A_95] : memref<10240x64xf32, #tpu.memory_space<hbm>> -> memref<10240x64xf32, #tpu.memory_space<hbm>>
      tpu.wait_indirect_dma semaphore(%arg12 : memref<!tpu.dma_semaphore, #tpu.memory_space<semaphore_mem>>) src(%dma_wait3A_96 : memref<10240x64xf32, #tpu.memory_space<hbm>>) dst(%arg8 : memref<128x64xf32, #tpu.memory_space<vmem>>)
      %dma_start3A_97 = arith.constant 76 : i32
      %dma_start3A_98 = arith.constant 1 : i32
      %dma_start3A_99 = arith.constant 0 : i32
      %dma_start3A_100 = tpu.memref_slice %arg7[%dma_start3A_97, %dma_start3A_98, %dma_start3A_99] : memref<79x2x128xi32, #tpu.memory_space<vmem>> -> memref<1x1x128xi32, #tpu.memory_space<vmem>>
      %dma_start3A_101 = tpu.memref_squeeze %dma_start3A_100 : memref<1x1x128xi32, #tpu.memory_space<vmem>> -> memref<128xi32, #tpu.memory_space<vmem>>
      %dma_start3A_102 = arith.constant 0 : i32
      %dma_start3A_103 = arith.constant 0 : i32
      %dma_start3A_104 = tpu.memref_slice %arg6[%dma_start3A_102, %dma_start3A_103] : memref<10240x64xf32, #tpu.memory_space<vmem_shared>> -> memref<10240x64xf32, #tpu.memory_space<vmem_shared>>
      tpu.enqueue_indirect_dma source(%arg8 : memref<128x64xf32, #tpu.memory_space<vmem>>) target(%dma_start3A_104 : memref<10240x64xf32, #tpu.memory_space<vmem_shared>>) offsets(%dma_start3A_101 : memref<128xi32, #tpu.memory_space<vmem>>) semaphore(%arg16 : memref<!tpu.dma_semaphore, #tpu.memory_space<semaphore_mem>>) {add = true}
    } else {
    }
    %gt3A_59 = arith.constant 76 : i32
    %gt3A_60 = arith.cmpi sgt, %add3A_7, %gt3A_59 : i32
    %convert_element_type3A_61 = arith.extui %gt3A_60 : i1 to i32
    %cond3A_62 = arith.constant 0 : i32
    %cond3A_63 = arith.cmpi ne, %convert_element_type3A_61, %cond3A_62 : i32
    scf.if %cond3A_63 {
      %dma_wait3A = arith.constant 76 : i32
      %dma_wait3A_90 = arith.constant 1 : i32
      %dma_wait3A_91 = arith.constant 0 : i32
      %dma_wait3A_92 = tpu.memref_slice %arg7[%dma_wait3A, %dma_wait3A_90, %dma_wait3A_91] : memref<79x2x128xi32, #tpu.memory_space<vmem>> -> memref<1x1x128xi32, #tpu.memory_space<vmem>>
      %dma_wait3A_93 = tpu.memref_squeeze %dma_wait3A_92 : memref<1x1x128xi32, #tpu.memory_space<vmem>> -> memref<128xi32, #tpu.memory_space<vmem>>
      %dma_wait3A_94 = arith.constant 0 : i32
      %dma_wait3A_95 = arith.constant 0 : i32
      %dma_wait3A_96 = tpu.memref_slice %arg6[%dma_wait3A_94, %dma_wait3A_95] : memref<10240x64xf32, #tpu.memory_space<vmem_shared>> -> memref<10240x64xf32, #tpu.memory_space<vmem_shared>>
      tpu.wait_indirect_dma semaphore(%arg16 : memref<!tpu.dma_semaphore, #tpu.memory_space<semaphore_mem>>) src(%arg8 : memref<128x64xf32, #tpu.memory_space<vmem>>) dst(%dma_wait3A_96 : memref<10240x64xf32, #tpu.memory_space<vmem_shared>>)
    } else {
    }
    %gt3A_64 = arith.constant 77 : i32
    %gt3A_65 = arith.cmpi sgt, %add3A_7, %gt3A_64 : i32
    %convert_element_type3A_66 = arith.extui %gt3A_65 : i1 to i32
    %cond3A_67 = arith.constant 0 : i32
    %cond3A_68 = arith.cmpi ne, %convert_element_type3A_66, %cond3A_67 : i32
    scf.if %cond3A_68 {
      %dma_wait3A = arith.constant 77 : i32
      %dma_wait3A_90 = arith.constant 0 : i32
      %dma_wait3A_91 = arith.constant 0 : i32
      %dma_wait3A_92 = tpu.memref_slice %arg7[%dma_wait3A, %dma_wait3A_90, %dma_wait3A_91] : memref<79x2x128xi32, #tpu.memory_space<vmem>> -> memref<1x1x128xi32, #tpu.memory_space<vmem>>
      %dma_wait3A_93 = tpu.memref_squeeze %dma_wait3A_92 : memref<1x1x128xi32, #tpu.memory_space<vmem>> -> memref<128xi32, #tpu.memory_space<vmem>>
      %dma_wait3A_94 = arith.constant 0 : i32
      %dma_wait3A_95 = arith.constant 0 : i32
      %dma_wait3A_96 = tpu.memref_slice %arg2[%dma_wait3A_94, %dma_wait3A_95] : memref<10240x64xf32, #tpu.memory_space<hbm>> -> memref<10240x64xf32, #tpu.memory_space<hbm>>
      tpu.wait_indirect_dma semaphore(%arg13 : memref<!tpu.dma_semaphore, #tpu.memory_space<semaphore_mem>>) src(%dma_wait3A_96 : memref<10240x64xf32, #tpu.memory_space<hbm>>) dst(%arg9 : memref<128x64xf32, #tpu.memory_space<vmem>>)
      %dma_start3A_97 = arith.constant 77 : i32
      %dma_start3A_98 = arith.constant 1 : i32
      %dma_start3A_99 = arith.constant 0 : i32
      %dma_start3A_100 = tpu.memref_slice %arg7[%dma_start3A_97, %dma_start3A_98, %dma_start3A_99] : memref<79x2x128xi32, #tpu.memory_space<vmem>> -> memref<1x1x128xi32, #tpu.memory_space<vmem>>
      %dma_start3A_101 = tpu.memref_squeeze %dma_start3A_100 : memref<1x1x128xi32, #tpu.memory_space<vmem>> -> memref<128xi32, #tpu.memory_space<vmem>>
      %dma_start3A_102 = arith.constant 0 : i32
      %dma_start3A_103 = arith.constant 0 : i32
      %dma_start3A_104 = tpu.memref_slice %arg6[%dma_start3A_102, %dma_start3A_103] : memref<10240x64xf32, #tpu.memory_space<vmem_shared>> -> memref<10240x64xf32, #tpu.memory_space<vmem_shared>>
      tpu.enqueue_indirect_dma source(%arg9 : memref<128x64xf32, #tpu.memory_space<vmem>>) target(%dma_start3A_104 : memref<10240x64xf32, #tpu.memory_space<vmem_shared>>) offsets(%dma_start3A_101 : memref<128xi32, #tpu.memory_space<vmem>>) semaphore(%arg17 : memref<!tpu.dma_semaphore, #tpu.memory_space<semaphore_mem>>) {add = true}
    } else {
    }
    %gt3A_69 = arith.constant 77 : i32
    %gt3A_70 = arith.cmpi sgt, %add3A_7, %gt3A_69 : i32
    %convert_element_type3A_71 = arith.extui %gt3A_70 : i1 to i32
    %cond3A_72 = arith.constant 0 : i32
    %cond3A_73 = arith.cmpi ne, %convert_element_type3A_71, %cond3A_72 : i32
    scf.if %cond3A_73 {
      %dma_wait3A = arith.constant 77 : i32
      %dma_wait3A_90 = arith.constant 1 : i32
      %dma_wait3A_91 = arith.constant 0 : i32
      %dma_wait3A_92 = tpu.memref_slice %arg7[%dma_wait3A, %dma_wait3A_90, %dma_wait3A_91] : memref<79x2x128xi32, #tpu.memory_space<vmem>> -> memref<1x1x128xi32, #tpu.memory_space<vmem>>
      %dma_wait3A_93 = tpu.memref_squeeze %dma_wait3A_92 : memref<1x1x128xi32, #tpu.memory_space<vmem>> -> memref<128xi32, #tpu.memory_space<vmem>>
      %dma_wait3A_94 = arith.constant 0 : i32
      %dma_wait3A_95 = arith.constant 0 : i32
      %dma_wait3A_96 = tpu.memref_slice %arg6[%dma_wait3A_94, %dma_wait3A_95] : memref<10240x64xf32, #tpu.memory_space<vmem_shared>> -> memref<10240x64xf32, #tpu.memory_space<vmem_shared>>
      tpu.wait_indirect_dma semaphore(%arg17 : memref<!tpu.dma_semaphore, #tpu.memory_space<semaphore_mem>>) src(%arg9 : memref<128x64xf32, #tpu.memory_space<vmem>>) dst(%dma_wait3A_96 : memref<10240x64xf32, #tpu.memory_space<vmem_shared>>)
    } else {
    }
    %gt3A_74 = arith.constant 78 : i32
    %gt3A_75 = arith.cmpi sgt, %add3A_7, %gt3A_74 : i32
    %convert_element_type3A_76 = arith.extui %gt3A_75 : i1 to i32
    %cond3A_77 = arith.constant 0 : i32
    %cond3A_78 = arith.cmpi ne, %convert_element_type3A_76, %cond3A_77 : i32
    scf.if %cond3A_78 {
      %dma_wait3A = arith.constant 78 : i32
      %dma_wait3A_90 = arith.constant 0 : i32
      %dma_wait3A_91 = arith.constant 0 : i32
      %dma_wait3A_92 = tpu.memref_slice %arg7[%dma_wait3A, %dma_wait3A_90, %dma_wait3A_91] : memref<79x2x128xi32, #tpu.memory_space<vmem>> -> memref<1x1x128xi32, #tpu.memory_space<vmem>>
      %dma_wait3A_93 = tpu.memref_squeeze %dma_wait3A_92 : memref<1x1x128xi32, #tpu.memory_space<vmem>> -> memref<128xi32, #tpu.memory_space<vmem>>
      %dma_wait3A_94 = arith.constant 0 : i32
      %dma_wait3A_95 = arith.constant 0 : i32
      %dma_wait3A_96 = tpu.memref_slice %arg2[%dma_wait3A_94, %dma_wait3A_95] : memref<10240x64xf32, #tpu.memory_space<hbm>> -> memref<10240x64xf32, #tpu.memory_space<hbm>>
      tpu.wait_indirect_dma semaphore(%arg14 : memref<!tpu.dma_semaphore, #tpu.memory_space<semaphore_mem>>) src(%dma_wait3A_96 : memref<10240x64xf32, #tpu.memory_space<hbm>>) dst(%arg10 : memref<128x64xf32, #tpu.memory_space<vmem>>)
      %dma_start3A_97 = arith.constant 78 : i32
      %dma_start3A_98 = arith.constant 1 : i32
      %dma_start3A_99 = arith.constant 0 : i32
      %dma_start3A_100 = tpu.memref_slice %arg7[%dma_start3A_97, %dma_start3A_98, %dma_start3A_99] : memref<79x2x128xi32, #tpu.memory_space<vmem>> -> memref<1x1x128xi32, #tpu.memory_space<vmem>>
      %dma_start3A_101 = tpu.memref_squeeze %dma_start3A_100 : memref<1x1x128xi32, #tpu.memory_space<vmem>> -> memref<128xi32, #tpu.memory_space<vmem>>
      %dma_start3A_102 = arith.constant 0 : i32
      %dma_start3A_103 = arith.constant 0 : i32
      %dma_start3A_104 = tpu.memref_slice %arg6[%dma_start3A_102, %dma_start3A_103] : memref<10240x64xf32, #tpu.memory_space<vmem_shared>> -> memref<10240x64xf32, #tpu.memory_space<vmem_shared>>
      tpu.enqueue_indirect_dma source(%arg10 : memref<128x64xf32, #tpu.memory_space<vmem>>) target(%dma_start3A_104 : memref<10240x64xf32, #tpu.memory_space<vmem_shared>>) offsets(%dma_start3A_101 : memref<128xi32, #tpu.memory_space<vmem>>) semaphore(%arg18 : memref<!tpu.dma_semaphore, #tpu.memory_space<semaphore_mem>>) {add = true}
    } else {
    }
    %gt3A_79 = arith.constant 78 : i32
    %gt3A_80 = arith.cmpi sgt, %add3A_7, %gt3A_79 : i32
    %convert_element_type3A_81 = arith.extui %gt3A_80 : i1 to i32
    %cond3A_82 = arith.constant 0 : i32
    %cond3A_83 = arith.cmpi ne, %convert_element_type3A_81, %cond3A_82 : i32
    scf.if %cond3A_83 {
      %dma_wait3A = arith.constant 78 : i32
      %dma_wait3A_90 = arith.constant 1 : i32
      %dma_wait3A_91 = arith.constant 0 : i32
      %dma_wait3A_92 = tpu.memref_slice %arg7[%dma_wait3A, %dma_wait3A_90, %dma_wait3A_91] : memref<79x2x128xi32, #tpu.memory_space<vmem>> -> memref<1x1x128xi32, #tpu.memory_space<vmem>>
      %dma_wait3A_93 = tpu.memref_squeeze %dma_wait3A_92 : memref<1x1x128xi32, #tpu.memory_space<vmem>> -> memref<128xi32, #tpu.memory_space<vmem>>
      %dma_wait3A_94 = arith.constant 0 : i32
      %dma_wait3A_95 = arith.constant 0 : i32
      %dma_wait3A_96 = tpu.memref_slice %arg6[%dma_wait3A_94, %dma_wait3A_95] : memref<10240x64xf32, #tpu.memory_space<vmem_shared>> -> memref<10240x64xf32, #tpu.memory_space<vmem_shared>>
      tpu.wait_indirect_dma semaphore(%arg18 : memref<!tpu.dma_semaphore, #tpu.memory_space<semaphore_mem>>) src(%arg10 : memref<128x64xf32, #tpu.memory_space<vmem>>) dst(%dma_wait3A_96 : memref<10240x64xf32, #tpu.memory_space<vmem_shared>>)
    } else {
    }
    %gt3A_84 = arith.constant 79 : i32
    %gt3A_85 = arith.cmpi sgt, %add3A_7, %gt3A_84 : i32
    %convert_element_type3A_86 = arith.extui %gt3A_85 : i1 to i32
    %cond3A_87 = arith.constant 0 : i32
    %cond3A_88 = arith.cmpi ne, %convert_element_type3A_86, %cond3A_87 : i32
    scf.if %cond3A_88 {
      %dma_wait3A = arith.constant 79 : i32
      %dma_wait3A_90 = arith.constant 0 : i32
      %dma_wait3A_91 = arith.constant 0 : i32
      %dma_wait3A_92 = tpu.memref_slice %arg7[%dma_wait3A, %dma_wait3A_90, %dma_wait3A_91] : memref<79x2x128xi32, #tpu.memory_space<vmem>> -> memref<1x1x128xi32, #tpu.memory_space<vmem>>
      %dma_wait3A_93 = tpu.memref_squeeze %dma_wait3A_92 : memref<1x1x128xi32, #tpu.memory_space<vmem>> -> memref<128xi32, #tpu.memory_space<vmem>>
      %dma_wait3A_94 = arith.constant 0 : i32
      %dma_wait3A_95 = arith.constant 0 : i32
      %dma_wait3A_96 = tpu.memref_slice %arg2[%dma_wait3A_94, %dma_wait3A_95] : memref<10240x64xf32, #tpu.memory_space<hbm>> -> memref<10240x64xf32, #tpu.memory_space<hbm>>
      tpu.wait_indirect_dma semaphore(%arg15 : memref<!tpu.dma_semaphore, #tpu.memory_space<semaphore_mem>>) src(%dma_wait3A_96 : memref<10240x64xf32, #tpu.memory_space<hbm>>) dst(%arg11 : memref<128x64xf32, #tpu.memory_space<vmem>>)
      %dma_start3A_97 = arith.constant 79 : i32
      %dma_start3A_98 = arith.constant 1 : i32
      %dma_start3A_99 = arith.constant 0 : i32
      %dma_start3A_100 = tpu.memref_slice %arg7[%dma_start3A_97, %dma_start3A_98, %dma_start3A_99] : memref<79x2x128xi32, #tpu.memory_space<vmem>> -> memref<1x1x128xi32, #tpu.memory_space<vmem>>
      %dma_start3A_101 = tpu.memref_squeeze %dma_start3A_100 : memref<1x1x128xi32, #tpu.memory_space<vmem>> -> memref<128xi32, #tpu.memory_space<vmem>>
      %dma_start3A_102 = arith.constant 0 : i32
      %dma_start3A_103 = arith.constant 0 : i32
      %dma_start3A_104 = tpu.memref_slice %arg6[%dma_start3A_102, %dma_start3A_103] : memref<10240x64xf32, #tpu.memory_space<vmem_shared>> -> memref<10240x64xf32, #tpu.memory_space<vmem_shared>>
      tpu.enqueue_indirect_dma source(%arg11 : memref<128x64xf32, #tpu.memory_space<vmem>>) target(%dma_start3A_104 : memref<10240x64xf32, #tpu.memory_space<vmem_shared>>) offsets(%dma_start3A_101 : memref<128xi32, #tpu.memory_space<vmem>>) semaphore(%arg19 : memref<!tpu.dma_semaphore, #tpu.memory_space<semaphore_mem>>) {add = true}
    } else {
    }
    %barrier3A_89 = arith.constant 0 : index
    tpu.barrier barrier_id(%barrier3A_89)
    "tpu.region"() ({
      %run_scoped3A = tpu.sem_alloc : memref<!tpu.dma_semaphore, #tpu.memory_space<semaphore_mem>>
      %dma_start3A_90 = arith.constant 0 : i32
      %dma_start3A_91 = tpu.memref_slice %arg5[%arg0, %mul3A_44, %dma_start3A_90] : memref<2x10240x64xf32, #tpu.memory_space<hbm>> -> memref<1x640x64xf32, #tpu.memory_space<hbm>>
      %dma_start3A_92 = tpu.memref_squeeze %dma_start3A_91 : memref<1x640x64xf32, #tpu.memory_space<hbm>> -> memref<640x64xf32, #tpu.memory_space<hbm>>
      %dma_start3A_93 = arith.constant 0 : i32
      %dma_start3A_94 = tpu.memref_slice %arg6[%mul3A_44, %dma_start3A_93] : memref<10240x64xf32, #tpu.memory_space<vmem_shared>> -> memref<640x64xf32, #tpu.memory_space<vmem_shared>>
      tpu.enqueue_dma source(%dma_start3A_94 : memref<640x64xf32, #tpu.memory_space<vmem_shared>>) target(%dma_start3A_92 : memref<640x64xf32, #tpu.memory_space<hbm>>) target_semaphore(%run_scoped3A : memref<!tpu.dma_semaphore, #tpu.memory_space<semaphore_mem>>)
      %dma_wait3A = arith.constant 0 : i32
      %dma_wait3A_95 = tpu.memref_slice %arg5[%arg0, %mul3A_44, %dma_wait3A] : memref<2x10240x64xf32, #tpu.memory_space<hbm>> -> memref<1x640x64xf32, #tpu.memory_space<hbm>>
      %dma_wait3A_96 = tpu.memref_squeeze %dma_wait3A_95 : memref<1x640x64xf32, #tpu.memory_space<hbm>> -> memref<640x64xf32, #tpu.memory_space<hbm>>
      %dma_wait3A_97 = arith.constant 0 : i32
      %dma_wait3A_98 = tpu.memref_slice %arg6[%mul3A_44, %dma_wait3A_97] : memref<10240x64xf32, #tpu.memory_space<vmem_shared>> -> memref<640x64xf32, #tpu.memory_space<vmem_shared>>
      tpu.wait_dma2 semaphore(%run_scoped3A : memref<!tpu.dma_semaphore, #tpu.memory_space<semaphore_mem>>) src(%dma_wait3A_98 : memref<640x64xf32, #tpu.memory_space<vmem_shared>>) dst(%dma_wait3A_96 : memref<640x64xf32, #tpu.memory_space<hbm>>)
      tpu.yield
    }) : () -> ()
    return
  }
}

module attributes {stable_mosaic.version = 14 : i64} {
  func.func @body(%arg0: i32, %arg1: memref<1024x128xf32, #tpu.memory_space<vmem>>, %arg2: memref<256x128xf32, #tpu.memory_space<vmem>>, %arg3: memref<256x128xf32, #tpu.memory_space<vmem>>, %arg4: memref<512x128xf32, #tpu.memory_space<vmem>>, %arg5: memref<512x128xf32, #tpu.memory_space<vmem>>) attributes {dimension_semantics = [#tpu.dimension_semantics<arbitrary>], iteration_bounds = array<i64: 10>, scalar_prefetch = 0 : i64, scratch_operands = 0 : i64, tpu.core_type = #tpu.core_type<tc>, window_params = [{transform_indices = @transform_0, window_bounds = array<i64: 1024, 128>}, {pipeline_mode = #tpu.pipeline_mode<synchronous>, transform_indices = @transform_1, window_bounds = array<i64: 256, 128>}, {pipeline_mode = #tpu.pipeline_mode<synchronous>, transform_indices = @transform_2, window_bounds = array<i64: 256, 128>}, {transform_indices = @transform_3, window_bounds = array<i64: 512, 128>}, {transform_indices = @transform_4, window_bounds = array<i64: 512, 128>}]} {
    %get3A = arith.constant 0 : index
    %get3A_0 = arith.constant 0 : index
    %get3A_1 = vector.load %arg1[%get3A, %get3A_0] : memref<1024x128xf32, #tpu.memory_space<vmem>>, vector<1024x128xf32>
    %reshape3A = vector.shape_cast %get3A_1 : vector<1024x128xf32> to vector<512x256xf32>
    %get3A_2 = arith.constant 0 : index
    %get3A_3 = arith.constant 0 : index
    %get3A_4 = vector.load %arg2[%get3A_2, %get3A_3] : memref<256x128xf32, #tpu.memory_space<vmem>>, vector<256x128xf32>
    %dot_general3A = arith.constant dense<0.000000e+00> : vector<512x128xf32>
    %dot_general3A_5 = tpu.matmul %reshape3A, %get3A_4, %dot_general3A {dimension_numbers = #tpu.dot_dimension_numbers<[1], [0], [0], [1], [0, 0, 1, 1], [], []>, transpose_lhs_hint = false} : vector<512x256xf32>, vector<256x128xf32>, vector<512x128xf32> -> vector<512x128xf32>
    %swap3A = arith.constant 0 : index
    %swap3A_6 = arith.constant 0 : index
    %swap3A_7 = vector.load %arg4[%swap3A, %swap3A_6] : memref<512x128xf32, #tpu.memory_space<vmem>>, vector<512x128xf32>
    tpu.vector_store %arg4[%swap3A, %swap3A_6], %dot_general3A_5 {strides = array<i32>} : memref<512x128xf32, #tpu.memory_space<vmem>>, vector<512x128xf32>,
    %get3A_8 = arith.constant 0 : index
    %get3A_9 = arith.constant 0 : index
    %get3A_10 = vector.load %arg3[%get3A_8, %get3A_9] : memref<256x128xf32, #tpu.memory_space<vmem>>, vector<256x128xf32>
    %dot_general3A_11 = arith.constant dense<0.000000e+00> : vector<512x128xf32>
    %dot_general3A_12 = tpu.matmul %reshape3A, %get3A_10, %dot_general3A_11 {dimension_numbers = #tpu.dot_dimension_numbers<[1], [0], [0], [1], [0, 0, 1, 1], [], []>, transpose_lhs_hint = false} : vector<512x256xf32>, vector<256x128xf32>, vector<512x128xf32> -> vector<512x128xf32>
    %swap3A_13 = arith.constant 0 : index
    %swap3A_14 = arith.constant 0 : index
    %swap3A_15 = vector.load %arg5[%swap3A_13, %swap3A_14] : memref<512x128xf32, #tpu.memory_space<vmem>>, vector<512x128xf32>
    tpu.vector_store %arg5[%swap3A_13, %swap3A_14], %dot_general3A_12 {strides = array<i32>} : memref<512x128xf32, #tpu.memory_space<vmem>>, vector<512x128xf32>,
    return
  }
  func.func @transform_0(%arg0: i32) -> (i32, i32) {
    %c0_i32 = arith.constant 0 : i32
    %c0_i32_0 = arith.constant 0 : i32
    return %arg0, %c0_i32 : i32, i32
  }
  func.func @transform_1(%arg0: i32) -> (i32, i32) {
    %c0_i32 = arith.constant 0 : i32
    %c0_i32_0 = arith.constant 0 : i32
    %c0_i32_1 = arith.constant 0 : i32
    return %c0_i32, %c0_i32_0 : i32, i32
  }
  func.func @transform_2(%arg0: i32) -> (i32, i32) {
    %c0_i32 = arith.constant 0 : i32
    %c0_i32_0 = arith.constant 0 : i32
    %c0_i32_1 = arith.constant 0 : i32
    return %c0_i32, %c0_i32_0 : i32, i32
  }
  func.func @transform_3(%arg0: i32) -> (i32, i32) {
    %c0_i32 = arith.constant 0 : i32
    %c0_i32_0 = arith.constant 0 : i32
    return %arg0, %c0_i32 : i32, i32
  }
  func.func @transform_4(%arg0: i32) -> (i32, i32) {
    %c0_i32 = arith.constant 0 : i32
    %c0_i32_0 = arith.constant 0 : i32
    return %arg0, %c0_i32 : i32, i32
  }
}

module attributes {stable_mosaic.version = 14 : i64} {
  func.func @body(%arg0: i32, %arg1: memref<2x512x128xf32, #tpu.memory_space<vmem>>, %arg2: memref<2x128x128xf32, #tpu.memory_space<vmem>>, %arg3: memref<512x128xf32, #tpu.memory_space<vmem>>, %arg4: memref<4x512x128xf32, #tpu.memory_space<vmem>>, %arg5: memref<4x128x128xf32, #tpu.memory_space<vmem>>, %arg6: memref<512x128xf32, #tpu.memory_space<vmem>>) attributes {dimension_semantics = [#tpu.dimension_semantics<arbitrary>], iteration_bounds = array<i64: 10>, scalar_prefetch = 0 : i64, scratch_operands = 0 : i64, tpu.core_type = #tpu.core_type<tc>, window_params = [{transform_indices = @transform_0, window_bounds = array<i64: 2, 512, 128>}, {transform_indices = @transform_1, window_bounds = array<i64: 2, 128, 128>}, {transform_indices = @transform_2, window_bounds = array<i64: 512, 128>}, {pipeline_mode = #tpu.pipeline_mode<synchronous>, transform_indices = @transform_3, window_bounds = array<i64: 4, 512, 128>}, {pipeline_mode = #tpu.pipeline_mode<synchronous>, transform_indices = @transform_4, window_bounds = array<i64: 4, 128, 128>}, {transform_indices = @transform_5, window_bounds = array<i64: 512, 128>}]} {
    %get3A = arith.constant 0 : index
    %get3A_0 = arith.constant 0 : index
    %get3A_1 = arith.constant 0 : index
    %get3A_2 = vector.load %arg2[%get3A, %get3A_0, %get3A_1] : memref<2x128x128xf32, #tpu.memory_space<vmem>>, vector<1x128x128xf32>
    %get3A_3 = vector.shape_cast %get3A_2 : vector<1x128x128xf32> to vector<128x128xf32>
    %get3A_4 = arith.constant 1 : index
    %get3A_5 = arith.constant 0 : index
    %get3A_6 = arith.constant 0 : index
    %get3A_7 = vector.load %arg2[%get3A_4, %get3A_5, %get3A_6] : memref<2x128x128xf32, #tpu.memory_space<vmem>>, vector<1x128x128xf32>
    %get3A_8 = vector.shape_cast %get3A_7 : vector<1x128x128xf32> to vector<128x128xf32>
    %add3A = arith.addf %get3A_3, %get3A_8 : vector<128x128xf32>
    %max3A = arith.constant 1.000000e+00 : f32
    %max3A_9 = vector.broadcast %max3A : f32 to vector<128x128xf32>
    %max3A_10 = arith.maximumf %add3A, %max3A_9 : vector<128x128xf32>
    %div3A = arith.constant 1.000000e+00 : f32
    %div3A_11 = vector.broadcast %div3A : f32 to vector<128x128xf32>
    %div3A_12 = arith.divf %div3A_11, %max3A_10 : vector<128x128xf32>
    %broadcast_in_dim3A = arith.constant 0.000000e+00 : f32
    %broadcast_in_dim3A_13 = vector.broadcast %broadcast_in_dim3A : f32 to vector<512x128xf32>
    %get3A_14 = arith.constant 0 : index
    %get3A_15 = arith.constant 0 : index
    %get3A_16 = arith.constant 0 : index
    %get3A_17 = vector.load %arg4[%get3A_14, %get3A_15, %get3A_16] : memref<4x512x128xf32, #tpu.memory_space<vmem>>, vector<1x512x128xf32>
    %get3A_18 = vector.shape_cast %get3A_17 : vector<1x512x128xf32> to vector<512x128xf32>
    %dot_general3A = arith.constant dense<0.000000e+00> : vector<512x128xf32>
    %dot_general3A_19 = tpu.matmul %get3A_18, %div3A_12, %dot_general3A {dimension_numbers = #tpu.dot_dimension_numbers<[1], [0], [0], [1], [0, 0, 1, 1], [], []>, transpose_lhs_hint = false} : vector<512x128xf32>, vector<128x128xf32>, vector<512x128xf32> -> vector<512x128xf32>
    %get3A_20 = arith.constant 0 : index
    %get3A_21 = arith.constant 0 : index
    %get3A_22 = arith.constant 0 : index
    %get3A_23 = vector.load %arg5[%get3A_20, %get3A_21, %get3A_22] : memref<4x128x128xf32, #tpu.memory_space<vmem>>, vector<1x128x128xf32>
    %get3A_24 = vector.shape_cast %get3A_23 : vector<1x128x128xf32> to vector<128x128xf32>
    %dot_general3A_25 = arith.constant dense<0.000000e+00> : vector<512x128xf32>
    %dot_general3A_26 = tpu.matmul %dot_general3A_19, %get3A_24, %dot_general3A_25 {dimension_numbers = #tpu.dot_dimension_numbers<[1], [0], [0], [1], [0, 0, 1, 1], [], []>, transpose_lhs_hint = false} : vector<512x128xf32>, vector<128x128xf32>, vector<512x128xf32> -> vector<512x128xf32>
    %add3A_27 = arith.addf %broadcast_in_dim3A_13, %dot_general3A_26 : vector<512x128xf32>
    %get3A_28 = arith.constant 1 : index
    %get3A_29 = arith.constant 0 : index
    %get3A_30 = arith.constant 0 : index
    %get3A_31 = vector.load %arg4[%get3A_28, %get3A_29, %get3A_30] : memref<4x512x128xf32, #tpu.memory_space<vmem>>, vector<1x512x128xf32>
    %get3A_32 = vector.shape_cast %get3A_31 : vector<1x512x128xf32> to vector<512x128xf32>
    %dot_general3A_33 = arith.constant dense<0.000000e+00> : vector<512x128xf32>
    %dot_general3A_34 = tpu.matmul %get3A_32, %div3A_12, %dot_general3A_33 {dimension_numbers = #tpu.dot_dimension_numbers<[1], [0], [0], [1], [0, 0, 1, 1], [], []>, transpose_lhs_hint = false} : vector<512x128xf32>, vector<128x128xf32>, vector<512x128xf32> -> vector<512x128xf32>
    %get3A_35 = arith.constant 1 : index
    %get3A_36 = arith.constant 0 : index
    %get3A_37 = arith.constant 0 : index
    %get3A_38 = vector.load %arg5[%get3A_35, %get3A_36, %get3A_37] : memref<4x128x128xf32, #tpu.memory_space<vmem>>, vector<1x128x128xf32>
    %get3A_39 = vector.shape_cast %get3A_38 : vector<1x128x128xf32> to vector<128x128xf32>
    %dot_general3A_40 = arith.constant dense<0.000000e+00> : vector<512x128xf32>
    %dot_general3A_41 = tpu.matmul %dot_general3A_34, %get3A_39, %dot_general3A_40 {dimension_numbers = #tpu.dot_dimension_numbers<[1], [0], [0], [1], [0, 0, 1, 1], [], []>, transpose_lhs_hint = false} : vector<512x128xf32>, vector<128x128xf32>, vector<512x128xf32> -> vector<512x128xf32>
    %add3A_42 = arith.addf %add3A_27, %dot_general3A_41 : vector<512x128xf32>
    %get3A_43 = arith.constant 2 : index
    %get3A_44 = arith.constant 0 : index
    %get3A_45 = arith.constant 0 : index
    %get3A_46 = vector.load %arg4[%get3A_43, %get3A_44, %get3A_45] : memref<4x512x128xf32, #tpu.memory_space<vmem>>, vector<1x512x128xf32>
    %get3A_47 = vector.shape_cast %get3A_46 : vector<1x512x128xf32> to vector<512x128xf32>
    %dot_general3A_48 = arith.constant dense<0.000000e+00> : vector<512x128xf32>
    %dot_general3A_49 = tpu.matmul %get3A_47, %div3A_12, %dot_general3A_48 {dimension_numbers = #tpu.dot_dimension_numbers<[1], [0], [0], [1], [0, 0, 1, 1], [], []>, transpose_lhs_hint = false} : vector<512x128xf32>, vector<128x128xf32>, vector<512x128xf32> -> vector<512x128xf32>
    %get3A_50 = arith.constant 2 : index
    %get3A_51 = arith.constant 0 : index
    %get3A_52 = arith.constant 0 : index
    %get3A_53 = vector.load %arg5[%get3A_50, %get3A_51, %get3A_52] : memref<4x128x128xf32, #tpu.memory_space<vmem>>, vector<1x128x128xf32>
    %get3A_54 = vector.shape_cast %get3A_53 : vector<1x128x128xf32> to vector<128x128xf32>
    %dot_general3A_55 = arith.constant dense<0.000000e+00> : vector<512x128xf32>
    %dot_general3A_56 = tpu.matmul %dot_general3A_49, %get3A_54, %dot_general3A_55 {dimension_numbers = #tpu.dot_dimension_numbers<[1], [0], [0], [1], [0, 0, 1, 1], [], []>, transpose_lhs_hint = false} : vector<512x128xf32>, vector<128x128xf32>, vector<512x128xf32> -> vector<512x128xf32>
    %add3A_57 = arith.addf %add3A_42, %dot_general3A_56 : vector<512x128xf32>
    %get3A_58 = arith.constant 3 : index
    %get3A_59 = arith.constant 0 : index
    %get3A_60 = arith.constant 0 : index
    %get3A_61 = vector.load %arg4[%get3A_58, %get3A_59, %get3A_60] : memref<4x512x128xf32, #tpu.memory_space<vmem>>, vector<1x512x128xf32>
    %get3A_62 = vector.shape_cast %get3A_61 : vector<1x512x128xf32> to vector<512x128xf32>
    %dot_general3A_63 = arith.constant dense<0.000000e+00> : vector<512x128xf32>
    %dot_general3A_64 = tpu.matmul %get3A_62, %div3A_12, %dot_general3A_63 {dimension_numbers = #tpu.dot_dimension_numbers<[1], [0], [0], [1], [0, 0, 1, 1], [], []>, transpose_lhs_hint = false} : vector<512x128xf32>, vector<128x128xf32>, vector<512x128xf32> -> vector<512x128xf32>
    %get3A_65 = arith.constant 3 : index
    %get3A_66 = arith.constant 0 : index
    %get3A_67 = arith.constant 0 : index
    %get3A_68 = vector.load %arg5[%get3A_65, %get3A_66, %get3A_67] : memref<4x128x128xf32, #tpu.memory_space<vmem>>, vector<1x128x128xf32>
    %get3A_69 = vector.shape_cast %get3A_68 : vector<1x128x128xf32> to vector<128x128xf32>
    %dot_general3A_70 = arith.constant dense<0.000000e+00> : vector<512x128xf32>
    %dot_general3A_71 = tpu.matmul %dot_general3A_64, %get3A_69, %dot_general3A_70 {dimension_numbers = #tpu.dot_dimension_numbers<[1], [0], [0], [1], [0, 0, 1, 1], [], []>, transpose_lhs_hint = false} : vector<512x128xf32>, vector<128x128xf32>, vector<512x128xf32> -> vector<512x128xf32>
    %add3A_72 = arith.addf %add3A_57, %dot_general3A_71 : vector<512x128xf32>
    %get3A_73 = arith.constant 0 : index
    %get3A_74 = arith.constant 0 : index
    %get3A_75 = arith.constant 0 : index
    %get3A_76 = vector.load %arg1[%get3A_73, %get3A_74, %get3A_75] : memref<2x512x128xf32, #tpu.memory_space<vmem>>, vector<1x512x128xf32>
    %get3A_77 = vector.shape_cast %get3A_76 : vector<1x512x128xf32> to vector<512x128xf32>
    %get3A_78 = arith.constant 1 : index
    %get3A_79 = arith.constant 0 : index
    %get3A_80 = arith.constant 0 : index
    %get3A_81 = vector.load %arg1[%get3A_78, %get3A_79, %get3A_80] : memref<2x512x128xf32, #tpu.memory_space<vmem>>, vector<1x512x128xf32>
    %get3A_82 = vector.shape_cast %get3A_81 : vector<1x512x128xf32> to vector<512x128xf32>
    %add3A_83 = arith.addf %get3A_77, %get3A_82 : vector<512x128xf32>
    %mul3A = arith.mulf %add3A_83, %add3A_72 : vector<512x128xf32>
    %get3A_84 = arith.constant 0 : index
    %get3A_85 = arith.constant 0 : index
    %get3A_86 = vector.load %arg3[%get3A_84, %get3A_85] : memref<512x128xf32, #tpu.memory_space<vmem>>, vector<512x128xf32>
    %add3A_87 = arith.addf %mul3A, %get3A_86 : vector<512x128xf32>
    %swap3A = arith.constant 0 : index
    %swap3A_88 = arith.constant 0 : index
    %swap3A_89 = vector.load %arg6[%swap3A, %swap3A_88] : memref<512x128xf32, #tpu.memory_space<vmem>>, vector<512x128xf32>
    tpu.vector_store %arg6[%swap3A, %swap3A_88], %add3A_87 {strides = array<i32>} : memref<512x128xf32, #tpu.memory_space<vmem>>, vector<512x128xf32>,
    return
  }
  func.func @transform_0(%arg0: i32) -> (i32, i32, i32) {
    %c0_i32 = arith.constant 0 : i32
    %c0_i32_0 = arith.constant 0 : i32
    %c0_i32_1 = arith.constant 0 : i32
    return %c0_i32, %arg0, %c0_i32_0 : i32, i32, i32
  }
  func.func @transform_1(%arg0: i32) -> (i32, i32, i32) {
    %c0_i32 = arith.constant 0 : i32
    %c0_i32_0 = arith.constant 0 : i32
    %c0_i32_1 = arith.constant 0 : i32
    return %c0_i32, %arg0, %c0_i32_0 : i32, i32, i32
  }
  func.func @transform_2(%arg0: i32) -> (i32, i32) {
    %c0_i32 = arith.constant 0 : i32
    %c0_i32_0 = arith.constant 0 : i32
    return %arg0, %c0_i32 : i32, i32
  }
  func.func @transform_3(%arg0: i32) -> (i32, i32, i32) {
    %c0_i32 = arith.constant 0 : i32
    %c0_i32_0 = arith.constant 0 : i32
    %c0_i32_1 = arith.constant 0 : i32
    %c0_i32_2 = arith.constant 0 : i32
    return %c0_i32, %c0_i32_0, %c0_i32_1 : i32, i32, i32
  }
  func.func @transform_4(%arg0: i32) -> (i32, i32, i32) {
    %c0_i32 = arith.constant 0 : i32
    %c0_i32_0 = arith.constant 0 : i32
    %c0_i32_1 = arith.constant 0 : i32
    %c0_i32_2 = arith.constant 0 : i32
    return %c0_i32, %c0_i32_0, %c0_i32_1 : i32, i32, i32
  }
  func.func @transform_5(%arg0: i32) -> (i32, i32) {
    %c0_i32 = arith.constant 0 : i32
    %c0_i32_0 = arith.constant 0 : i32
    return %arg0, %c0_i32 : i32, i32
  }
}

module attributes {stable_mosaic.version = 14 : i64} {
  func.func @body(%arg0: i32, %arg1: memref<2x512x128xf32, #tpu.memory_space<vmem>>, %arg2: memref<2x128x128xf32, #tpu.memory_space<vmem>>, %arg3: memref<512x128xf32, #tpu.memory_space<vmem>>, %arg4: memref<1x128xf32, #tpu.memory_space<vmem>>, %arg5: memref<128x128xf32, #tpu.memory_space<vmem>>, %arg6: memref<128x128xf32, #tpu.memory_space<vmem>>, %arg7: memref<1x128xf32, #tpu.memory_space<vmem>>, %arg8: memref<4x512x128xf32, #tpu.memory_space<vmem>>, %arg9: memref<4x128x128xf32, #tpu.memory_space<vmem>>, %arg10: memref<512x128xf32, #tpu.memory_space<vmem>>, %arg11: memref<512x128xf32, #tpu.memory_space<vmem>>) attributes {dimension_semantics = [#tpu.dimension_semantics<arbitrary>], iteration_bounds = array<i64: 10>, scalar_prefetch = 0 : i64, scratch_operands = 0 : i64, tpu.core_type = #tpu.core_type<tc>, window_params = [{transform_indices = @transform_0, window_bounds = array<i64: 2, 512, 128>}, {transform_indices = @transform_1, window_bounds = array<i64: 2, 128, 128>}, {transform_indices = @transform_2, window_bounds = array<i64: 512, 128>}, {pipeline_mode = #tpu.pipeline_mode<synchronous>, transform_indices = @transform_3, window_bounds = array<i64: 1, 128>}, {pipeline_mode = #tpu.pipeline_mode<synchronous>, transform_indices = @transform_4, window_bounds = array<i64: 128, 128>}, {pipeline_mode = #tpu.pipeline_mode<synchronous>, transform_indices = @transform_5, window_bounds = array<i64: 128, 128>}, {pipeline_mode = #tpu.pipeline_mode<synchronous>, transform_indices = @transform_6, window_bounds = array<i64: 1, 128>}, {pipeline_mode = #tpu.pipeline_mode<synchronous>, transform_indices = @transform_7, window_bounds = array<i64: 4, 512, 128>}, {pipeline_mode = #tpu.pipeline_mode<synchronous>, transform_indices = @transform_8, window_bounds = array<i64: 4, 128, 128>}, {transform_indices = @transform_9, window_bounds = array<i64: 512, 128>}, {transform_indices = @transform_10, window_bounds = array<i64: 512, 128>}]} {
    %get3A = arith.constant 0 : index
    %get3A_0 = arith.constant 0 : index
    %get3A_1 = arith.constant 0 : index
    %get3A_2 = vector.load %arg2[%get3A, %get3A_0, %get3A_1] : memref<2x128x128xf32, #tpu.memory_space<vmem>>, vector<1x128x128xf32>
    %get3A_3 = vector.shape_cast %get3A_2 : vector<1x128x128xf32> to vector<128x128xf32>
    %get3A_4 = arith.constant 1 : index
    %get3A_5 = arith.constant 0 : index
    %get3A_6 = arith.constant 0 : index
    %get3A_7 = vector.load %arg2[%get3A_4, %get3A_5, %get3A_6] : memref<2x128x128xf32, #tpu.memory_space<vmem>>, vector<1x128x128xf32>
    %get3A_8 = vector.shape_cast %get3A_7 : vector<1x128x128xf32> to vector<128x128xf32>
    %add3A = arith.addf %get3A_3, %get3A_8 : vector<128x128xf32>
    %max3A = arith.constant 1.000000e+00 : f32
    %max3A_9 = vector.broadcast %max3A : f32 to vector<128x128xf32>
    %max3A_10 = arith.maximumf %add3A, %max3A_9 : vector<128x128xf32>
    %div3A = arith.constant 1.000000e+00 : f32
    %div3A_11 = vector.broadcast %div3A : f32 to vector<128x128xf32>
    %div3A_12 = arith.divf %div3A_11, %max3A_10 : vector<128x128xf32>
    %broadcast_in_dim3A = arith.constant 0.000000e+00 : f32
    %broadcast_in_dim3A_13 = vector.broadcast %broadcast_in_dim3A : f32 to vector<512x128xf32>
    %get3A_14 = arith.constant 0 : index
    %get3A_15 = arith.constant 0 : index
    %get3A_16 = arith.constant 0 : index
    %get3A_17 = vector.load %arg8[%get3A_14, %get3A_15, %get3A_16] : memref<4x512x128xf32, #tpu.memory_space<vmem>>, vector<1x512x128xf32>
    %get3A_18 = vector.shape_cast %get3A_17 : vector<1x512x128xf32> to vector<512x128xf32>
    %dot_general3A = arith.constant dense<0.000000e+00> : vector<512x128xf32>
    %dot_general3A_19 = tpu.matmul %get3A_18, %div3A_12, %dot_general3A {dimension_numbers = #tpu.dot_dimension_numbers<[1], [0], [0], [1], [0, 0, 1, 1], [], []>, transpose_lhs_hint = false} : vector<512x128xf32>, vector<128x128xf32>, vector<512x128xf32> -> vector<512x128xf32>
    %get3A_20 = arith.constant 0 : index
    %get3A_21 = arith.constant 0 : index
    %get3A_22 = arith.constant 0 : index
    %get3A_23 = vector.load %arg9[%get3A_20, %get3A_21, %get3A_22] : memref<4x128x128xf32, #tpu.memory_space<vmem>>, vector<1x128x128xf32>
    %get3A_24 = vector.shape_cast %get3A_23 : vector<1x128x128xf32> to vector<128x128xf32>
    %dot_general3A_25 = arith.constant dense<0.000000e+00> : vector<512x128xf32>
    %dot_general3A_26 = tpu.matmul %dot_general3A_19, %get3A_24, %dot_general3A_25 {dimension_numbers = #tpu.dot_dimension_numbers<[1], [0], [0], [1], [0, 0, 1, 1], [], []>, transpose_lhs_hint = false} : vector<512x128xf32>, vector<128x128xf32>, vector<512x128xf32> -> vector<512x128xf32>
    %add3A_27 = arith.addf %broadcast_in_dim3A_13, %dot_general3A_26 : vector<512x128xf32>
    %get3A_28 = arith.constant 1 : index
    %get3A_29 = arith.constant 0 : index
    %get3A_30 = arith.constant 0 : index
    %get3A_31 = vector.load %arg8[%get3A_28, %get3A_29, %get3A_30] : memref<4x512x128xf32, #tpu.memory_space<vmem>>, vector<1x512x128xf32>
    %get3A_32 = vector.shape_cast %get3A_31 : vector<1x512x128xf32> to vector<512x128xf32>
    %dot_general3A_33 = arith.constant dense<0.000000e+00> : vector<512x128xf32>
    %dot_general3A_34 = tpu.matmul %get3A_32, %div3A_12, %dot_general3A_33 {dimension_numbers = #tpu.dot_dimension_numbers<[1], [0], [0], [1], [0, 0, 1, 1], [], []>, transpose_lhs_hint = false} : vector<512x128xf32>, vector<128x128xf32>, vector<512x128xf32> -> vector<512x128xf32>
    %get3A_35 = arith.constant 1 : index
    %get3A_36 = arith.constant 0 : index
    %get3A_37 = arith.constant 0 : index
    %get3A_38 = vector.load %arg9[%get3A_35, %get3A_36, %get3A_37] : memref<4x128x128xf32, #tpu.memory_space<vmem>>, vector<1x128x128xf32>
    %get3A_39 = vector.shape_cast %get3A_38 : vector<1x128x128xf32> to vector<128x128xf32>
    %dot_general3A_40 = arith.constant dense<0.000000e+00> : vector<512x128xf32>
    %dot_general3A_41 = tpu.matmul %dot_general3A_34, %get3A_39, %dot_general3A_40 {dimension_numbers = #tpu.dot_dimension_numbers<[1], [0], [0], [1], [0, 0, 1, 1], [], []>, transpose_lhs_hint = false} : vector<512x128xf32>, vector<128x128xf32>, vector<512x128xf32> -> vector<512x128xf32>
    %add3A_42 = arith.addf %add3A_27, %dot_general3A_41 : vector<512x128xf32>
    %get3A_43 = arith.constant 2 : index
    %get3A_44 = arith.constant 0 : index
    %get3A_45 = arith.constant 0 : index
    %get3A_46 = vector.load %arg8[%get3A_43, %get3A_44, %get3A_45] : memref<4x512x128xf32, #tpu.memory_space<vmem>>, vector<1x512x128xf32>
    %get3A_47 = vector.shape_cast %get3A_46 : vector<1x512x128xf32> to vector<512x128xf32>
    %dot_general3A_48 = arith.constant dense<0.000000e+00> : vector<512x128xf32>
    %dot_general3A_49 = tpu.matmul %get3A_47, %div3A_12, %dot_general3A_48 {dimension_numbers = #tpu.dot_dimension_numbers<[1], [0], [0], [1], [0, 0, 1, 1], [], []>, transpose_lhs_hint = false} : vector<512x128xf32>, vector<128x128xf32>, vector<512x128xf32> -> vector<512x128xf32>
    %get3A_50 = arith.constant 2 : index
    %get3A_51 = arith.constant 0 : index
    %get3A_52 = arith.constant 0 : index
    %get3A_53 = vector.load %arg9[%get3A_50, %get3A_51, %get3A_52] : memref<4x128x128xf32, #tpu.memory_space<vmem>>, vector<1x128x128xf32>
    %get3A_54 = vector.shape_cast %get3A_53 : vector<1x128x128xf32> to vector<128x128xf32>
    %dot_general3A_55 = arith.constant dense<0.000000e+00> : vector<512x128xf32>
    %dot_general3A_56 = tpu.matmul %dot_general3A_49, %get3A_54, %dot_general3A_55 {dimension_numbers = #tpu.dot_dimension_numbers<[1], [0], [0], [1], [0, 0, 1, 1], [], []>, transpose_lhs_hint = false} : vector<512x128xf32>, vector<128x128xf32>, vector<512x128xf32> -> vector<512x128xf32>
    %add3A_57 = arith.addf %add3A_42, %dot_general3A_56 : vector<512x128xf32>
    %get3A_58 = arith.constant 3 : index
    %get3A_59 = arith.constant 0 : index
    %get3A_60 = arith.constant 0 : index
    %get3A_61 = vector.load %arg8[%get3A_58, %get3A_59, %get3A_60] : memref<4x512x128xf32, #tpu.memory_space<vmem>>, vector<1x512x128xf32>
    %get3A_62 = vector.shape_cast %get3A_61 : vector<1x512x128xf32> to vector<512x128xf32>
    %dot_general3A_63 = arith.constant dense<0.000000e+00> : vector<512x128xf32>
    %dot_general3A_64 = tpu.matmul %get3A_62, %div3A_12, %dot_general3A_63 {dimension_numbers = #tpu.dot_dimension_numbers<[1], [0], [0], [1], [0, 0, 1, 1], [], []>, transpose_lhs_hint = false} : vector<512x128xf32>, vector<128x128xf32>, vector<512x128xf32> -> vector<512x128xf32>
    %get3A_65 = arith.constant 3 : index
    %get3A_66 = arith.constant 0 : index
    %get3A_67 = arith.constant 0 : index
    %get3A_68 = vector.load %arg9[%get3A_65, %get3A_66, %get3A_67] : memref<4x128x128xf32, #tpu.memory_space<vmem>>, vector<1x128x128xf32>
    %get3A_69 = vector.shape_cast %get3A_68 : vector<1x128x128xf32> to vector<128x128xf32>
    %dot_general3A_70 = arith.constant dense<0.000000e+00> : vector<512x128xf32>
    %dot_general3A_71 = tpu.matmul %dot_general3A_64, %get3A_69, %dot_general3A_70 {dimension_numbers = #tpu.dot_dimension_numbers<[1], [0], [0], [1], [0, 0, 1, 1], [], []>, transpose_lhs_hint = false} : vector<512x128xf32>, vector<128x128xf32>, vector<512x128xf32> -> vector<512x128xf32>
    %add3A_72 = arith.addf %add3A_57, %dot_general3A_71 : vector<512x128xf32>
    %get3A_73 = arith.constant 0 : index
    %get3A_74 = arith.constant 0 : index
    %get3A_75 = arith.constant 0 : index
    %get3A_76 = vector.load %arg1[%get3A_73, %get3A_74, %get3A_75] : memref<2x512x128xf32, #tpu.memory_space<vmem>>, vector<1x512x128xf32>
    %get3A_77 = vector.shape_cast %get3A_76 : vector<1x512x128xf32> to vector<512x128xf32>
    %get3A_78 = arith.constant 1 : index
    %get3A_79 = arith.constant 0 : index
    %get3A_80 = arith.constant 0 : index
    %get3A_81 = vector.load %arg1[%get3A_78, %get3A_79, %get3A_80] : memref<2x512x128xf32, #tpu.memory_space<vmem>>, vector<1x512x128xf32>
    %get3A_82 = vector.shape_cast %get3A_81 : vector<1x512x128xf32> to vector<512x128xf32>
    %add3A_83 = arith.addf %get3A_77, %get3A_82 : vector<512x128xf32>
    %mul3A = arith.mulf %add3A_83, %add3A_72 : vector<512x128xf32>
    %get3A_84 = arith.constant 0 : index
    %get3A_85 = arith.constant 0 : index
    %get3A_86 = vector.load %arg4[%get3A_84, %get3A_85] : memref<1x128xf32, #tpu.memory_space<vmem>>, vector<1x128xf32>
    %add3A_87 = vector.broadcast %get3A_86 : vector<1x128xf32> to vector<512x128xf32>
    %add3A_88 = arith.addf %mul3A, %add3A_87 : vector<512x128xf32>
    %get3A_89 = arith.constant 0 : index
    %get3A_90 = arith.constant 0 : index
    %get3A_91 = vector.load %arg3[%get3A_89, %get3A_90] : memref<512x128xf32, #tpu.memory_space<vmem>>, vector<512x128xf32>
    %add3A_92 = arith.addf %add3A_88, %get3A_91 : vector<512x128xf32>
    %max3A_93 = arith.constant 0.000000e+00 : f32
    %max3A_94 = vector.broadcast %max3A_93 : f32 to vector<512x128xf32>
    %max3A_95 = arith.maximumf %add3A_92, %max3A_94 : vector<512x128xf32>
    %get3A_96 = arith.constant 0 : index
    %get3A_97 = arith.constant 0 : index
    %get3A_98 = vector.load %arg5[%get3A_96, %get3A_97] : memref<128x128xf32, #tpu.memory_space<vmem>>, vector<128x128xf32>
    %dot_general3A_99 = arith.constant dense<0.000000e+00> : vector<512x128xf32>
    %dot_general3A_100 = tpu.matmul %max3A_95, %get3A_98, %dot_general3A_99 {dimension_numbers = #tpu.dot_dimension_numbers<[1], [0], [0], [1], [0, 0, 1, 1], [], []>, transpose_lhs_hint = false} : vector<512x128xf32>, vector<128x128xf32>, vector<512x128xf32> -> vector<512x128xf32>
    %swap3A = arith.constant 0 : index
    %swap3A_101 = arith.constant 0 : index
    %swap3A_102 = vector.load %arg10[%swap3A, %swap3A_101] : memref<512x128xf32, #tpu.memory_space<vmem>>, vector<512x128xf32>
    tpu.vector_store %arg10[%swap3A, %swap3A_101], %dot_general3A_100 {strides = array<i32>} : memref<512x128xf32, #tpu.memory_space<vmem>>, vector<512x128xf32>,
    %get3A_103 = arith.constant 0 : index
    %get3A_104 = arith.constant 0 : index
    %get3A_105 = vector.load %arg6[%get3A_103, %get3A_104] : memref<128x128xf32, #tpu.memory_space<vmem>>, vector<128x128xf32>
    %dot_general3A_106 = arith.constant dense<0.000000e+00> : vector<512x128xf32>
    %dot_general3A_107 = tpu.matmul %max3A_95, %get3A_105, %dot_general3A_106 {dimension_numbers = #tpu.dot_dimension_numbers<[1], [0], [0], [1], [0, 0, 1, 1], [], []>, transpose_lhs_hint = false} : vector<512x128xf32>, vector<128x128xf32>, vector<512x128xf32> -> vector<512x128xf32>
    %get3A_108 = arith.constant 0 : index
    %get3A_109 = arith.constant 0 : index
    %get3A_110 = vector.load %arg7[%get3A_108, %get3A_109] : memref<1x128xf32, #tpu.memory_space<vmem>>, vector<1x128xf32>
    %add3A_111 = vector.broadcast %get3A_110 : vector<1x128xf32> to vector<512x128xf32>
    %add3A_112 = arith.addf %dot_general3A_107, %add3A_111 : vector<512x128xf32>
    %swap3A_113 = arith.constant 0 : index
    %swap3A_114 = arith.constant 0 : index
    %swap3A_115 = vector.load %arg11[%swap3A_113, %swap3A_114] : memref<512x128xf32, #tpu.memory_space<vmem>>, vector<512x128xf32>
    tpu.vector_store %arg11[%swap3A_113, %swap3A_114], %add3A_112 {strides = array<i32>} : memref<512x128xf32, #tpu.memory_space<vmem>>, vector<512x128xf32>,
    return
  }
  func.func @transform_0(%arg0: i32) -> (i32, i32, i32) {
    %c0_i32 = arith.constant 0 : i32
    %c0_i32_0 = arith.constant 0 : i32
    %c0_i32_1 = arith.constant 0 : i32
    return %c0_i32, %arg0, %c0_i32_0 : i32, i32, i32
  }
  func.func @transform_1(%arg0: i32) -> (i32, i32, i32) {
    %c0_i32 = arith.constant 0 : i32
    %c0_i32_0 = arith.constant 0 : i32
    %c0_i32_1 = arith.constant 0 : i32
    return %c0_i32, %arg0, %c0_i32_0 : i32, i32, i32
  }
  func.func @transform_2(%arg0: i32) -> (i32, i32) {
    %c0_i32 = arith.constant 0 : i32
    %c0_i32_0 = arith.constant 0 : i32
    return %arg0, %c0_i32 : i32, i32
  }
  func.func @transform_3(%arg0: i32) -> (i32, i32) {
    %c0_i32 = arith.constant 0 : i32
    %c0_i32_0 = arith.constant 0 : i32
    %c0_i32_1 = arith.constant 0 : i32
    return %c0_i32, %c0_i32_0 : i32, i32
  }
  func.func @transform_4(%arg0: i32) -> (i32, i32) {
    %c0_i32 = arith.constant 0 : i32
    %c0_i32_0 = arith.constant 0 : i32
    %c0_i32_1 = arith.constant 0 : i32
    return %c0_i32, %c0_i32_0 : i32, i32
  }
  func.func @transform_5(%arg0: i32) -> (i32, i32) {
    %c0_i32 = arith.constant 0 : i32
    %c0_i32_0 = arith.constant 0 : i32
    %c0_i32_1 = arith.constant 0 : i32
    return %c0_i32, %c0_i32_0 : i32, i32
  }
  func.func @transform_6(%arg0: i32) -> (i32, i32) {
    %c0_i32 = arith.constant 0 : i32
    %c0_i32_0 = arith.constant 0 : i32
    %c0_i32_1 = arith.constant 0 : i32
    return %c0_i32, %c0_i32_0 : i32, i32
  }
  func.func @transform_7(%arg0: i32) -> (i32, i32, i32) {
    %c0_i32 = arith.constant 0 : i32
    %c0_i32_0 = arith.constant 0 : i32
    %c0_i32_1 = arith.constant 0 : i32
    %c0_i32_2 = arith.constant 0 : i32
    return %c0_i32, %c0_i32_0, %c0_i32_1 : i32, i32, i32
  }
  func.func @transform_8(%arg0: i32) -> (i32, i32, i32) {
    %c0_i32 = arith.constant 0 : i32
    %c0_i32_0 = arith.constant 0 : i32
    %c0_i32_1 = arith.constant 0 : i32
    %c0_i32_2 = arith.constant 0 : i32
    return %c0_i32, %c0_i32_0, %c0_i32_1 : i32, i32, i32
  }
  func.func @transform_9(%arg0: i32) -> (i32, i32) {
    %c0_i32 = arith.constant 0 : i32
    %c0_i32_0 = arith.constant 0 : i32
    return %arg0, %c0_i32 : i32, i32
  }
  func.func @transform_10(%arg0: i32) -> (i32, i32) {
    %c0_i32 = arith.constant 0 : i32
    %c0_i32_0 = arith.constant 0 : i32
    return %arg0, %c0_i32 : i32, i32
  }
}

</mosaic_0001>

<sc_bundles>
// kernel: kernel.10.cloned.1.call-start
scs
__scs_entry_jumppad:
0x0: {  	(pc) =	sbr.rel $0x88, $3  }
0x1: {  	(tag) =	ssettag $0x0;
	lr =	simm.s32 $0x1  }
0x2: {  	[smem:$0x3F99] =	sst lr;
	_ =	strace $0xD0000000  }
0x3: {  	_ = 	snop  }
0x4: {  	_ = 	snop  }
0x5: {  	_ = 	snop  }
0x6: {  	_ = 	snop  }
0x7: {  	_ = 	snop  }
__scs_overlays_trampoline_lowered:
0x8: {  	[smem:$0x3FA8] =	sst s0  }
0x9: {  	[smem:$0x3FA9] =	sst s1  }
0xa: {  	[smem:$0x3FAA] =	sst s2  }
0xb: {  	[smem:$0x3FAB] =	sst s3  }
0xc: {  	[smem:$0x3FAC] =	sst s4  }
0xd: {  	[smem:$0x3FAD] =	sst s5  }
0xe: {  	[smem:$0x3FAE] =	sst s6  }
0xf: {  	[smem:$0x3FAF] =	sst s7  }
0x10: {  	[smem:$0x3FB0] =	sst s8  }
0x11: {  	[smem:$0x3FB1] =	sst s9;
	s0 =	simm.s32 @!p0 $0x0  }
0x12: {  	s1 =	sld [smem:$0x3F97];
	s0 =	simm.s32 @p0 $0x1  }
0x13: {  	[smem:$0x3FB2] =	sst s0;
	s0 =	simm.s32 @!p1 $0x0  }
0x14: {  	s2 =	sld [smem:$0x3F96];
	s0 =	simm.s32 @p1 $0x1  }
0x15: {  	[smem:$0x3FB3] =	sst s0;
	s0 =	simm.s32 @!p2 $0x0  }
0x16: {  	s3 =	sld [smem:$0x3FDB];
	s0 =	simm.s32 @p2 $0x1  }
0x17: {  	s4 =	simm.s32 $0x1BF5;
	[smem:$0x3FB5] =	sst s0  }
0x18: {  	s0 =	sld [smem:$0x3F98];
	_ =	swait.ge [sflag:s4], $0x0  }
0x19: {  	s7 =	sld [smem:$0x3F99]  }
0x1a: {  	s8 =	sadd.s32 $0xFFFFE003, lr  }
0x1b: {  	s9 =	sadd.s32 $0xFFFFFEF7, lr;
	s5 =	simm.s32 $0xFFFFFFFF;
	p2 =	slt.u32 s8, $0xFFFFF086  }
0x1c: {  	p1 =	slt.u32 s9, $0xF7A;
	s5 =	simm.s32 @!p2 $0x0  }
0x1d: {  	s5 =	simm.s32 @p1 $0x1;
	p0 =	seq.s32 s7, s2  }
0x1e: {  	s7 =	smul.u32 @!p0 $0xF7A, s2;
	p2 =	seq.s32 @!p0 s5, $0x0  }
0x1f: {  	s9 =	smul.u32 $0xF7A, s1;
	s8 =	simm.s32 @!p0 $0x1BF5;
	p2 =	por !p2, p0  }
0x20: {  	[sflag:s8] =	ssyncset.s32 @!p0 $0xFFFFF086;
	s6 =	sadd.s32 @!p0 s3, s7;
	s7 =	simm.s32 @!p0 $0x108  }
0x21: {  	s3 =	sadd.s32 s3, s9;
	s6 =	sadd.s32 @!p0 $0x88, s6;
	s7 =	simm.s32 @p2 $0x1082  }
0x22: {  	[simem:s7], [sflag:s8] =	dma.local @!p0 [hbm:s6], $0xF7A  }
0x23: {  	s9 =	sor.u32 $0xD0000000, s2;
	s6 =	simm.s32 $0x108;
	_ =	swait.ge @!p0 [sflag:s8], $0x0  }
0x24: {  	s3 =	sadd.s32 $0x88, s3;
	s6 =	simm.s32 @!p1 $0x1082;
	[sflag:s4] =	ssyncset.s32 $0xFFFFF086  }
0x25: {  	[simem:s6], [sflag:s4] =	dma.local [hbm:s3], $0xF7A  }
0x26: {  	[smem:$0x3F99] =	sst s1;
	(tag) =	ssettag s2;
	_ =	strace s9  }
0x27: {  	s1 =	sld [smem:$0x3FA9]  }
0x28: {  	s2 =	sld [smem:$0x3FAA]  }
0x29: {  	s4 =	sld [smem:$0x3FAC]  }
0x2a: {  	p0 =	seq.s32 s5, $0x0;
	s5 =	sld [smem:$0x3FAD]  }
0x2b: {  	s6 =	sld [smem:$0x3FAE]  }
0x2c: {  	s7 =	sld [smem:$0x3FAF]  }
0x2d: {  	s3 =	simm.s32 $0x108;
	s8 =	sld [smem:$0x3FB0]  }
0x2e: {  	s3 =	simm.s32 @!p0 $0x1082;
	s9 =	sld [smem:$0x3FB1]  }
0x2f: {  	lr =	sadd.s32 s0, s3;
	s0 =	sld [smem:$0x3FA8]  }
0x30: {  	s3 =	sld [smem:$0x3FAB]  }
0x31: {  	[smem:$0x3FB4] =	sst s10  }
0x32: {  	s10 =	sld [smem:$0x3FB2];
	_ =	sdelay $0x3  }
0x33: {  	p0 =	seq.s32 s10, $0x1;
	s10 =	sld [smem:$0x3FB4];
	_ =	sdelay $0x3  }
0x34: {  	[smem:$0x3FB4] =	sst s10  }
0x35: {  	s10 =	sld [smem:$0x3FB3];
	_ =	sdelay $0x3  }
0x36: {  	p1 =	seq.s32 s10, $0x1;
	s10 =	sld [smem:$0x3FB4];
	_ =	sdelay $0x3  }
0x37: {  	[smem:$0x3FB4] =	sst s10  }
0x38: {  	s10 =	sld [smem:$0x3FB5]  }
0x39: {  	_ = 	snop;
	(pc) =	sbr.ind lr, $3  }
0x3a: {  	_ = 	snop  }
0x3b: {  	_ = 	snop  }
0x3c: {  	p2 =	seq.s32 s10, $0x1;
	s10 =	sld [smem:$0x3FB4]  }
0x3d: {  	_ =	shalt  }
0x3e: {  	_ =	shalt  }
0x3f: {  	_ =	shalt  }
0x40: {  	_ =	shalt  }
0x41: {  	_ =	shalt  }
0x42: {  	_ =	shalt  }
0x43: {  	_ =	shalt  }
0x44: {  	_ =	shalt  }
0x45: {  	_ =	shalt  }
0x46: {  	_ =	shalt  }
0x47: {  	_ =	shalt  }
0x48: {  	_ =	shalt  }
0x49: {  	_ =	shalt  }
0x4a: {  	_ =	shalt  }
0x4b: {  	_ =	shalt  }
0x4c: {  	_ =	shalt  }
0x4d: {  	_ =	shalt  }
0x4e: {  	_ =	shalt  }
0x4f: {  	_ =	shalt  }
0x50: {  	_ =	shalt  }
0x51: {  	_ =	shalt  }
0x52: {  	_ =	shalt  }
0x53: {  	_ =	shalt  }
0x54: {  	_ =	shalt  }
0x55: {  	_ =	shalt  }
0x56: {  	_ =	shalt  }
0x57: {  	_ =	shalt  }
0x58: {  	_ =	shalt  }
0x59: {  	_ =	shalt  }
0x5a: {  	_ =	shalt  }
0x5b: {  	_ =	shalt  }
0x5c: {  	_ =	shalt  }
0x5d: {  	_ =	shalt  }
0x5e: {  	_ =	shalt  }
0x5f: {  	_ =	shalt  }
0x60: {  	_ =	shalt  }
0x61: {  	_ =	shalt  }
0x62: {  	_ =	shalt  }
0x63: {  	_ =	shalt  }
0x64: {  	_ =	shalt  }
0x65: {  	_ =	shalt  }
0x66: {  	_ =	shalt  }
0x67: {  	_ =	shalt  }
0x68: {  	_ =	shalt  }
0x69: {  	_ =	shalt  }
0x6a: {  	_ =	shalt  }
0x6b: {  	_ =	shalt  }
0x6c: {  	_ =	shalt  }
0x6d: {  	_ =	shalt  }
0x6e: {  	_ =	shalt  }
0x6f: {  	_ =	shalt  }
0x70: {  	_ =	shalt  }
0x71: {  	_ =	shalt  }
0x72: {  	_ =	shalt  }
0x73: {  	_ =	shalt  }
0x74: {  	_ =	shalt  }
0x75: {  	_ =	shalt  }
0x76: {  	_ =	shalt  }
0x77: {  	_ =	shalt  }
0x78: {  	_ =	shalt  }
0x79: {  	_ =	shalt  }
0x7a: {  	_ =	shalt  }
0x7b: {  	_ =	shalt  }
0x7c: {  	_ =	shalt  }
0x7d: {  	_ =	shalt  }
0x7e: {  	_ =	shalt  }
0x7f: {  	_ =	shalt  }
0x80: {  	_ =	shalt  }
0x81: {  	_ =	shalt  }
0x82: {  	_ =	shalt  }
0x83: {  	_ =	shalt  }
0x84: {  	_ =	shalt  }
0x85: {  	_ =	shalt  }
0x86: {  	_ =	shalt  }
0x87: {  	_ =	shalt  }
.Lfunc_end0:
.L_simem_size_0:
called_computation.1_lowered:
.L_overlay_start_0:
0x88: {  	s2 =	sld [smem:$0x3FD9]  }
0x89: {  	s3 =	sld [smem:$0x3FFE];
	_ =	sdelay $0x1  }
0x8a: {  	s1 =	srdreg.scid  }
0x8b: {  	s0 =	sand.u32 $0x1, s1  }
0x8c: {  	s17 =	sshll.u32 s0, $0xA;
	s2 =	sadd.s32 s3, s2  }
0x8d: {  	s2 =	sadd.s32 s2, s17  }
0x8e: {  	[smem:$0x3FC0] =	sst s2  }
0x8f: {  	_ = 	snop  }
0x90: {  	s2 =	sld [smem:$0x3FC8];
	(tm) =	ssettm $0x1  }
0x91: {  	s18 =	sld [smem:$0x3FFB];
	_ =	sdelay $0x3  }
0x92: {  	_ =	strace s18  }
0x93: {  	s3 =	sld [smem:$0x3FFC];
	_ =	sdelay $0x3  }
0x94: {  	_ =	strace s3  }
0x95: {  	s3 =	sld [smem:$0x3FFD];
	_ =	sdelay $0x3  }
0x96: {  	_ =	strace s3  }
0x97: {  	_ =	strace $0x8FFFFFFF  }
0x98: {  	s19 =	sld [smem:$0x3FDB];
	_ =	sdelay $0x1  }
0x99: {  	s4 =	simm.s32 $_scs_section_size  }
0x9a: {  	s5 =	simm.s32 $_size__tile_overlayer_lowered;
	s6 =	simm.s32 $_tile_overlayer_lowered  }
0x9b: {  	s22 =	simm.s32 $0x1BFF;
	s21 =	sshll.u32 s6, $0x1;
	s3 =	sadd.s32 s4, s19  }
0x9c: {  	s7 =	simm.s32 $0x0;
	s20 =	sshll.u32 s5, $0x1;
	s5 =	sadd.s32 s21, s3  }
0x9d: {  	[timem:s7], [sflag:s22] =	dma.local [hbm:s5], s20  }
0x9e: {  	_ =	swait.ge [sflag:s22], s20  }
0x9f: {  	s4 =	ssub.s32 $0x0, s20;
	[sflag:s22] =	ssyncset.done $0x0  }
0xa0: {  	[sflag:s22] =	ssyncadd.s32 s4;
	_ =	sdelay $0x1  }
0xa1: {  	s23 =	simm.s32 $0x1B8B  }
0xa2: {  	_ =	swait.ge [sflag:s23], $0x1  }
0xa3: {  	[sflag:s23] =	ssyncset.done $0x0  }
0xa4: {  	s25 =	simm.s32 $0x1B8E;
	s24 =	sld [smem:$0x3FFE];
	[sflag:s23] =	ssyncadd.s32 $0xFFFFFFFF  }
0xa5: {  	s26 =	simm.s32 $execute0_lowered;
	[smem:$0x3FD2] =	sst s25  }
0xa6: {  	s5 =	sshll.u32 s26, $0x1;
	_ =	strace $0x80000049;
	[dreg:$0x1] =	wrdreg $0xFFFFFFFF  }
0xa7: {  	s28 =	simm.s32 $_size_execute0_lowered;
	s3 =	sadd.s32 s3, s5;
	[dreg:$0x0] =	wrdreg $0x0  }
0xa8: {  	s5 =	sshll.u32 s28, $0x1;
	[dreg:$0x2] =	wrdreg s3  }
0xa9: {  	[dreg:$0x3] =	wrdreg s5  }
0xaa: {  	[dreg:$0x4] =	wrdreg $0xC0  }
0xab: {  	_ =	task [dreg:s7], $0x5FFFF  }
0xac: {  	[dreg:$0x1] =	wrdreg $0xFFFFFFFF  }
0xad: {  	[dreg:$0x0] =	wrdreg $0x60  }
0xae: {  	[dreg:$0x2] =	wrdreg s24  }
0xaf: {  	[dreg:$0x3] =	wrdreg s2  }
0xb0: {  	[dreg:$0x4] =	wrdreg $0x0  }
0xb1: {  	[dreg:$0x5] =	wrdreg $0x9  }
0xb2: {  	_ =	task.clear_ibuf [dreg:s7], $0x6FFFF;
	_ =	strace $0x90000049  }
0xb3: {  	s29 =	simm.s32 $0x9;
	_ =	strace $0x8000004B  }
0xb4: {  	_ =	swait.ge [sflag:s29], $0x1  }
0xb5: {  	[sflag:s29] =	ssyncadd.s32 $0xFFFFFFFF  }
0xb6: {  	_ =	strace $0x9000004B  }
0xb7: {  	_ =	sfence  }
0xb8: {  	s30 =	sld [smem:$0x0];
	_ =	sdelay $0x2  }
0xb9: {  	s31 =	sshll.u32 s1, $0xD;
	s1 =	sshrl.u32 s1, $0x2  }
0xba: {  	s3 =	sand.u32 $0x4000, s31;
	s1 =	sadd.s32 s1, s30  }
0xbb: {  	s0 =	sor.u32 s3, s0;
	s1 =	sshll.u32 s1, $0x11  }
0xbc: {  	s0 =	sor.u32 s1, s0  }
0xbd: {  	s0 =	sadd.s32 $0x8F2B, s0  }
0xbe: {  	[sflag:s0] =	ssyncadd.remote.s32 $0x1  }
0xbf: {  	_ =	sfence.sel $0xFFFF  }
0xc0: {  	[dreg:$0x0] =	wrdreg $0xFFFFFFFF;
	(pc) =	sbr.abs _section_cstart, $3  }
0xc1: {  	[dreg:$0x1] =	wrdreg $0xFFFFFFFF  }
0xc2: {  	_ =	task.clear_ibuf [dreg:s7], $0x2FFFF;
	_ =	strace $0x9FFFFFFF  }
0xc3: {  	(tm) =	ssettm $0x7FFFFFFF  }
tec
execute0_lowered:
.L_overlay_start_1:
0x0: {  	(tag) =	ssettag $0x1  }
0x1: {  	s0 =	rddreg [dreg:$0x0]  }
0x2: {  	s1 =	rddreg [dreg:$0x1]  }
0x3: {  	s2 =	rddreg [dreg:$0x2]  }
0x4: {  	s3 =	srdreg.scid;
	s15 =	stileid.u32;
	s4 =	simm.s32 $0x0  }
0x5: {  	s12 =	simm.s32 $0x9;
	s13 =	simm.s32 $0x80;
	s14 =	simm.s32 $0xEF00  }
0x6: {  	s16 =	simm.s32 $0x10F00;
	s18 =	simm.s32 $0x12F00;
	s20 =	simm.s32 $0x14F00  }
0x7: {  	s23 =	simm.s32 $0x1;
	s28 =	simm.s32 $0x2;
	s30 =	simm.s32 $0x6  }
0x8: {  	s17 =	simm.s32 $0x4;
	s24 =	simm.s32 $0x8;
	s31 =	simm.s32 $0x0  }
0x9: {  	s3 =	sand.u32 $0x1, s3;
	s9 =	smul.u32 $0xA000, s15;
	[smem:$0x7FF] =	sst s4  }
0xa: {  	s4 =	sadd.s32 $0x3000, s0;
	s25 =	sadd.s32 $0x17800, s0;
	s29 =	sshll.u32 s15, $0x6  }
0xb: {  	s6 =	smul.u32 $0xA0000, s3;
	s5 =	sshll.u32 s3, $0x4;
	_ =	strace $0x8000004A  }
0xc: {  	[dreg:$0x4] =	wrdreg s25;
	s3 =	ssub.s32 $0x2, s3;
	s21 =	sor.u32 $0x1C09, s29  }
0xd: {  	s25 =	simm.s32 $0x5;
	s11 =	sor.u32 s15, s5;
	s10 =	sshrl.u32 s3, $0x1  }
0xe: {  	s26 =	sadd.s32 s9, s2;
	s6 =	sadd.s32 s9, s6;
	s7 =	smul.u32 $0x4E, s11  }
0xf: {  	s8 =	smin.u32 s11, $0x4;
	p0 =	slt.u32 s11, $0x4;
	s3 =	ssub.s32 s3, s10  }
0x10: {  	s22 =	sshrl.u32 s26, $0x3;
	s6 =	sshrl.u32 s6, $0x3;
	s10 =	smax.u32 s3, $0x1  }
0x11: {  	s0 =	sadd.s32 s6, s0;
	s7 =	sadd.s32 s8, s7;
	s6 =	simm.s32 $0x4F  }
0x12: {  	s3 =	simm.s32 $0x7;
	s7 =	sshll.u32 s7, $0x5;
	s6 =	simm.s32 @!p0 $0x4E  }
0x13: {  	s9 =	sadd.s32 $0x18C00, s0;
	p0 =	sgt.u32 s11, $0x3;
	s7 =	sadd.s32 s1, s7  }
0x14: {  	s11 =	simm.s32 $0xA000;
	s0 =	simm.s32 $0x3;
	s8 =	sadd.s32 $0x9C0, s7  }
.LBB2_1:
0x15: {  	s1 =	simm.s32 $0x0  }
0x16: {  	[tilespmem:s11], [sflag:$0x9] =	stream.linear.gather [hbm4b:s7+s1], $0x4E00, $0x38;
	[tilespmem:$0x16F00] =	vst v63  }
0x17: {  	_ =	swait.ge [sflag:s12], $0x4E00  }
0x18: {  	[sflag:s12] =	ssyncset.done $0x0  }
0x19: {  	s15 =	simm.s32 @!p0 $0xEE00;
	s1 =	simm.s32 @!p0 $0x0;
	[sflag:s12] =	ssyncadd.s32 $0xFFFFB200  }
0x1a: {  	[tilespmem:s15], [sflag:$0x9] =	stream.linear.gather @!p0 [hbm4b:s8+s1], $0x100, $0x38;
	[tilespmem:$0x16F00] =	vst v63  }
0x1b: {  	s1 =	simm.s32 @!p0 $0x9  }
0x1c: {  	_ =	swait.ge @!p0 [sflag:s1], $0x100  }
0x1d: {  	[sflag:s1] =	ssyncset.done @!p0 $0x0  }
0x1e: {  	[sflag:s1] =	ssyncadd.s32 @!p0 $0xFFFFFF00  }
0x1f: {  	[tilespmem:s14], [sflag:$0x1] =	stream.indirect.gather [hbm4b:s4+s13], $0x40, s11, s13, $0xb8;
	[tilespmem:$0x16F00] =	vst v63  }
0x20: {  	s26 =	simm.s32 $0xA100  }
0x21: {  	[tilespmem:s16], [sflag:$0x2] =	stream.indirect.gather [hbm4b:s4+s13], $0x40, s26, s13, $0xb8;
	[tilespmem:$0x16F00] =	vst v63  }
0x22: {  	s29 =	simm.s32 $0xA200  }
0x23: {  	[tilespmem:s18], [sflag:$0x3] =	stream.indirect.gather [hbm4b:s4+s13], $0x40, s29, s13, $0xb8;
	[tilespmem:$0x16F00] =	vst v63  }
0x24: {  	s5 =	simm.s32 $0xA300;
	s15 =	rddreg [dreg:$0x4]  }
0x25: {  	[tilespmem:s20], [sflag:$0x4] =	stream.indirect.gather [hbm4b:s4+s13], $0x40, s5, s13, $0xb8;
	[tilespmem:$0x16F00] =	vst v63  }
0x26: {  	[spmem:s22], [sflag:s21] =	dma.local [hbm:s15], $0x1400  }
0x27: {  	_ =	swait.ge [sflag:s12], $0x1400  }
0x28: {  	[sflag:s12] =	ssyncset.done $0x0  }
0x29: {  	[sflag:s12] =	ssyncadd.s32 $0xFFFFEC00  }
0x2a: {  	[bflag:$0x0] =	sbarrier.arrive $0xFFFF  }
0x2b: {  	_ =	swait.ge [sflag:s23], $0x2000  }
0x2c: {  	[sflag:s23] =	ssyncset.done $0x0  }
0x2d: {  	s19 =	simm.s32 $0xA080;
	[sflag:s23] =	ssyncadd.s32 $0xFFFFE000  }
0x2e: {  	[spmem:s2] =	stream.indirect.scatter.add.f32 [tilespmem:s14], [sflag:$0x5], $0x40, s19, s13, $0xb8;
	[tilespmem:$0x16F00] =	vst v63  }
0x2f: {  	_ =	swait.ge [sflag:s25], $0x2000  }
0x30: {  	[sflag:s25] =	ssyncset.done $0x0  }
0x31: {  	s26 =	simm.s32 $0xA400;
	[sflag:s25] =	ssyncadd.s32 $0xFFFFE000  }
0x32: {  	[tilespmem:s14], [sflag:$0x1] =	stream.indirect.gather [hbm4b:s4+s13], $0x40, s26, s13, $0xb8;
	[tilespmem:$0x16F00] =	vst v63  }
0x33: {  	_ =	swait.ge [sflag:s28], $0x2000  }
0x34: {  	[sflag:s28] =	ssyncset.done $0x0  }
0x35: {  	s29 =	simm.s32 $0xA180;
	[sflag:s28] =	ssyncadd.s32 $0xFFFFE000  }
0x36: {  	[spmem:s2] =	stream.indirect.scatter.add.f32 [tilespmem:s16], [sflag:$0x6], $0x40, s29, s13, $0xb8;
	[tilespmem:$0x16F00] =	vst v63  }
0x37: {  	_ =	swait.ge [sflag:s30], $0x2000  }
0x38: {  	[sflag:s30] =	ssyncset.done $0x0  }
0x39: {  	s5 =	simm.s32 $0xA500;
	[sflag:s30] =	ssyncadd.s32 $0xFFFFE000  }
0x3a: {  	[tilespmem:s16], [sflag:$0x2] =	stream.indirect.gather [hbm4b:s4+s13], $0x40, s5, s13, $0xb8;
	[tilespmem:$0x16F00] =	vst v63  }
0x3b: {  	_ =	swait.ge [sflag:s0], $0x2000  }
0x3c: {  	[sflag:s0] =	ssyncset.done $0x0  }
0x3d: {  	s15 =	simm.s32 $0xA280;
	[sflag:s0] =	ssyncadd.s32 $0xFFFFE000  }
0x3e: {  	[spmem:s2] =	stream.indirect.scatter.add.f32 [tilespmem:s18], [sflag:$0x7], $0x40, s15, s13, $0xb8;
	[tilespmem:$0x16F00] =	vst v63  }
0x3f: {  	_ =	swait.ge [sflag:s3], $0x2000  }
0x40: {  	[sflag:s3] =	ssyncset.done $0x0  }
0x41: {  	s19 =	simm.s32 $0xA600;
	[sflag:s3] =	ssyncadd.s32 $0xFFFFE000  }
0x42: {  	[tilespmem:s18], [sflag:$0x3] =	stream.indirect.gather [hbm4b:s4+s13], $0x40, s19, s13, $0xb8;
	[tilespmem:$0x16F00] =	vst v63  }
0x43: {  	_ =	swait.ge [sflag:s17], $0x2000  }
0x44: {  	[sflag:s17] =	ssyncset.done $0x0  }
0x45: {  	s26 =	simm.s32 $0xA380;
	[sflag:s17] =	ssyncadd.s32 $0xFFFFE000  }
0x46: {  	[spmem:s2] =	stream.indirect.scatter.add.f32 [tilespmem:s20], [sflag:$0x8], $0x40, s26, s13, $0xb8;
	[tilespmem:$0x16F00] =	vst v63  }
0x47: {  	_ =	swait.ge [sflag:s24], $0x2000  }
0x48: {  	[sflag:s24] =	ssyncset.done $0x0  }
0x49: {  	s29 =	simm.s32 $0xA700;
	[sflag:s24] =	ssyncadd.s32 $0xFFFFE000  }
0x4a: {  	[tilespmem:s20], [sflag:$0x4] =	stream.indirect.gather [hbm4b:s4+s13], $0x40, s29, s13, $0xb8;
	[tilespmem:$0x16F00] =	vst v63  }
0x4b: {  	_ =	swait.ge [sflag:s23], $0x2000  }
0x4c: {  	[sflag:s23] =	ssyncset.done $0x0  }
0x4d: {  	s5 =	simm.s32 $0xA480;
	[sflag:s23] =	ssyncadd.s32 $0xFFFFE000  }
0x4e: {  	[spmem:s2] =	stream.indirect.scatter.add.f32 [tilespmem:s14], [sflag:$0x5], $0x40, s5, s13, $0xb8;
	[tilespmem:$0x16F00] =	vst v63  }
0x4f: {  	_ =	swait.ge [sflag:s25], $0x2000  }
0x50: {  	[sflag:s25] =	ssyncset.done $0x0  }
0x51: {  	s15 =	simm.s32 $0xA800;
	[sflag:s25] =	ssyncadd.s32 $0xFFFFE000  }
0x52: {  	[tilespmem:s14], [sflag:$0x1] =	stream.indirect.gather [hbm4b:s4+s13], $0x40, s15, s13, $0xb8;
	[tilespmem:$0x16F00] =	vst v63  }
0x53: {  	_ =	swait.ge [sflag:s28], $0x2000  }
0x54: {  	[sflag:s28] =	ssyncset.done $0x0  }
0x55: {  	s19 =	simm.s32 $0xA580;
	[sflag:s28] =	ssyncadd.s32 $0xFFFFE000  }
0x56: {  	[spmem:s2] =	stream.indirect.scatter.add.f32 [tilespmem:s16], [sflag:$0x6], $0x40, s19, s13, $0xb8;
	[tilespmem:$0x16F00] =	vst v63  }
0x57: {  	_ =	swait.ge [sflag:s30], $0x2000  }
0x58: {  	[sflag:s30] =	ssyncset.done $0x0  }
0x59: {  	s26 =	simm.s32 $0xA900;
	[sflag:s30] =	ssyncadd.s32 $0xFFFFE000  }
0x5a: {  	[tilespmem:s16], [sflag:$0x2] =	stream.indirect.gather [hbm4b:s4+s13], $0x40, s26, s13, $0xb8;
	[tilespmem:$0x16F00] =	vst v63  }
0x5b: {  	_ =	swait.ge [sflag:s0], $0x2000  }
0x5c: {  	[sflag:s0] =	ssyncset.done $0x0  }
0x5d: {  	s29 =	simm.s32 $0xA680;
	[sflag:s0] =	ssyncadd.s32 $0xFFFFE000  }
0x5e: {  	[spmem:s2] =	stream.indirect.scatter.add.f32 [tilespmem:s18], [sflag:$0x7], $0x40, s29, s13, $0xb8;
	[tilespmem:$0x16F00] =	vst v63  }
0x5f: {  	p1 =	sle.u32 s6, $0xA;
	_ =	swait.ge [sflag:s3], $0x2000  }
0x60: {  	s1 =	simm.s32 @!p1 $0x12F00;
	[sflag:s3] =	ssyncset.done $0x0  }
0x61: {  	s15 =	simm.s32 @!p1 $0xAA00;
	s19 =	simm.s32 @!p1 $0x80;
	[sflag:s3] =	ssyncadd.s32 $0xFFFFE000  }
0x62: {  	[tilespmem:s1], [sflag:$0x3] =	stream.indirect.gather @!p1 [hbm4b:s4+s19], $0x40, s15, s19, $0xb8;
	[tilespmem:$0x16F00] =	vst v63  }
0x63: {  	_ =	swait.ge [sflag:s17], $0x2000  }
0x64: {  	s1 =	simm.s32 $0x1000;
	[sflag:s17] =	ssyncset.done $0x0  }
0x65: {  	s19 =	simm.s32 $0xA780;
	s15 =	simm.s32 $0xE;
	[sflag:s17] =	ssyncadd.s32 $0xFFFFE000  }
.LBB2_2:
0x66: {  	[spmem:s2] =	stream.indirect.scatter.add.f32 [tilespmem:s20], [sflag:$0x8], $0x40, s19, s13, $0xb8;
	[tilespmem:$0x16F00] =	vst v63  }
0x67: {  	s26 =	smov.u32 s1;
	s1 =	sadd.s32 $0x1000, s1  }
0x68: {  	p1 =	sne.s32 s1, $0x12000;
	_ =	swait.ge [sflag:s24], $0x2000  }
0x69: {  	s19 =	sshra.s32 s26, $0x2;
	[sflag:s24] =	ssyncset.done $0x0  }
0x6a: {  	s29 =	sadd.s32 $0xA700, s19;
	[sflag:s24] =	ssyncadd.s32 $0xFFFFE000  }
0x6b: {  	[tilespmem:s20], [sflag:$0x4] =	stream.indirect.gather [hbm4b:s4+s13], $0x40, s29, s13, $0xb8;
	[tilespmem:$0x16F00] =	vst v63  }
0x6c: {  	_ =	swait.ge [sflag:s23], $0x2000  }
0x6d: {  	[sflag:s23] =	ssyncset.done $0x0  }
0x6e: {  	s29 =	sadd.s32 $0xA480, s19;
	[sflag:s23] =	ssyncadd.s32 $0xFFFFE000  }
0x6f: {  	[spmem:s2] =	stream.indirect.scatter.add.f32 [tilespmem:s14], [sflag:$0x5], $0x40, s29, s13, $0xb8;
	[tilespmem:$0x16F00] =	vst v63  }
0x70: {  	_ =	swait.ge [sflag:s25], $0x2000  }
0x71: {  	[sflag:s25] =	ssyncset.done $0x0  }
0x72: {  	s29 =	sadd.s32 $0xA800, s19;
	[sflag:s25] =	ssyncadd.s32 $0xFFFFE000  }
0x73: {  	[tilespmem:s14], [sflag:$0x1] =	stream.indirect.gather [hbm4b:s4+s13], $0x40, s29, s13, $0xb8;
	[tilespmem:$0x16F00] =	vst v63  }
0x74: {  	_ =	swait.ge [sflag:s28], $0x2000  }
0x75: {  	[sflag:s28] =	ssyncset.done $0x0  }
0x76: {  	s29 =	sadd.s32 $0xA580, s19;
	[sflag:s28] =	ssyncadd.s32 $0xFFFFE000  }
0x77: {  	[spmem:s2] =	stream.indirect.scatter.add.f32 [tilespmem:s16], [sflag:$0x6], $0x40, s29, s13, $0xb8;
	[tilespmem:$0x16F00] =	vst v63  }
0x78: {  	_ =	swait.ge [sflag:s30], $0x2000  }
0x79: {  	[sflag:s30] =	ssyncset.done $0x0  }
0x7a: {  	s29 =	sadd.s32 $0xA900, s19;
	[sflag:s30] =	ssyncadd.s32 $0xFFFFE000  }
0x7b: {  	[tilespmem:s16], [sflag:$0x2] =	stream.indirect.gather [hbm4b:s4+s13], $0x40, s29, s13, $0xb8;
	[tilespmem:$0x16F00] =	vst v63  }
0x7c: {  	_ =	swait.ge [sflag:s0], $0x2000  }
0x7d: {  	[sflag:s0] =	ssyncset.done $0x0  }
0x7e: {  	p2 =	sge.u32 s15, s6;
	s29 =	sadd.s32 $0xA680, s19;
	[sflag:s0] =	ssyncadd.s32 $0xFFFFE000  }
0x7f: {  	[spmem:s2] =	stream.indirect.scatter.add.f32 [tilespmem:s18], [sflag:$0x7], $0x40, s29, s13, $0xb8;
	[tilespmem:$0x16F00] =	vst v63  }
0x80: {  	s26 =	sshra.s32 @!p2 s26, $0x2;
	_ =	swait.ge [sflag:s3], $0x2000  }
0x81: {  	s5 =	simm.s32 @!p2 $0x80;
	s29 =	simm.s32 @!p2 $0x12F00;
	[sflag:s3] =	ssyncset.done $0x0  }
.Ltmp0:
0x82: {  	s26 =	sadd.s32 @!p2 $0xAA00, s26;
	[sflag:s3] =	ssyncadd.s32 $0xFFFFE000;
	(pc) =	sbr.rel @p1 .LBB2_2-.Ltmp0, $4  }
0x83: {  	[tilespmem:s29], [sflag:$0x3] =	stream.indirect.gather @!p2 [hbm4b:s4+s5], $0x40, s26, s5, $0xb8;
	[tilespmem:$0x16F00] =	vst v63  }
0x84: {  	_ =	swait.ge [sflag:s17], $0x2000  }
0x85: {  	[sflag:s17] =	ssyncset.done $0x0  }
0x86: {  	s15 =	sadd.s32 $0x4, s15;
	s19 =	sadd.s32 $0xA780, s19;
	[sflag:s17] =	ssyncadd.s32 $0xFFFFE000  }
0x87: {  	[spmem:s2] =	stream.indirect.scatter.add.f32 [tilespmem:s20], [sflag:$0x8], $0x40, s19, s13, $0xb8;
	[tilespmem:$0x16F00] =	vst v63  }
0x88: {  	_ =	swait.ge [sflag:s24], $0x2000  }
0x89: {  	[sflag:s24] =	ssyncset.done $0x0  }
0x8a: {  	[sflag:s24] =	ssyncadd.s32 $0xFFFFE000  }
0x8b: {  	_ =	swait.ge [sflag:s23], $0x2000  }
0x8c: {  	[sflag:s23] =	ssyncset.done $0x0  }
0x8d: {  	s1 =	simm.s32 $0xEC80;
	[sflag:s23] =	ssyncadd.s32 $0xFFFFE000  }
0x8e: {  	[spmem:s2] =	stream.indirect.scatter.add.f32 [tilespmem:s14], [sflag:$0x5], $0x40, s1, s13, $0xb8;
	[tilespmem:$0x16F00] =	vst v63  }
0x8f: {  	_ =	swait.ge [sflag:s25], $0x2000  }
0x90: {  	[sflag:s25] =	ssyncset.done $0x0  }
0x91: {  	[sflag:s25] =	ssyncadd.s32 $0xFFFFE000  }
0x92: {  	_ =	swait.ge [sflag:s28], $0x2000  }
0x93: {  	[sflag:s28] =	ssyncset.done $0x0  }
0x94: {  	s29 =	simm.s32 $0xED80;
	[sflag:s28] =	ssyncadd.s32 $0xFFFFE000  }
0x95: {  	[spmem:s2] =	stream.indirect.scatter.add.f32 [tilespmem:s16], [sflag:$0x6], $0x40, s29, s13, $0xb8;
	[tilespmem:$0x16F00] =	vst v63  }
0x96: {  	_ =	swait.ge [sflag:s30], $0x2000  }
0x97: {  	[sflag:s30] =	ssyncset.done $0x0  }
0x98: {  	s1 =	simm.s32 @!p0 $0x3;
	[sflag:s30] =	ssyncadd.s32 $0xFFFFE000  }
0x99: {  	_ =	swait.ge @!p0 [sflag:s1], $0x2000  }
0x9a: {  	s5 =	simm.s32 @!p0 $0xEE80;
	[sflag:s1] =	ssyncset.done @!p0 $0x0  }
0x9b: {  	s15 =	simm.s32 @!p0 $0x12F00;
	[sflag:s1] =	ssyncadd.s32 @!p0 $0xFFFFE000;
	s1 =	simm.s32 @!p0 $0x80  }
0x9c: {  	[spmem:s2] =	stream.indirect.scatter.add.f32 @!p0 [tilespmem:s15], [sflag:$0x7], $0x40, s5, s1, $0xb8;
	[tilespmem:$0x16F00] =	vst v63  }
0x9d: {  	s1 =	simm.s32 @!p0 $0x7  }
0x9e: {  	_ =	swait.ge @!p0 [sflag:s1], $0x2000  }
0x9f: {  	s31 =	sadd.s32 $0x1, s31;
	[sflag:s1] =	ssyncset.done @!p0 $0x0  }
0xa0: {  	p1 =	sne.s32 s31, s10;
	[sflag:s1] =	ssyncadd.s32 @!p0 $0xFFFFE000  }
.Ltmp1:
0xa1: {  	[bflag:$0x0] =	sbarrier.arrive $0xFFFF;
	(pc) =	sbr.rel @p1 .LBB2_1-.Ltmp1, $4  }
0xa2: {  	[hbm:s9], [sflag:s21] =	dma.local [spmem:s22], $0x1400  }
0xa3: {  	_ =	swait.ge [sflag:s12], $0x1400  }
0xa4: {  	[sflag:s12] =	ssyncset.done $0x0  }
0xa5: {  	[sflag:s12] =	ssyncadd.s32 $0xFFFFEC00  }
0xa6: {  	_ =	sfence.sel $0x180000  }
0xa7: {  	[bflag:$0x0] =	sbarrier.arrive $0xFFFF  }
0xa8: {  	_ =	strace $0x9000004A  }
0xa9: {  	s0 =	stileid.u32;
	[bflag:$0x2] =	sbarrier.arrive $0xFFFF  }
0xaa: {  	p0 =	sne.s32 s0, $0x0;
	s0 =	rddreg [dreg:$0x3]  }
0xab: {  	s0 =	sadd.s32 @!p0 $0x100000, s0  }
0xac: {  	[sflag:s0] =	ssyncadd.tile.s32 @!p0 $0x1;
	_ =	shalt  }
.Lfunc_end2:
_tile_overlayer_lowered:
.L_overlay_start_2:
0xad: {  	(tag) =	ssettag $0x2  }
0xae: {  	s0 =	rddreg [dreg:$0x0];
	s2 =	stileid.u32  }
0xaf: {  	s1 =	rddreg [dreg:$0x1];
	p0 =	sne.s32 s2, $0x0  }
0xb0: {  	s3 =	rddreg [dreg:$0x2];
	[bflag:$0x3] =	sbarrier.arrive $0xFFFF;
	s2 =	simm.s32 @!p0 $0x1C09  }
0xb1: {  	[timem:s3], [sflag:s2] =	dma.local @!p0 [hbm:s0], s1  }
0xb2: {  	s0 =	simm.s32 @!p0 $0x9  }
0xb3: {  	_ =	swait.ge @!p0 [sflag:s0], s1  }
0xb4: {  	s1 =	ssub.s32 @!p0 $0x0, s1;
	[sflag:s0] =	ssyncset.done @!p0 $0x0  }
0xb5: {  	[sflag:s0] =	ssyncadd.s32 @!p0 s1  }
0xb6: {  	[bflag:$0x3] =	sbarrier.arrive $0xFFFF  }
0xb7: {  	_ =	shalt  }

// kernel: kernel.7.cloned.1.call-start
scs
__scs_entry_jumppad:
0x0: {  	(pc) =	sbr.rel $0x88, $3  }
0x1: {  	(tag) =	ssettag $0x0;
	lr =	simm.s32 $0x1  }
0x2: {  	[smem:$0x3F99] =	sst lr;
	_ =	strace $0xD0000000  }
0x3: {  	_ = 	snop  }
0x4: {  	_ = 	snop  }
0x5: {  	_ = 	snop  }
0x6: {  	_ = 	snop  }
0x7: {  	_ = 	snop  }
__scs_overlays_trampoline_lowered:
0x8: {  	[smem:$0x3FA8] =	sst s0  }
0x9: {  	[smem:$0x3FA9] =	sst s1  }
0xa: {  	[smem:$0x3FAA] =	sst s2  }
0xb: {  	[smem:$0x3FAB] =	sst s3  }
0xc: {  	[smem:$0x3FAC] =	sst s4  }
0xd: {  	[smem:$0x3FAD] =	sst s5  }
0xe: {  	[smem:$0x3FAE] =	sst s6  }
0xf: {  	[smem:$0x3FAF] =	sst s7  }
0x10: {  	[smem:$0x3FB0] =	sst s8  }
0x11: {  	[smem:$0x3FB1] =	sst s9;
	s0 =	simm.s32 @!p0 $0x0  }
0x12: {  	s1 =	sld [smem:$0x3F97];
	s0 =	simm.s32 @p0 $0x1  }
0x13: {  	[smem:$0x3FB2] =	sst s0;
	s0 =	simm.s32 @!p1 $0x0  }
0x14: {  	s2 =	sld [smem:$0x3F96];
	s0 =	simm.s32 @p1 $0x1  }
0x15: {  	[smem:$0x3FB3] =	sst s0;
	s0 =	simm.s32 @!p2 $0x0  }
0x16: {  	s3 =	sld [smem:$0x3FDB];
	s0 =	simm.s32 @p2 $0x1  }
0x17: {  	s4 =	simm.s32 $0x1BF5;
	[smem:$0x3FB5] =	sst s0  }
0x18: {  	s0 =	sld [smem:$0x3F98];
	_ =	swait.ge [sflag:s4], $0x0  }
0x19: {  	s7 =	sld [smem:$0x3F99]  }
0x1a: {  	s8 =	sadd.s32 $0xFFFFE003, lr  }
0x1b: {  	s9 =	sadd.s32 $0xFFFFFEF7, lr;
	s5 =	simm.s32 $0xFFFFFFFF;
	p2 =	slt.u32 s8, $0xFFFFF086  }
0x1c: {  	p1 =	slt.u32 s9, $0xF7A;
	s5 =	simm.s32 @!p2 $0x0  }
0x1d: {  	s5 =	simm.s32 @p1 $0x1;
	p0 =	seq.s32 s7, s2  }
0x1e: {  	s7 =	smul.u32 @!p0 $0xF7A, s2;
	p2 =	seq.s32 @!p0 s5, $0x0  }
0x1f: {  	s9 =	smul.u32 $0xF7A, s1;
	s8 =	simm.s32 @!p0 $0x1BF5;
	p2 =	por !p2, p0  }
0x20: {  	[sflag:s8] =	ssyncset.s32 @!p0 $0xFFFFF086;
	s6 =	sadd.s32 @!p0 s3, s7;
	s7 =	simm.s32 @!p0 $0x108  }
0x21: {  	s3 =	sadd.s32 s3, s9;
	s6 =	sadd.s32 @!p0 $0x88, s6;
	s7 =	simm.s32 @p2 $0x1082  }
0x22: {  	[simem:s7], [sflag:s8] =	dma.local @!p0 [hbm:s6], $0xF7A  }
0x23: {  	s9 =	sor.u32 $0xD0000000, s2;
	s6 =	simm.s32 $0x108;
	_ =	swait.ge @!p0 [sflag:s8], $0x0  }
0x24: {  	s3 =	sadd.s32 $0x88, s3;
	s6 =	simm.s32 @!p1 $0x1082;
	[sflag:s4] =	ssyncset.s32 $0xFFFFF086  }
0x25: {  	[simem:s6], [sflag:s4] =	dma.local [hbm:s3], $0xF7A  }
0x26: {  	[smem:$0x3F99] =	sst s1;
	(tag) =	ssettag s2;
	_ =	strace s9  }
0x27: {  	s1 =	sld [smem:$0x3FA9]  }
0x28: {  	s2 =	sld [smem:$0x3FAA]  }
0x29: {  	s4 =	sld [smem:$0x3FAC]  }
0x2a: {  	p0 =	seq.s32 s5, $0x0;
	s5 =	sld [smem:$0x3FAD]  }
0x2b: {  	s6 =	sld [smem:$0x3FAE]  }
0x2c: {  	s7 =	sld [smem:$0x3FAF]  }
0x2d: {  	s3 =	simm.s32 $0x108;
	s8 =	sld [smem:$0x3FB0]  }
0x2e: {  	s3 =	simm.s32 @!p0 $0x1082;
	s9 =	sld [smem:$0x3FB1]  }
0x2f: {  	lr =	sadd.s32 s0, s3;
	s0 =	sld [smem:$0x3FA8]  }
0x30: {  	s3 =	sld [smem:$0x3FAB]  }
0x31: {  	[smem:$0x3FB4] =	sst s10  }
0x32: {  	s10 =	sld [smem:$0x3FB2];
	_ =	sdelay $0x3  }
0x33: {  	p0 =	seq.s32 s10, $0x1;
	s10 =	sld [smem:$0x3FB4];
	_ =	sdelay $0x3  }
0x34: {  	[smem:$0x3FB4] =	sst s10  }
0x35: {  	s10 =	sld [smem:$0x3FB3];
	_ =	sdelay $0x3  }
0x36: {  	p1 =	seq.s32 s10, $0x1;
	s10 =	sld [smem:$0x3FB4];
	_ =	sdelay $0x3  }
0x37: {  	[smem:$0x3FB4] =	sst s10  }
0x38: {  	s10 =	sld [smem:$0x3FB5]  }
0x39: {  	_ = 	snop;
	(pc) =	sbr.ind lr, $3  }
0x3a: {  	_ = 	snop  }
0x3b: {  	_ = 	snop  }
0x3c: {  	p2 =	seq.s32 s10, $0x1;
	s10 =	sld [smem:$0x3FB4]  }
0x3d: {  	_ =	shalt  }
0x3e: {  	_ =	shalt  }
0x3f: {  	_ =	shalt  }
0x40: {  	_ =	shalt  }
0x41: {  	_ =	shalt  }
0x42: {  	_ =	shalt  }
0x43: {  	_ =	shalt  }
0x44: {  	_ =	shalt  }
0x45: {  	_ =	shalt  }
0x46: {  	_ =	shalt  }
0x47: {  	_ =	shalt  }
0x48: {  	_ =	shalt  }
0x49: {  	_ =	shalt  }
0x4a: {  	_ =	shalt  }
0x4b: {  	_ =	shalt  }
0x4c: {  	_ =	shalt  }
0x4d: {  	_ =	shalt  }
0x4e: {  	_ =	shalt  }
0x4f: {  	_ =	shalt  }
0x50: {  	_ =	shalt  }
0x51: {  	_ =	shalt  }
0x52: {  	_ =	shalt  }
0x53: {  	_ =	shalt  }
0x54: {  	_ =	shalt  }
0x55: {  	_ =	shalt  }
0x56: {  	_ =	shalt  }
0x57: {  	_ =	shalt  }
0x58: {  	_ =	shalt  }
0x59: {  	_ =	shalt  }
0x5a: {  	_ =	shalt  }
0x5b: {  	_ =	shalt  }
0x5c: {  	_ =	shalt  }
0x5d: {  	_ =	shalt  }
0x5e: {  	_ =	shalt  }
0x5f: {  	_ =	shalt  }
0x60: {  	_ =	shalt  }
0x61: {  	_ =	shalt  }
0x62: {  	_ =	shalt  }
0x63: {  	_ =	shalt  }
0x64: {  	_ =	shalt  }
0x65: {  	_ =	shalt  }
0x66: {  	_ =	shalt  }
0x67: {  	_ =	shalt  }
0x68: {  	_ =	shalt  }
0x69: {  	_ =	shalt  }
0x6a: {  	_ =	shalt  }
0x6b: {  	_ =	shalt  }
0x6c: {  	_ =	shalt  }
0x6d: {  	_ =	shalt  }
0x6e: {  	_ =	shalt  }
0x6f: {  	_ =	shalt  }
0x70: {  	_ =	shalt  }
0x71: {  	_ =	shalt  }
0x72: {  	_ =	shalt  }
0x73: {  	_ =	shalt  }
0x74: {  	_ =	shalt  }
0x75: {  	_ =	shalt  }
0x76: {  	_ =	shalt  }
0x77: {  	_ =	shalt  }
0x78: {  	_ =	shalt  }
0x79: {  	_ =	shalt  }
0x7a: {  	_ =	shalt  }
0x7b: {  	_ =	shalt  }
0x7c: {  	_ =	shalt  }
0x7d: {  	_ =	shalt  }
0x7e: {  	_ =	shalt  }
0x7f: {  	_ =	shalt  }
0x80: {  	_ =	shalt  }
0x81: {  	_ =	shalt  }
0x82: {  	_ =	shalt  }
0x83: {  	_ =	shalt  }
0x84: {  	_ =	shalt  }
0x85: {  	_ =	shalt  }
0x86: {  	_ =	shalt  }
0x87: {  	_ =	shalt  }
.Lfunc_end0:
.L_simem_size_0:
called_computation_lowered:
.L_overlay_start_0:
0x88: {  	s2 =	sld [smem:$0x3FD9]  }
0x89: {  	s3 =	sld [smem:$0x3FFE];
	_ =	sdelay $0x1  }
0x8a: {  	s1 =	srdreg.scid  }
0x8b: {  	s0 =	sand.u32 $0x1, s1  }
0x8c: {  	s17 =	sshll.u32 s0, $0xA;
	s2 =	sadd.s32 s3, s2  }
0x8d: {  	s2 =	sadd.s32 s2, s17  }
0x8e: {  	[smem:$0x3FC0] =	sst s2  }
0x8f: {  	_ = 	snop  }
0x90: {  	s2 =	sld [smem:$0x3FC8]  }
0x91: {  	s18 =	sld [smem:$0x3FD0];
	(tm) =	ssettm $0x1  }
0x92: {  	s4 =	sld [smem:$0x3FFB];
	_ =	sdelay $0x3  }
0x93: {  	_ =	strace s4  }
0x94: {  	s4 =	sld [smem:$0x3FFC];
	_ =	sdelay $0x3  }
0x95: {  	_ =	strace s4  }
0x96: {  	s4 =	sld [smem:$0x3FFD];
	_ =	sdelay $0x3  }
0x97: {  	_ =	strace s4  }
0x98: {  	_ =	strace $0x8FFFFFFF  }
0x99: {  	s19 =	sld [smem:$0x3FDB];
	_ =	sdelay $0x1  }
0x9a: {  	s5 =	simm.s32 $_scs_section_size  }
0x9b: {  	s6 =	simm.s32 $_size__tile_overlayer_lowered;
	s7 =	simm.s32 $_tile_overlayer_lowered  }
0x9c: {  	s22 =	simm.s32 $0x1BFF;
	s21 =	sshll.u32 s7, $0x1;
	s4 =	sadd.s32 s5, s19  }
0x9d: {  	s8 =	simm.s32 $0x0;
	s20 =	sshll.u32 s6, $0x1;
	s6 =	sadd.s32 s21, s4  }
0x9e: {  	[timem:s8], [sflag:s22] =	dma.local [hbm:s6], s20  }
0x9f: {  	_ =	swait.ge [sflag:s22], s20  }
0xa0: {  	s5 =	ssub.s32 $0x0, s20;
	[sflag:s22] =	ssyncset.done $0x0  }
0xa1: {  	[sflag:s22] =	ssyncadd.s32 s5;
	_ =	sdelay $0x1  }
0xa2: {  	s23 =	simm.s32 $0x1B8B  }
0xa3: {  	_ =	swait.ge [sflag:s23], $0x1  }
0xa4: {  	[sflag:s23] =	ssyncset.done $0x0  }
0xa5: {  	s25 =	simm.s32 $0x1B8E;
	s24 =	sld [smem:$0x3FFE];
	[sflag:s23] =	ssyncadd.s32 $0xFFFFFFFF  }
0xa6: {  	s26 =	simm.s32 $execute0_lowered;
	[smem:$0x3FD2] =	sst s25  }
0xa7: {  	s6 =	sshll.u32 s26, $0x1;
	_ =	strace $0x80000046;
	[dreg:$0x1] =	wrdreg $0xFFFFFFFF  }
0xa8: {  	s28 =	simm.s32 $_size_execute0_lowered;
	s4 =	sadd.s32 s4, s6;
	[dreg:$0x0] =	wrdreg $0x0  }
0xa9: {  	s6 =	sshll.u32 s28, $0x1;
	[dreg:$0x2] =	wrdreg s4  }
0xaa: {  	[dreg:$0x3] =	wrdreg s6  }
0xab: {  	[dreg:$0x4] =	wrdreg $0xC0  }
0xac: {  	_ =	task [dreg:s8], $0x5FFFF  }
0xad: {  	[dreg:$0x1] =	wrdreg $0xFFFFFFFF  }
0xae: {  	[dreg:$0x0] =	wrdreg $0x60  }
0xaf: {  	[dreg:$0x2] =	wrdreg s24  }
0xb0: {  	[dreg:$0x3] =	wrdreg s2  }
0xb1: {  	[dreg:$0x4] =	wrdreg s18  }
0xb2: {  	[dreg:$0x5] =	wrdreg $0x0  }
0xb3: {  	[dreg:$0x6] =	wrdreg $0xA0000  }
0xb4: {  	[dreg:$0x7] =	wrdreg $0x9  }
0xb5: {  	_ =	task.clear_ibuf [dreg:s8], $0x8FFFF;
	_ =	strace $0x90000046  }
0xb6: {  	s29 =	simm.s32 $0x9;
	_ =	strace $0x80000048  }
0xb7: {  	_ =	swait.ge [sflag:s29], $0x1  }
0xb8: {  	[sflag:s29] =	ssyncadd.s32 $0xFFFFFFFF  }
0xb9: {  	_ =	strace $0x90000048  }
0xba: {  	_ =	sfence  }
0xbb: {  	s30 =	sld [smem:$0x0];
	_ =	sdelay $0x2  }
0xbc: {  	s31 =	sshll.u32 s1, $0xD;
	s1 =	sshrl.u32 s1, $0x2  }
0xbd: {  	s3 =	sand.u32 $0x4000, s31;
	s1 =	sadd.s32 s1, s30  }
0xbe: {  	s0 =	sor.u32 s3, s0;
	s1 =	sshll.u32 s1, $0x11  }
0xbf: {  	s0 =	sor.u32 s1, s0  }
0xc0: {  	s0 =	sadd.s32 $0x8F2B, s0  }
0xc1: {  	[sflag:s0] =	ssyncadd.remote.s32 $0x1  }
0xc2: {  	_ =	sfence.sel $0xFFFF  }
0xc3: {  	[dreg:$0x0] =	wrdreg $0xFFFFFFFF;
	(pc) =	sbr.abs _section_cstart, $3  }
0xc4: {  	[dreg:$0x1] =	wrdreg $0xFFFFFFFF  }
0xc5: {  	_ =	task.clear_ibuf [dreg:s8], $0x2FFFF;
	_ =	strace $0x9FFFFFFF  }
0xc6: {  	(tm) =	ssettm $0x7FFFFFFF  }
0xc7: {  	_ =	shalt  }
tec
execute0_lowered:
.L_overlay_start_1:
0x0: {  	(tag) =	ssettag $0x1  }
0x1: {  	s0 =	rddreg [dreg:$0x0]  }
0x2: {  	s2 =	rddreg [dreg:$0x1]  }
0x3: {  	s4 =	rddreg [dreg:$0x2]  }
0x4: {  	s1 =	rddreg [dreg:$0x3]  }
0x5: {  	s3 =	rddreg [dreg:$0x4]  }
0x6: {  	s6 =	simm.s32 $0x0;
	s5 =	srdreg.scid;
	s13 =	stileid.u32  }
0x7: {  	s17 =	simm.s32 $0x9;
	s28 =	simm.s32 $0x1;
	s30 =	simm.s32 $0x5  }
0x8: {  	[smem:$0x7FF] =	sst s6;
	s18 =	sand.u32 $0x1, s5;
	s7 =	smul.u32 $0xA000, s13  }
0x9: {  	s5 =	sadd.s32 $0x3000, s0;
	s9 =	sadd.s32 $0x17800, s0;
	s19 =	sadd.s32 $0x17200, s0  }
0xa: {  	s23 =	smul.u32 $0x2800, s13;
	_ =	strace $0x80000047;
	[dreg:$0x7] =	wrdreg s9  }
0xb: {  	s10 =	sadd.s32 $0x17000, s0;
	s8 =	smul.u32 $0xA0000, s18;
	[dreg:$0x8] =	wrdreg s19  }
0xc: {  	s20 =	sshll.u32 s18, $0x4;
	[dreg:$0x9] =	wrdreg s10;
	s21 =	ssub.s32 $0x2, s18  }
0xd: {  	s6 =	smul.u32 $0x28000, s18;
	s18 =	simm.s32 $0x80;
	s19 =	simm.s32 $0x11700  }
0xe: {  	s10 =	simm.s32 $0x11580;
	s9 =	sor.u32 s13, s20;
	s22 =	sshrl.u32 s21, $0x1  }
0xf: {  	s13 =	simm.s32 $0x4F;
	s25 =	sadd.s32 s7, s1;
	s26 =	sadd.s32 s23, s3  }
0x10: {  	s20 =	simm.s32 $0x6;
	s8 =	sadd.s32 s7, s8;
	s11 =	smul.u32 $0x4E, s9  }
0x11: {  	s12 =	smin.u32 s9, $0x4;
	p0 =	slt.u32 s9, $0x4;
	[dreg:$0xc] =	wrdreg s25  }
0x12: {  	s24 =	sadd.s32 s23, s6;
	[dreg:$0xd] =	wrdreg s26;
	s23 =	simm.s32 $0x15700  }
0x13: {  	s25 =	simm.s32 $0x17700;
	s26 =	simm.s32 $0x19700;
	s6 =	simm.s32 $0xCB80  }
0x14: {  	s7 =	simm.s32 $0x8;
	s8 =	sshrl.u32 s8, $0x3;
	s13 =	simm.s32 @!p0 $0x4E  }
0x15: {  	p0 =	sgt.u32 s9, $0x3;
	s0 =	sadd.s32 s8, s0;
	s11 =	sadd.s32 s12, s11  }
0x16: {  	s8 =	ssub.s32 s21, s22;
	[dreg:$0x6] =	wrdreg s13;
	s0 =	sadd.s32 $0x18C00, s0  }
0x17: {  	s11 =	sshll.u32 s11, $0x5;
	s31 =	smax.u32 s8, $0x1;
	[dreg:$0xe] =	wrdreg s0  }
0x18: {  	s21 =	simm.s32 $0x13700;
	s2 =	sadd.s32 s2, s11;
	[dreg:$0x10] =	wrdreg s31  }
0x19: {  	s22 =	simm.s32 $0x7;
	[dreg:$0xa] =	wrdreg s2;
	s2 =	sadd.s32 $0x9C0, s2  }
0x1a: {  	s8 =	simm.s32 $0x11480;
	[dreg:$0xb] =	wrdreg s2;
	s2 =	sshrl.u32 s24, $0x3  }
0x1b: {  	s0 =	simm.s32 $0x2;
	s11 =	simm.s32 $0x0;
	s29 =	sadd.s32 s4, s2  }
0x1c: {  	s24 =	simm.s32 $0x3;
	s4 =	simm.s32 $0x4;
	[dreg:$0xf] =	wrdreg s29  }
.LBB2_1:
0x1d: {  	s14 =	simm.s32 $0x0;
	s2 =	rddreg [dreg:$0xa];
	s13 =	simm.s32 $0xC800  }
0x1e: {  	[tilespmem:s13], [sflag:$0x9] =	stream.linear.gather [hbm4b:s2+s14], $0x4E00, $0x38;
	[tilespmem:$0x19F00] =	vst v63  }
0x1f: {  	_ =	swait.ge [sflag:s17], $0x4E00  }
0x20: {  	s9 =	simm.s32 @!p0 $0x0;
	[sflag:s17] =	ssyncset.done $0x0  }
0x21: {  	s12 =	simm.s32 @!p0 $0x11600;
	s2 =	rddreg [dreg:$0xb];
	[sflag:s17] =	ssyncadd.s32 $0xFFFFB200  }
0x22: {  	[tilespmem:s12], [sflag:$0x9] =	stream.linear.gather @!p0 [hbm4b:s2+s9], $0x100, $0x38;
	[tilespmem:$0x19F00] =	vst v63  }
0x23: {  	s9 =	simm.s32 @!p0 $0x9  }
0x24: {  	_ =	swait.ge @!p0 [sflag:s9], $0x100  }
0x25: {  	[sflag:s9] =	ssyncset.done @!p0 $0x0  }
0x26: {  	[sflag:s9] =	ssyncadd.s32 @!p0 $0xFFFFFF00  }
0x27: {  	[tilespmem:s19], [sflag:$0x1] =	stream.indirect.gather [hbm4b:s5+s18], $0x40, s13, s18, $0xb8;
	[tilespmem:$0x19F00] =	vst v63  }
0x28: {  	s16 =	simm.s32 $0xC900;
	s29 =	simm.s32 $0xCA00;
	s9 =	stileid.u32  }
0x29: {  	[tilespmem:s21], [sflag:$0x2] =	stream.indirect.gather [hbm4b:s5+s18], $0x40, s16, s18, $0xb8;
	[tilespmem:$0x19F00] =	vst v63  }
0x2a: {  	s31 =	simm.s32 $0xCB00;
	s12 =	sshll.u32 s9, $0x6;
	s13 =	rddreg [dreg:$0xc]  }
0x2b: {  	[tilespmem:s23], [sflag:$0x3] =	stream.indirect.gather [hbm4b:s5+s18], $0x40, s29, s18, $0xb8;
	[tilespmem:$0x19F00] =	vst v63  }
0x2c: {  	s15 =	rddreg [dreg:$0x7];
	s12 =	sor.u32 $0x1C09, s12;
	s16 =	sshrl.u32 s13, $0x3  }
0x2d: {  	[tilespmem:s25], [sflag:$0x4] =	stream.indirect.gather [hbm4b:s5+s18], $0x40, s31, s18, $0xb8;
	[tilespmem:$0x19F00] =	vst v63  }
0x2e: {  	[spmem:s16], [sflag:s12] =	dma.local [hbm:s15], $0x1400  }
0x2f: {  	_ =	swait.ge [sflag:s17], $0x1400  }
0x30: {  	[sflag:s17] =	ssyncset.done $0x0;
	s29 =	rddreg [dreg:$0xd]  }
0x31: {  	s31 =	rddreg [dreg:$0x8];
	[sflag:s17] =	ssyncadd.s32 $0xFFFFEC00;
	s13 =	sshrl.u32 s29, $0x3  }
0x32: {  	[spmem:s13], [sflag:s12] =	dma.local [hbm:s31], $0x500  }
0x33: {  	_ =	swait.ge [sflag:s17], $0x500  }
0x34: {  	[sflag:s17] =	ssyncset.done $0x0  }
0x35: {  	s9 =	rddreg [dreg:$0x9];
	[sflag:s17] =	ssyncadd.s32 $0xFFFFFB00  }
0x36: {  	[tilespmem:s26], [sflag:$0x9] =	stream.linear.gather [hbm4b:s9+s14], $0x800, $0x38;
	[tilespmem:$0x19F00] =	vst v63  }
0x37: {  	_ =	swait.ge [sflag:s17], $0x800  }
0x38: {  	[sflag:s17] =	ssyncset.done $0x0  }
0x39: {  	[sflag:s17] =	ssyncadd.s32 $0xFFFFF800  }
0x3a: {  	[bflag:$0x0] =	sbarrier.arrive $0xFFFF  }
0x3b: {  	_ =	swait.ge [sflag:s28], $0x2000  }
0x3c: {  	[sflag:s28] =	ssyncset.done $0x0  }
0x3d: {  	s15 =	simm.s32 $0xC880;
	[sflag:s28] =	ssyncadd.s32 $0xFFFFE000  }
0x3e: {  	[spmem:s1] =	stream.indirect.scatter.add.f32 [tilespmem:s19], [sflag:$0x5], $0x40, s15, s18, $0xb8;
	[tilespmem:$0x19F00] =	vst v63  }
0x3f: {  	_ = 	snop  }
0x40: {  	[spmem:s3] =	stream.indirect.scatter.add.f32 [tilespmem:s26], [sflag:$0x5], $0x10, s15, s18, $0xb8;
	[tilespmem:$0x19F00] =	vst v63  }
0x41: {  	_ =	swait.ge [sflag:s30], $0x2000  }
0x42: {  	[sflag:s30] =	ssyncset.done $0x0  }
0x43: {  	[sflag:s30] =	ssyncadd.s32 $0xFFFFE000  }
0x44: {  	_ =	swait.ge [sflag:s30], $0x800  }
0x45: {  	[sflag:s30] =	ssyncset.done $0x0  }
0x46: {  	s29 =	simm.s32 $0xCC00;
	[sflag:s30] =	ssyncadd.s32 $0xFFFFF800  }
0x47: {  	[tilespmem:s19], [sflag:$0x1] =	stream.indirect.gather [hbm4b:s5+s18], $0x40, s29, s18, $0xb8;
	[tilespmem:$0x19F00] =	vst v63  }
0x48: {  	_ =	swait.ge [sflag:s0], $0x2000  }
0x49: {  	[sflag:s0] =	ssyncset.done $0x0  }
0x4a: {  	s31 =	simm.s32 $0xC980;
	[sflag:s0] =	ssyncadd.s32 $0xFFFFE000  }
0x4b: {  	[spmem:s1] =	stream.indirect.scatter.add.f32 [tilespmem:s21], [sflag:$0x6], $0x40, s31, s18, $0xb8;
	[tilespmem:$0x19F00] =	vst v63  }
0x4c: {  	_ = 	snop  }
0x4d: {  	[spmem:s3] =	stream.indirect.scatter.add.f32 [tilespmem:s26], [sflag:$0x6], $0x10, s31, s18, $0xb8;
	[tilespmem:$0x19F00] =	vst v63  }
0x4e: {  	_ =	swait.ge [sflag:s20], $0x2000  }
0x4f: {  	[sflag:s20] =	ssyncset.done $0x0  }
0x50: {  	[sflag:s20] =	ssyncadd.s32 $0xFFFFE000  }
0x51: {  	_ =	swait.ge [sflag:s20], $0x800  }
0x52: {  	[sflag:s20] =	ssyncset.done $0x0  }
0x53: {  	s9 =	simm.s32 $0xCD00;
	[sflag:s20] =	ssyncadd.s32 $0xFFFFF800  }
0x54: {  	[tilespmem:s21], [sflag:$0x2] =	stream.indirect.gather [hbm4b:s5+s18], $0x40, s9, s18, $0xb8;
	[tilespmem:$0x19F00] =	vst v63  }
0x55: {  	_ =	swait.ge [sflag:s24], $0x2000  }
0x56: {  	[sflag:s24] =	ssyncset.done $0x0  }
0x57: {  	s14 =	simm.s32 $0xCA80;
	[sflag:s24] =	ssyncadd.s32 $0xFFFFE000  }
0x58: {  	[spmem:s1] =	stream.indirect.scatter.add.f32 [tilespmem:s23], [sflag:$0x7], $0x40, s14, s18, $0xb8;
	[tilespmem:$0x19F00] =	vst v63  }
0x59: {  	_ = 	snop  }
0x5a: {  	[spmem:s3] =	stream.indirect.scatter.add.f32 [tilespmem:s26], [sflag:$0x7], $0x10, s14, s18, $0xb8;
	[tilespmem:$0x19F00] =	vst v63  }
0x5b: {  	_ =	swait.ge [sflag:s22], $0x2000  }
0x5c: {  	[sflag:s22] =	ssyncset.done $0x0  }
0x5d: {  	[sflag:s22] =	ssyncadd.s32 $0xFFFFE000  }
0x5e: {  	_ =	swait.ge [sflag:s22], $0x800  }
0x5f: {  	[sflag:s22] =	ssyncset.done $0x0  }
0x60: {  	s15 =	simm.s32 $0xCE00;
	[sflag:s22] =	ssyncadd.s32 $0xFFFFF800  }
0x61: {  	[tilespmem:s23], [sflag:$0x3] =	stream.indirect.gather [hbm4b:s5+s18], $0x40, s15, s18, $0xb8;
	[tilespmem:$0x19F00] =	vst v63  }
0x62: {  	_ =	swait.ge [sflag:s4], $0x2000  }
0x63: {  	[sflag:s4] =	ssyncset.done $0x0  }
0x64: {  	[sflag:s4] =	ssyncadd.s32 $0xFFFFE000  }
0x65: {  	[spmem:s1] =	stream.indirect.scatter.add.f32 [tilespmem:s25], [sflag:$0x8], $0x40, s6, s18, $0xb8;
	[tilespmem:$0x19F00] =	vst v63  }
0x66: {  	_ = 	snop  }
0x67: {  	[spmem:s3] =	stream.indirect.scatter.add.f32 [tilespmem:s26], [sflag:$0x8], $0x10, s6, s18, $0xb8;
	[tilespmem:$0x19F00] =	vst v63  }
0x68: {  	_ =	swait.ge [sflag:s7], $0x2000  }
0x69: {  	[sflag:s7] =	ssyncset.done $0x0  }
0x6a: {  	[sflag:s7] =	ssyncadd.s32 $0xFFFFE000  }
0x6b: {  	_ =	swait.ge [sflag:s7], $0x800  }
0x6c: {  	[sflag:s7] =	ssyncset.done $0x0  }
0x6d: {  	s29 =	simm.s32 $0xCF00;
	[sflag:s7] =	ssyncadd.s32 $0xFFFFF800  }
0x6e: {  	[tilespmem:s25], [sflag:$0x4] =	stream.indirect.gather [hbm4b:s5+s18], $0x40, s29, s18, $0xb8;
	[tilespmem:$0x19F00] =	vst v63  }
0x6f: {  	_ =	swait.ge [sflag:s28], $0x2000  }
0x70: {  	[sflag:s28] =	ssyncset.done $0x0  }
0x71: {  	s31 =	simm.s32 $0xCC80;
	[sflag:s28] =	ssyncadd.s32 $0xFFFFE000  }
0x72: {  	[spmem:s1] =	stream.indirect.scatter.add.f32 [tilespmem:s19], [sflag:$0x5], $0x40, s31, s18, $0xb8;
	[tilespmem:$0x19F00] =	vst v63  }
0x73: {  	_ = 	snop  }
0x74: {  	[spmem:s3] =	stream.indirect.scatter.add.f32 [tilespmem:s26], [sflag:$0x5], $0x10, s31, s18, $0xb8;
	[tilespmem:$0x19F00] =	vst v63  }
0x75: {  	_ =	swait.ge [sflag:s30], $0x2000  }
0x76: {  	[sflag:s30] =	ssyncset.done $0x0  }
0x77: {  	[sflag:s30] =	ssyncadd.s32 $0xFFFFE000  }
0x78: {  	_ =	swait.ge [sflag:s30], $0x800  }
0x79: {  	[sflag:s30] =	ssyncset.done $0x0  }
0x7a: {  	s2 =	simm.s32 $0xD000;
	[sflag:s30] =	ssyncadd.s32 $0xFFFFF800  }
0x7b: {  	[tilespmem:s19], [sflag:$0x1] =	stream.indirect.gather [hbm4b:s5+s18], $0x40, s2, s18, $0xb8;
	[tilespmem:$0x19F00] =	vst v63  }
0x7c: {  	_ =	swait.ge [sflag:s0], $0x2000  }
0x7d: {  	[sflag:s0] =	ssyncset.done $0x0  }
0x7e: {  	s14 =	simm.s32 $0xCD80;
	[sflag:s0] =	ssyncadd.s32 $0xFFFFE000  }
0x7f: {  	[spmem:s1] =	stream.indirect.scatter.add.f32 [tilespmem:s21], [sflag:$0x6], $0x40, s14, s18, $0xb8;
	[tilespmem:$0x19F00] =	vst v63  }
0x80: {  	_ = 	snop  }
0x81: {  	[spmem:s3] =	stream.indirect.scatter.add.f32 [tilespmem:s26], [sflag:$0x6], $0x10, s14, s18, $0xb8;
	[tilespmem:$0x19F00] =	vst v63  }
0x82: {  	_ =	swait.ge [sflag:s20], $0x2000  }
0x83: {  	[sflag:s20] =	ssyncset.done $0x0  }
0x84: {  	[sflag:s20] =	ssyncadd.s32 $0xFFFFE000  }
0x85: {  	_ =	swait.ge [sflag:s20], $0x800  }
0x86: {  	[sflag:s20] =	ssyncset.done $0x0  }
0x87: {  	s15 =	simm.s32 $0xD100;
	[sflag:s20] =	ssyncadd.s32 $0xFFFFF800  }
0x88: {  	[tilespmem:s21], [sflag:$0x2] =	stream.indirect.gather [hbm4b:s5+s18], $0x40, s15, s18, $0xb8;
	[tilespmem:$0x19F00] =	vst v63  }
0x89: {  	_ =	swait.ge [sflag:s24], $0x2000  }
0x8a: {  	[sflag:s24] =	ssyncset.done $0x0  }
0x8b: {  	s29 =	simm.s32 $0xCE80;
	[sflag:s24] =	ssyncadd.s32 $0xFFFFE000  }
0x8c: {  	[spmem:s1] =	stream.indirect.scatter.add.f32 [tilespmem:s23], [sflag:$0x7], $0x40, s29, s18, $0xb8;
	[tilespmem:$0x19F00] =	vst v63  }
0x8d: {  	_ = 	snop  }
0x8e: {  	[spmem:s3] =	stream.indirect.scatter.add.f32 [tilespmem:s26], [sflag:$0x7], $0x10, s29, s18, $0xb8;
	[tilespmem:$0x19F00] =	vst v63  }
0x8f: {  	_ =	swait.ge [sflag:s22], $0x2000  }
0x90: {  	[sflag:s22] =	ssyncset.done $0x0  }
0x91: {  	[sflag:s22] =	ssyncadd.s32 $0xFFFFE000  }
0x92: {  	_ =	swait.ge [sflag:s22], $0x800  }
0x93: {  	s31 =	rddreg [dreg:$0x6];
	[sflag:s22] =	ssyncset.done $0x0  }
0x94: {  	p1 =	sle.u32 s31, $0xA;
	[sflag:s22] =	ssyncadd.s32 $0xFFFFF800  }
0x95: {  	s9 =	simm.s32 @!p1 $0x15700;
	s14 =	simm.s32 @!p1 $0xD200;
	s15 =	simm.s32 @!p1 $0x80  }
0x96: {  	[tilespmem:s9], [sflag:$0x3] =	stream.indirect.gather @!p1 [hbm4b:s5+s15], $0x40, s14, s15, $0xb8;
	[tilespmem:$0x19F00] =	vst v63  }
0x97: {  	_ =	swait.ge [sflag:s4], $0x2000  }
0x98: {  	s9 =	simm.s32 $0xCF80;
	[sflag:s4] =	ssyncset.done $0x0  }
0x99: {  	s14 =	simm.s32 $0x1000;
	s15 =	simm.s32 $0xE;
	[sflag:s4] =	ssyncadd.s32 $0xFFFFE000  }
0x9a: {  	[spmem:s1] =	stream.indirect.scatter.add.f32 [tilespmem:s25], [sflag:$0x8], $0x40, s9, s18, $0xb8;
	[tilespmem:$0x19F00] =	vst v63  }
.LBB2_2:
0x9b: {  	[spmem:s3] =	stream.indirect.scatter.add.f32 [tilespmem:s26], [sflag:$0x8], $0x10, s9, s18, $0xb8;
	[tilespmem:$0x19F00] =	vst v63  }
0x9c: {  	_ =	swait.ge [sflag:s7], $0x2000  }
0x9d: {  	[sflag:s7] =	ssyncset.done $0x0  }
0x9e: {  	[sflag:s7] =	ssyncadd.s32 $0xFFFFE000  }
0x9f: {  	s29 =	smov.u32 s14;
	_ =	swait.ge [sflag:s7], $0x800  }
0xa0: {  	s9 =	sshra.s32 s29, $0x2;
	[sflag:s7] =	ssyncset.done $0x0  }
0xa1: {  	s2 =	sadd.s32 $0xCF00, s9;
	[sflag:s7] =	ssyncadd.s32 $0xFFFFF800  }
0xa2: {  	[tilespmem:s25], [sflag:$0x4] =	stream.indirect.gather [hbm4b:s5+s18], $0x40, s2, s18, $0xb8;
	[tilespmem:$0x19F00] =	vst v63  }
0xa3: {  	_ =	swait.ge [sflag:s28], $0x2000  }
0xa4: {  	[sflag:s28] =	ssyncset.done $0x0  }
0xa5: {  	s31 =	sadd.s32 $0xCC80, s9;
	[sflag:s28] =	ssyncadd.s32 $0xFFFFE000  }
0xa6: {  	[spmem:s1] =	stream.indirect.scatter.add.f32 [tilespmem:s19], [sflag:$0x5], $0x40, s31, s18, $0xb8;
	[tilespmem:$0x19F00] =	vst v63  }
0xa7: {  	_ = 	snop  }
0xa8: {  	[spmem:s3] =	stream.indirect.scatter.add.f32 [tilespmem:s26], [sflag:$0x5], $0x10, s31, s18, $0xb8;
	[tilespmem:$0x19F00] =	vst v63  }
0xa9: {  	_ =	swait.ge [sflag:s30], $0x2000  }
0xaa: {  	[sflag:s30] =	ssyncset.done $0x0  }
0xab: {  	[sflag:s30] =	ssyncadd.s32 $0xFFFFE000  }
0xac: {  	_ =	swait.ge [sflag:s30], $0x800  }
0xad: {  	[sflag:s30] =	ssyncset.done $0x0  }
0xae: {  	s31 =	sadd.s32 $0xD000, s9;
	[sflag:s30] =	ssyncadd.s32 $0xFFFFF800  }
0xaf: {  	[tilespmem:s19], [sflag:$0x1] =	stream.indirect.gather [hbm4b:s5+s18], $0x40, s31, s18, $0xb8;
	[tilespmem:$0x19F00] =	vst v63  }
0xb0: {  	_ =	swait.ge [sflag:s0], $0x2000  }
0xb1: {  	[sflag:s0] =	ssyncset.done $0x0  }
0xb2: {  	s31 =	sadd.s32 $0xCD80, s9;
	[sflag:s0] =	ssyncadd.s32 $0xFFFFE000  }
0xb3: {  	[spmem:s1] =	stream.indirect.scatter.add.f32 [tilespmem:s21], [sflag:$0x6], $0x40, s31, s18, $0xb8;
	[tilespmem:$0x19F00] =	vst v63  }
0xb4: {  	_ = 	snop  }
0xb5: {  	[spmem:s3] =	stream.indirect.scatter.add.f32 [tilespmem:s26], [sflag:$0x6], $0x10, s31, s18, $0xb8;
	[tilespmem:$0x19F00] =	vst v63  }
0xb6: {  	_ =	swait.ge [sflag:s20], $0x2000  }
0xb7: {  	[sflag:s20] =	ssyncset.done $0x0  }
0xb8: {  	[sflag:s20] =	ssyncadd.s32 $0xFFFFE000  }
0xb9: {  	_ =	swait.ge [sflag:s20], $0x800  }
0xba: {  	[sflag:s20] =	ssyncset.done $0x0  }
0xbb: {  	s31 =	sadd.s32 $0xD100, s9;
	[sflag:s20] =	ssyncadd.s32 $0xFFFFF800  }
0xbc: {  	[tilespmem:s21], [sflag:$0x2] =	stream.indirect.gather [hbm4b:s5+s18], $0x40, s31, s18, $0xb8;
	[tilespmem:$0x19F00] =	vst v63  }
0xbd: {  	_ =	swait.ge [sflag:s24], $0x2000  }
0xbe: {  	[sflag:s24] =	ssyncset.done $0x0  }
0xbf: {  	s31 =	sadd.s32 $0xCE80, s9;
	[sflag:s24] =	ssyncadd.s32 $0xFFFFE000  }
0xc0: {  	[spmem:s1] =	stream.indirect.scatter.add.f32 [tilespmem:s23], [sflag:$0x7], $0x40, s31, s18, $0xb8;
	[tilespmem:$0x19F00] =	vst v63  }
0xc1: {  	_ = 	snop  }
0xc2: {  	[spmem:s3] =	stream.indirect.scatter.add.f32 [tilespmem:s26], [sflag:$0x7], $0x10, s31, s18, $0xb8;
	[tilespmem:$0x19F00] =	vst v63  }
0xc3: {  	_ =	swait.ge [sflag:s22], $0x2000  }
0xc4: {  	[sflag:s22] =	ssyncset.done $0x0  }
0xc5: {  	[sflag:s22] =	ssyncadd.s32 $0xFFFFE000  }
0xc6: {  	_ =	swait.ge [sflag:s22], $0x800  }
0xc7: {  	s31 =	rddreg [dreg:$0x6]  }
0xc8: {  	s14 =	sadd.s32 $0x1000, s14;
	[sflag:s22] =	ssyncset.done $0x0;
	p2 =	sge.u32 s15, s31  }
0xc9: {  	p1 =	sne.s32 s14, $0x12000;
	[sflag:s22] =	ssyncadd.s32 $0xFFFFF800;
	s2 =	sshra.s32 @!p2 s29, $0x2  }
0xca: {  	s29 =	simm.s32 @!p2 $0x15700;
	s31 =	simm.s32 @!p2 $0x80;
	s2 =	sadd.s32 @!p2 $0xD200, s2  }
0xcb: {  	[tilespmem:s29], [sflag:$0x3] =	stream.indirect.gather @!p2 [hbm4b:s5+s31], $0x40, s2, s31, $0xb8;
	[tilespmem:$0x19F00] =	vst v63  }
.Ltmp0:
0xcc: {  	_ = 	snop;
	(pc) =	sbr.rel @p1 .LBB2_2-.Ltmp0, $4  }
0xcd: {  	_ =	swait.ge [sflag:s4], $0x2000  }
0xce: {  	[sflag:s4] =	ssyncset.done $0x0  }
0xcf: {  	s9 =	sadd.s32 $0xCF80, s9;
	s15 =	sadd.s32 $0x4, s15;
	[sflag:s4] =	ssyncadd.s32 $0xFFFFE000  }
0xd0: {  	[spmem:s1] =	stream.indirect.scatter.add.f32 [tilespmem:s25], [sflag:$0x8], $0x40, s9, s18, $0xb8;
	[tilespmem:$0x19F00] =	vst v63  }
0xd1: {  	[spmem:s3] =	stream.indirect.scatter.add.f32 [tilespmem:s26], [sflag:$0x8], $0x10, s9, s18, $0xb8;
	[tilespmem:$0x19F00] =	vst v63  }
0xd2: {  	_ =	swait.ge [sflag:s7], $0x2000  }
0xd3: {  	[sflag:s7] =	ssyncset.done $0x0  }
0xd4: {  	[sflag:s7] =	ssyncadd.s32 $0xFFFFE000  }
0xd5: {  	_ =	swait.ge [sflag:s7], $0x800  }
0xd6: {  	[sflag:s7] =	ssyncset.done $0x0  }
0xd7: {  	[sflag:s7] =	ssyncadd.s32 $0xFFFFF800  }
0xd8: {  	_ =	swait.ge [sflag:s28], $0x2000  }
0xd9: {  	[sflag:s28] =	ssyncset.done $0x0  }
0xda: {  	[sflag:s28] =	ssyncadd.s32 $0xFFFFE000  }
0xdb: {  	[spmem:s1] =	stream.indirect.scatter.add.f32 [tilespmem:s19], [sflag:$0x5], $0x40, s8, s18, $0xb8;
	[tilespmem:$0x19F00] =	vst v63  }
0xdc: {  	_ = 	snop  }
0xdd: {  	[spmem:s3] =	stream.indirect.scatter.add.f32 [tilespmem:s26], [sflag:$0x5], $0x10, s8, s18, $0xb8;
	[tilespmem:$0x19F00] =	vst v63  }
0xde: {  	_ =	swait.ge [sflag:s30], $0x2000  }
0xdf: {  	[sflag:s30] =	ssyncset.done $0x0  }
0xe0: {  	[sflag:s30] =	ssyncadd.s32 $0xFFFFE000  }
0xe1: {  	_ =	swait.ge [sflag:s30], $0x800  }
0xe2: {  	[sflag:s30] =	ssyncset.done $0x0  }
0xe3: {  	[sflag:s30] =	ssyncadd.s32 $0xFFFFF800  }
0xe4: {  	_ =	swait.ge [sflag:s0], $0x2000  }
0xe5: {  	[sflag:s0] =	ssyncset.done $0x0  }
0xe6: {  	[sflag:s0] =	ssyncadd.s32 $0xFFFFE000  }
0xe7: {  	[spmem:s1] =	stream.indirect.scatter.add.f32 [tilespmem:s21], [sflag:$0x6], $0x40, s10, s18, $0xb8;
	[tilespmem:$0x19F00] =	vst v63  }
0xe8: {  	_ = 	snop  }
0xe9: {  	[spmem:s3] =	stream.indirect.scatter.add.f32 [tilespmem:s26], [sflag:$0x6], $0x10, s10, s18, $0xb8;
	[tilespmem:$0x19F00] =	vst v63  }
0xea: {  	_ =	swait.ge [sflag:s20], $0x2000  }
0xeb: {  	[sflag:s20] =	ssyncset.done $0x0  }
0xec: {  	[sflag:s20] =	ssyncadd.s32 $0xFFFFE000  }
0xed: {  	_ =	swait.ge [sflag:s20], $0x800  }
0xee: {  	[sflag:s20] =	ssyncset.done $0x0  }
0xef: {  	s2 =	simm.s32 @!p0 $0x3;
	[sflag:s20] =	ssyncadd.s32 $0xFFFFF800  }
0xf0: {  	_ =	swait.ge @!p0 [sflag:s2], $0x2000  }
0xf1: {  	s9 =	simm.s32 @!p0 $0x11680;
	[sflag:s2] =	ssyncset.done @!p0 $0x0  }
0xf2: {  	s14 =	simm.s32 @!p0 $0x15700;
	[sflag:s2] =	ssyncadd.s32 @!p0 $0xFFFFE000;
	s2 =	simm.s32 @!p0 $0x80  }
0xf3: {  	[spmem:s1] =	stream.indirect.scatter.add.f32 @!p0 [tilespmem:s14], [sflag:$0x7], $0x40, s9, s2, $0xb8;
	[tilespmem:$0x19F00] =	vst v63  }
0xf4: {  	s14 =	simm.s32 @!p0 $0x19700  }
0xf5: {  	[spmem:s3] =	stream.indirect.scatter.add.f32 @!p0 [tilespmem:s14], [sflag:$0x7], $0x10, s9, s2, $0xb8;
	[tilespmem:$0x19F00] =	vst v63  }
0xf6: {  	s2 =	simm.s32 @!p0 $0x7  }
0xf7: {  	_ =	swait.ge @!p0 [sflag:s2], $0x2000  }
0xf8: {  	[sflag:s2] =	ssyncset.done @!p0 $0x0  }
0xf9: {  	[sflag:s2] =	ssyncadd.s32 @!p0 $0xFFFFE000  }
0xfa: {  	_ =	swait.ge @!p0 [sflag:s2], $0x800  }
0xfb: {  	[sflag:s2] =	ssyncset.done @!p0 $0x0  }
0xfc: {  	[sflag:s2] =	ssyncadd.s32 @!p0 $0xFFFFF800  }
0xfd: {  	[bflag:$0x0] =	sbarrier.arrive $0xFFFF  }
0xfe: {  	s15 =	rddreg [dreg:$0xe]  }
0xff: {  	[hbm:s15], [sflag:s12] =	dma.local [spmem:s16], $0x1400  }
0x100: {  	_ =	swait.ge [sflag:s17], $0x1400  }
0x101: {  	[sflag:s17] =	ssyncset.done $0x0  }
0x102: {  	s29 =	rddreg [dreg:$0xf];
	[sflag:s17] =	ssyncadd.s32 $0xFFFFEC00  }
0x103: {  	[hbm:s29], [sflag:s12] =	dma.local [spmem:s13], $0x500  }
0x104: {  	_ =	swait.ge [sflag:s17], $0x500  }
0x105: {  	s11 =	sadd.s32 $0x1, s11;
	s31 =	rddreg [dreg:$0x10]  }
0x106: {  	p1 =	sne.s32 s11, s31  }
.Ltmp1:
0x107: {  	_ = 	snop;
	(pc) =	sbr.rel @p1 .LBB2_1-.Ltmp1, $3  }
0x108: {  	_ =	sdelay $0x1  }
0x109: {  	[sflag:s17] =	ssyncset.done $0x0  }
0x10a: {  	[sflag:s17] =	ssyncadd.s32 $0xFFFFFB00  }
0x10b: {  	_ =	sfence.sel $0x180000  }
0x10c: {  	[bflag:$0x0] =	sbarrier.arrive $0xFFFF  }
0x10d: {  	_ =	strace $0x90000047  }
0x10e: {  	s0 =	stileid.u32;
	[bflag:$0x2] =	sbarrier.arrive $0xFFFF  }
0x10f: {  	p0 =	sne.s32 s0, $0x0;
	s0 =	rddreg [dreg:$0x5]  }
0x110: {  	s0 =	sadd.s32 @!p0 $0x100000, s0  }
0x111: {  	[sflag:s0] =	ssyncadd.tile.s32 @!p0 $0x1;
	_ =	shalt  }
.Lfunc_end2:
_tile_overlayer_lowered:
.L_overlay_start_2:
0x112: {  	(tag) =	ssettag $0x2  }
0x113: {  	s0 =	rddreg [dreg:$0x0];
	s2 =	stileid.u32  }
0x114: {  	s1 =	rddreg [dreg:$0x1];
	p0 =	sne.s32 s2, $0x0  }
0x115: {  	s3 =	rddreg [dreg:$0x2];
	[bflag:$0x3] =	sbarrier.arrive $0xFFFF;
	s2 =	simm.s32 @!p0 $0x1C09  }
0x116: {  	[timem:s3], [sflag:s2] =	dma.local @!p0 [hbm:s0], s1  }
0x117: {  	s0 =	simm.s32 @!p0 $0x9  }
0x118: {  	_ =	swait.ge @!p0 [sflag:s0], s1  }
0x119: {  	s1 =	ssub.s32 @!p0 $0x0, s1;
	[sflag:s0] =	ssyncset.done @!p0 $0x0  }
0x11a: {  	[sflag:s0] =	ssyncadd.s32 @!p0 s1  }
0x11b: {  	[bflag:$0x3] =	sbarrier.arrive $0xFFFF  }
0x11c: {  	_ =	shalt  }

</sc_bundles>
